<compile_context>
chip_gen: v7x
topology: tpu7x:2x2x1
jax: 0.10.2.dev20260603
libtpu: 0.0.44.dev20260713+nightly
codegen_flags: <defaults>
</compile_context>

<pallas_src>
import functools

import jax
import jax.numpy as jnp
from jax import lax
from jax.experimental import pallas as pl
from jax.experimental.pallas import tpu as pltpu
from jax.experimental.pallas import tpu_sc as plsc

N = 10000
NP = 10240
E = 320000
EP = 327680
D = 128
NSC = 2
NTEC = 16
ROWS_PER_TILE = NP // NTEC
ECHUNK = 128
EROWS = EP // ECHUNK
CHUNKS_PER_TILE = EROWS // (NSC * NTEC)
IDXROWS_PER_TILE_DEG = EROWS // NTEC


def _deg_body(e_hbm, out_hbm, idx_b, zb, ones_b, deg_sh, *sems):
    c = lax.axis_index("c")
    s = lax.axis_index("s")
    zv = jnp.zeros((16,), jnp.float32)
    ov = jnp.ones((16,), jnp.float32)

    def fill_z(i, _):
        zb[pl.ds(i * 16, 16)] = zv
        return 0

    lax.fori_loop(0, ROWS_PER_TILE // 16, fill_z, 0)
    for i in range(ECHUNK // 16):
        ones_b[pl.ds(i * 16, 16)] = ov

    pltpu.sync_copy(zb, deg_sh.at[pl.ds(s * ROWS_PER_TILE, ROWS_PER_TILE)])
    plsc.subcore_barrier()

    pltpu.sync_copy(
        e_hbm.at[c, pl.ds(s * IDXROWS_PER_TILE_DEG, IDXROWS_PER_TILE_DEG)],
        idx_b)

    nd = len(sems)
    for b in range(nd):
        pltpu.async_copy(ones_b, deg_sh.at[idx_b.at[b]], sems[b], add=True)

    def body(k, _):
        for b in range(nd):
            j = nd * k + b
            pltpu.make_async_copy(ones_b, deg_sh.at[idx_b.at[j]],
                                  sems[b]).wait()

            @pl.when(j + nd < IDXROWS_PER_TILE_DEG)
            def _():
                pltpu.async_copy(ones_b, deg_sh.at[idx_b.at[j + nd]],
                                 sems[b], add=True)

        return 0

    lax.fori_loop(0, IDXROWS_PER_TILE_DEG // nd, body, 0)
    plsc.subcore_barrier()
    pltpu.sync_copy(
        deg_sh.at[pl.ds(s * ROWS_PER_TILE, ROWS_PER_TILE)],
        out_hbm.at[pl.ds(c * NP + s * ROWS_PER_TILE, ROWS_PER_TILE)],
    )


def _agg_body(z_hbm, e_hbm, out0, out1, sidx, didx, rba, rbb, zb,
              acc, gsa, gsb):
    c = lax.axis_index("c")
    s = lax.axis_index("s")
    wid = c * NTEC + s
    zv = jnp.zeros((16,), jnp.float32)

    half = CHUNKS_PER_TILE // 2

    pltpu.async_copy(
        e_hbm.at[0, pl.ds(wid * CHUNKS_PER_TILE, half)], sidx, gsa)
    pltpu.async_copy(
        e_hbm.at[1, pl.ds(wid * CHUNKS_PER_TILE, half)], didx, gsb)

    def fill_z(r, _):
        for i in range(D // 16):
            zb[r, pl.ds(i * 16, 16)] = zv
        return 0

    lax.fori_loop(0, 16, fill_z, 0)

    def zero_acc(t, _):
        pltpu.sync_copy(zb, acc.at[pl.ds(s * ROWS_PER_TILE + t * 16, 16)])
        return 0

    lax.fori_loop(0, ROWS_PER_TILE // 16, zero_acc, 0)
    plsc.subcore_barrier()

    for h in range(2):
        if h == 0:
            pltpu.make_async_copy(
                e_hbm.at[0, pl.ds(wid * CHUNKS_PER_TILE, half)], sidx,
                gsa).wait()
            pltpu.make_async_copy(
                e_hbm.at[1, pl.ds(wid * CHUNKS_PER_TILE, half)], didx,
                gsb).wait()
        else:
            pltpu.sync_copy(
                e_hbm.at[0, pl.ds(wid * CHUNKS_PER_TILE + h * half, half)],
                sidx)
            pltpu.sync_copy(
                e_hbm.at[1, pl.ds(wid * CHUNKS_PER_TILE + h * half, half)],
                didx)

        pltpu.async_copy(z_hbm.at[sidx.at[0]], rba, gsa)
        pltpu.async_copy(z_hbm.at[sidx.at[1]], rbb, gsb)

        def body(k, _):
            j0 = 2 * k
            j1 = 2 * k + 1
            pltpu.make_async_copy(z_hbm.at[sidx.at[j0]], rba, gsa).wait()
            pltpu.sync_copy(rba, acc.at[didx.at[j0]], add=True)

            @pl.when(j0 + 2 < half)
            def _():
                pltpu.async_copy(z_hbm.at[sidx.at[j0 + 2]], rba, gsa)

            pltpu.make_async_copy(z_hbm.at[sidx.at[j1]], rbb, gsb).wait()
            pltpu.sync_copy(rbb, acc.at[didx.at[j1]], add=True)

            @pl.when(j1 + 2 < half)
            def _():
                pltpu.async_copy(z_hbm.at[sidx.at[j1 + 2]], rbb, gsb)

            return 0

        lax.fori_loop(0, half // 2, body, 0)
    plsc.subcore_barrier()

    @pl.when(c == 0)
    def _():
        pltpu.sync_copy(acc.at[pl.ds(s * ROWS_PER_TILE, ROWS_PER_TILE)],
                        out0.at[pl.ds(s * ROWS_PER_TILE, ROWS_PER_TILE)])

    @pl.when(c == 1)
    def _():
        pltpu.sync_copy(acc.at[pl.ds(s * ROWS_PER_TILE, ROWS_PER_TILE)],
                        out1.at[pl.ds(s * ROWS_PER_TILE, ROWS_PER_TILE)])


@functools.cache
def _sc_kernels():
    mesh = plsc.VectorSubcoreMesh(core_axis_name="c", subcore_axis_name="s")
    deg = pl.kernel(
        _deg_body,
        mesh=mesh,
        out_type=jax.ShapeDtypeStruct((2 * NP,), jnp.float32),
        scratch_types=[
            pltpu.VMEM((IDXROWS_PER_TILE_DEG, ECHUNK), jnp.int32),
            pltpu.VMEM((ROWS_PER_TILE,), jnp.float32),
            pltpu.VMEM((ECHUNK,), jnp.float32),
            pltpu.VMEM_SHARED((NP,), jnp.float32),
        ] + [pltpu.SemaphoreType.DMA] * 4,
    )
    agg = pl.kernel(
        _agg_body,
        mesh=mesh,
        out_type=[
            jax.ShapeDtypeStruct((NP, D), jnp.float32),
            jax.ShapeDtypeStruct((NP, D), jnp.float32),
        ],
        scratch_types=[
            pltpu.VMEM((CHUNKS_PER_TILE // 2, ECHUNK), jnp.int32),
            pltpu.VMEM((CHUNKS_PER_TILE // 2, ECHUNK), jnp.int32),
            pltpu.VMEM((ECHUNK, D), jnp.float32),
            pltpu.VMEM((ECHUNK, D), jnp.float32),
            pltpu.VMEM((16, D), jnp.float32),
            pltpu.VMEM_SHARED((NP, D), jnp.float32),
            pltpu.SemaphoreType.DMA,
            pltpu.SemaphoreType.DMA,
        ],
    )
    return deg, agg


def _norm_of(deg):
    return jnp.where(deg > 0, lax.rsqrt(jnp.maximum(deg, 1.0)), 0.0)


_BR = 2048
_BG = _BR // D


def _prep1_body(dego_ref, degi_ref, x_ref, w_ref, z_ref, on_ref, in_ref):
    on = _norm_of(dego_ref[...])
    inn = _norm_of(degi_ref[...])
    on_ref[...] = on
    in_ref[...] = inn
    xs = (x_ref[...] * on[:, :, None]).reshape(_BR, D)
    z_ref[...] = jnp.dot(xs, w_ref[...], preferred_element_type=jnp.float32)


def _prep2_body(a_ref, b_ref, in_ref, on_ref, b1_ref, w_ref, z_ref):
    h = jnp.maximum(
        in_ref[...][:, :, None] * (a_ref[...] + b_ref[...])
        + b1_ref[...].reshape(1, 1, D),
        0.0,
    )
    hs = (h * on_ref[...][:, :, None]).reshape(_BR, D)
    z_ref[...] = jnp.dot(hs, w_ref[...], preferred_element_type=jnp.float32)


def _finish_body(a_ref, b_ref, in_ref, b2_ref, o_ref):
    o = (in_ref[...][:, :, None] * (a_ref[...] + b_ref[...])
         + b2_ref[...].reshape(1, 1, D))
    o_ref[...] = o.reshape(_BR, D)


_V_SPEC = pl.BlockSpec((_BG, D), lambda i: (i, 0))
_M3_SPEC = pl.BlockSpec((_BG, D, D), lambda i: (i, 0, 0))
_M2_SPEC = pl.BlockSpec((_BR, D), lambda i: (i, 0))
_W_SPEC = pl.BlockSpec((D, D), lambda i: (0, 0))
_B_SPEC = pl.BlockSpec((1, D), lambda i: (0, 0))


def _prep1(dego, degi, x3, w1):
    return pl.pallas_call(
        _prep1_body,
        grid=(NP // _BR,),
        in_specs=[_V_SPEC, _V_SPEC, _M3_SPEC, _W_SPEC],
        out_specs=[_M2_SPEC, _V_SPEC, _V_SPEC],
        out_shape=[
            jax.ShapeDtypeStruct((NP, D), jnp.float32),
            jax.ShapeDtypeStruct((NP // D, D), jnp.float32),
            jax.ShapeDtypeStruct((NP // D, D), jnp.float32),
        ],
    )(dego, degi, x3, w1)


def _prep2(a3, b3, inorm, onorm, b1, w2):
    return pl.pallas_call(
        _prep2_body,
        grid=(NP // _BR,),
        in_specs=[_M3_SPEC, _M3_SPEC, _V_SPEC, _V_SPEC, _B_SPEC, _W_SPEC],
        out_specs=_M2_SPEC,
        out_shape=jax.ShapeDtypeStruct((NP, D), jnp.float32),
    )(a3, b3, inorm, onorm, b1, w2)


def _finish(a3, b3, inorm, b2):
    return pl.pallas_call(
        _finish_body,
        grid=(NP // _BR,),
        in_specs=[_M3_SPEC, _M3_SPEC, _V_SPEC, _B_SPEC],
        out_specs=_M2_SPEC,
        out_shape=jax.ShapeDtypeStruct((N, D), jnp.float32),
    )(a3, b3, inorm, b2)


def kernel(x, edge_index, W1, b1, W2, b2):
    ei = edge_index.astype(jnp.int32)
    pad_ids = N + (jnp.arange(EP - E, dtype=jnp.int32) % 128)
    pad2 = jnp.broadcast_to(pad_ids, (2, EP - E))
    ep3 = jnp.concatenate([ei, pad2], axis=1).reshape(2, EROWS, ECHUNK)
    x3 = jnp.pad(x, ((0, NP - N), (0, 0))).reshape(NP // D, D, D)

    deg_k, agg_k = _sc_kernels()
    degflat = deg_k(ep3)
    degmat = degflat.reshape(2 * NP // D, D)
    dego = degmat[: NP // D]
    degi = degmat[NP // D:]

    z1, onorm, inorm = _prep1(dego, degi, x3, W1)
    a1, b1_ = agg_k(z1, ep3)
    z2 = _prep2(a1.reshape(NP // D, D, D), b1_.reshape(NP // D, D, D),
                inorm, onorm, b1.reshape(1, D), W2)
    a2, b2_ = agg_k(z2, ep3)
    return _finish(a2.reshape(NP // D, D, D), b2_.reshape(NP // D, D, D),
                   inorm, b2.reshape(1, D))

# --- scband reference (transcript-rebuilt; emitter-appended) ---
"""Pipeline reference for scband-gnn-9225589752460 (READ-ONLY COPY).

The authoritative reference and input builder live on the scoring server;
editing this copy changes nothing except your own understanding.
"""

import jax, jax.numpy as jnp
import numpy as np

N_NODES = 10000
N_EDGES = 320000
D_IN = 128
D_HID = 128
D_OUT = 128


def setup_inputs(seed: int = 0) -> dict:
    key = jax.random.key(seed)
    k1, k2, k3, k4, k5 = jax.random.split(key, 5)
    x = jax.random.normal(k1, (N_NODES, D_IN), dtype=jnp.float32)
    edge_index = jax.random.randint(k2, (2, N_EDGES), 0, N_NODES, dtype=jnp.int64)
    # GraphConv parameters (glorot-style init)
    W1 = jax.random.normal(k3, (D_IN, D_HID), dtype=jnp.float32) * (1.0 / np.sqrt(D_IN))
    b1 = jnp.zeros((D_HID,), dtype=jnp.float32)
    W2 = jax.random.normal(k4, (D_HID, D_OUT), dtype=jnp.float32) * (1.0 / np.sqrt(D_HID))
    b2 = jnp.zeros((D_OUT,), dtype=jnp.float32)
    return {"x": x, "edge_index": edge_index, "W1": W1, "b1": b1, "W2": W2, "b2": b2}


def _graph_conv(h, W, b, src, dst, out_norm, in_norm, n_nodes):
    # DGL GraphConv with norm='both': D_dst^{-1/2} A D_src^{-1/2} H W + b
    h = h * out_norm[:, None]
    msg = jnp.take(h, src, axis=0)                 # gather over edges
    agg = jnp.zeros((n_nodes, h.shape[1]), dtype=h.dtype).at[dst].add(msg)  # scatter-add
    agg = agg * in_norm[:, None]
    return agg @ W + b


def reference(x, edge_index, W1, b1, W2, b2):
    src = edge_index[0]
    dst = edge_index[1]
    out_deg = jnp.bincount(src, length=N_NODES).astype(jnp.float32)
    in_deg = jnp.bincount(dst, length=N_NODES).astype(jnp.float32)
    out_norm = jnp.where(out_deg > 0, jax.lax.rsqrt(jnp.maximum(out_deg, 1.0)), 0.0)
    in_norm = jnp.where(in_deg > 0, jax.lax.rsqrt(jnp.maximum(in_deg, 1.0)), 0.0)
    h = _graph_conv(x, W1, b1, src, dst, out_norm, in_norm, N_NODES)
    h = jax.nn.relu(h)
    h = _graph_conv(h, W2, b2, src, dst, out_norm, in_norm, N_NODES)
    return h

if __name__ == "__main__":
    import jax
    _d = setup_inputs()
    print(jax.jit(kernel)(*tuple(_d.values())))

</pallas_src>

<mosaic_0001>
#map = affine_map<(d0, d1) -> (0, 0, 0)>
#map1 = affine_map<(d0, d1) -> (0)>
module attributes {stable_mosaic.version = 14 : i64} {
  func.func @_deg_body(%arg0: i32, %arg1: i32, %arg2: memref<2x2560x128xi32, #tpu.memory_space<hbm>>, %arg3: memref<20480xf32, #tpu.memory_space<hbm>>, %arg4: memref<160x128xi32, #tpu.memory_space<vmem>>, %arg5: memref<640xf32, #tpu.memory_space<vmem>>, %arg6: memref<128xf32, #tpu.memory_space<vmem>>, %arg7: memref<10240xf32, #tpu.memory_space<vmem_shared>>, %arg8: memref<!tpu.dma_semaphore, #tpu.memory_space<semaphore_mem>>, %arg9: memref<!tpu.dma_semaphore, #tpu.memory_space<semaphore_mem>>, %arg10: memref<!tpu.dma_semaphore, #tpu.memory_space<semaphore_mem>>, %arg11: memref<!tpu.dma_semaphore, #tpu.memory_space<semaphore_mem>>) attributes {dimension_semantics = [#tpu.dimension_semantics<core_parallel>, #tpu.dimension_semantics<subcore_parallel>], iteration_bounds = array<i64: 2, 16>, scalar_prefetch = 0 : i64, scratch_operands = 8 : i64, tpu.core_type = #tpu.core_type<sc_vector_subcore>, window_params = [{transform_indices = #map}, {transform_indices = #map1}]} {
    %broadcast_in_dim3A = arith.constant 0.000000e+00 : f32
    %broadcast_in_dim3A_0 = vector.broadcast %broadcast_in_dim3A : f32 to vector<16xf32>
    %broadcast_in_dim3A_1 = arith.constant 1.000000e+00 : f32
    %broadcast_in_dim3A_2 = vector.broadcast %broadcast_in_dim3A_1 : f32 to vector<16xf32>
    %scan3A = arith.constant 0 : i32
    %scan3A_3 = arith.constant 0 : i32
    %scan3A_4 = arith.constant 40 : i32
    %scan3A_5 = arith.addi %scan3A_3, %scan3A_4 : i32
    %scan3A_6 = arith.constant 1 : i32
    %scan3A_7 = scf.for %scan3A_80 = %scan3A_3 to %scan3A_5 step %scan3A_6 iter_args(%scan3A_81 = %scan3A) -> (i32)  : i32 {
      %mul3A_82 = arith.constant 16 : i32
      %mul3A_83 = arith.muli %scan3A_80, %mul3A_82 : i32
      %swap3A_84 = arith.index_cast %mul3A_83 : i32 to index
      %swap3A_85 = tpu.vector_load %arg5[%swap3A_84] {strides = array<i32>} : memref<640xf32, #tpu.memory_space<vmem>>, vector<16xf32>,
      %swap3A_86 = vector.shape_cast %swap3A_85 : vector<16xf32> to vector<16xf32>
      %swap3A_87 = vector.shape_cast %broadcast_in_dim3A_0 : vector<16xf32> to vector<16xf32>
      tpu.vector_store %arg5[%swap3A_84], %swap3A_87 {strides = array<i32>} : memref<640xf32, #tpu.memory_space<vmem>>, vector<16xf32>,
      %scan3A_88 = arith.constant 0 : i32
      scf.yield %scan3A_88 : i32
    }
    %scan3A_8 = arith.constant 40 : i32
    %swap3A = arith.constant 0 : index
    %swap3A_9 = tpu.vector_load %arg6[%swap3A] {strides = array<i32>} : memref<128xf32, #tpu.memory_space<vmem>>, vector<16xf32>,
    %swap3A_10 = vector.shape_cast %swap3A_9 : vector<16xf32> to vector<16xf32>
    %swap3A_11 = vector.shape_cast %broadcast_in_dim3A_2 : vector<16xf32> to vector<16xf32>
    tpu.vector_store %arg6[%swap3A], %swap3A_11 {strides = array<i32>} : memref<128xf32, #tpu.memory_space<vmem>>, vector<16xf32>,
    %swap3A_12 = arith.constant 16 : index
    %swap3A_13 = tpu.vector_load %arg6[%swap3A_12] {strides = array<i32>} : memref<128xf32, #tpu.memory_space<vmem>>, vector<16xf32>,
    %swap3A_14 = vector.shape_cast %swap3A_13 : vector<16xf32> to vector<16xf32>
    %swap3A_15 = vector.shape_cast %broadcast_in_dim3A_2 : vector<16xf32> to vector<16xf32>
    tpu.vector_store %arg6[%swap3A_12], %swap3A_15 {strides = array<i32>} : memref<128xf32, #tpu.memory_space<vmem>>, vector<16xf32>,
    %swap3A_16 = arith.constant 32 : index
    %swap3A_17 = tpu.vector_load %arg6[%swap3A_16] {strides = array<i32>} : memref<128xf32, #tpu.memory_space<vmem>>, vector<16xf32>,
    %swap3A_18 = vector.shape_cast %swap3A_17 : vector<16xf32> to vector<16xf32>
    %swap3A_19 = vector.shape_cast %broadcast_in_dim3A_2 : vector<16xf32> to vector<16xf32>
    tpu.vector_store %arg6[%swap3A_16], %swap3A_19 {strides = array<i32>} : memref<128xf32, #tpu.memory_space<vmem>>, vector<16xf32>,
    %swap3A_20 = arith.constant 48 : index
    %swap3A_21 = tpu.vector_load %arg6[%swap3A_20] {strides = array<i32>} : memref<128xf32, #tpu.memory_space<vmem>>, vector<16xf32>,
    %swap3A_22 = vector.shape_cast %swap3A_21 : vector<16xf32> to vector<16xf32>
    %swap3A_23 = vector.shape_cast %broadcast_in_dim3A_2 : vector<16xf32> to vector<16xf32>
    tpu.vector_store %arg6[%swap3A_20], %swap3A_23 {strides = array<i32>} : memref<128xf32, #tpu.memory_space<vmem>>, vector<16xf32>,
    %swap3A_24 = arith.constant 64 : index
    %swap3A_25 = tpu.vector_load %arg6[%swap3A_24] {strides = array<i32>} : memref<128xf32, #tpu.memory_space<vmem>>, vector<16xf32>,
    %swap3A_26 = vector.shape_cast %swap3A_25 : vector<16xf32> to vector<16xf32>
    %swap3A_27 = vector.shape_cast %broadcast_in_dim3A_2 : vector<16xf32> to vector<16xf32>
    tpu.vector_store %arg6[%swap3A_24], %swap3A_27 {strides = array<i32>} : memref<128xf32, #tpu.memory_space<vmem>>, vector<16xf32>,
    %swap3A_28 = arith.constant 80 : index
    %swap3A_29 = tpu.vector_load %arg6[%swap3A_28] {strides = array<i32>} : memref<128xf32, #tpu.memory_space<vmem>>, vector<16xf32>,
    %swap3A_30 = vector.shape_cast %swap3A_29 : vector<16xf32> to vector<16xf32>
    %swap3A_31 = vector.shape_cast %broadcast_in_dim3A_2 : vector<16xf32> to vector<16xf32>
    tpu.vector_store %arg6[%swap3A_28], %swap3A_31 {strides = array<i32>} : memref<128xf32, #tpu.memory_space<vmem>>, vector<16xf32>,
    %swap3A_32 = arith.constant 96 : index
    %swap3A_33 = tpu.vector_load %arg6[%swap3A_32] {strides = array<i32>} : memref<128xf32, #tpu.memory_space<vmem>>, vector<16xf32>,
    %swap3A_34 = vector.shape_cast %swap3A_33 : vector<16xf32> to vector<16xf32>
    %swap3A_35 = vector.shape_cast %broadcast_in_dim3A_2 : vector<16xf32> to vector<16xf32>
    tpu.vector_store %arg6[%swap3A_32], %swap3A_35 {strides = array<i32>} : memref<128xf32, #tpu.memory_space<vmem>>, vector<16xf32>,
    %swap3A_36 = arith.constant 112 : index
    %swap3A_37 = tpu.vector_load %arg6[%swap3A_36] {strides = array<i32>} : memref<128xf32, #tpu.memory_space<vmem>>, vector<16xf32>,
    %swap3A_38 = vector.shape_cast %swap3A_37 : vector<16xf32> to vector<16xf32>
    %swap3A_39 = vector.shape_cast %broadcast_in_dim3A_2 : vector<16xf32> to vector<16xf32>
    tpu.vector_store %arg6[%swap3A_36], %swap3A_39 {strides = array<i32>} : memref<128xf32, #tpu.memory_space<vmem>>, vector<16xf32>,
    %mul3A = arith.constant 640 : i32
    %mul3A_40 = arith.muli %arg1, %mul3A : i32
    "tpu.region"() ({
      %run_scoped3A = tpu.sem_alloc : memref<!tpu.dma_semaphore, #tpu.memory_space<semaphore_mem>>
      %dma_start3A_80 = tpu.memref_slice %arg7[%mul3A_40] : memref<10240xf32, #tpu.memory_space<vmem_shared>> -> memref<640xf32, #tpu.memory_space<vmem_shared>>
      %dma_start3A_81 = tpu.memref_slice %arg7[%mul3A_40] : memref<10240xf32, #tpu.memory_space<vmem_shared>> -> memref<640xf32, #tpu.memory_space<vmem_shared>>
      tpu.enqueue_dma source(%arg5 : memref<640xf32, #tpu.memory_space<vmem>>) target(%dma_start3A_81 : memref<640xf32, #tpu.memory_space<vmem_shared>>) target_semaphore(%run_scoped3A : memref<!tpu.dma_semaphore, #tpu.memory_space<semaphore_mem>>)
      %dma_wait3A = tpu.memref_slice %arg7[%mul3A_40] : memref<10240xf32, #tpu.memory_space<vmem_shared>> -> memref<640xf32, #tpu.memory_space<vmem_shared>>
      %dma_wait3A_82 = tpu.memref_slice %arg7[%mul3A_40] : memref<10240xf32, #tpu.memory_space<vmem_shared>> -> memref<640xf32, #tpu.memory_space<vmem_shared>>
      tpu.wait_dma2 semaphore(%run_scoped3A : memref<!tpu.dma_semaphore, #tpu.memory_space<semaphore_mem>>) src(%arg5 : memref<640xf32, #tpu.memory_space<vmem>>) dst(%dma_wait3A_82 : memref<640xf32, #tpu.memory_space<vmem_shared>>)
      tpu.yield
    }) : () -> ()
    %barrier3A = arith.constant 0 : index
    tpu.barrier barrier_id(%barrier3A)
    %mul3A_41 = arith.constant 160 : i32
    %mul3A_42 = arith.muli %arg1, %mul3A_41 : i32
    "tpu.region"() ({
      %run_scoped3A = tpu.sem_alloc : memref<!tpu.dma_semaphore, #tpu.memory_space<semaphore_mem>>
      %dma_start3A_80 = arith.constant 0 : i32
      %dma_start3A_81 = tpu.memref_slice %arg2[%arg0, %mul3A_42, %dma_start3A_80] : memref<2x2560x128xi32, #tpu.memory_space<hbm>> -> memref<1x160x128xi32, #tpu.memory_space<hbm>>
      %dma_start3A_82 = tpu.memref_squeeze %dma_start3A_81 : memref<1x160x128xi32, #tpu.memory_space<hbm>> -> memref<160x128xi32, #tpu.memory_space<hbm>>
      %dma_start3A_83 = arith.constant 0 : i32
      %dma_start3A_84 = tpu.memref_slice %arg2[%arg0, %mul3A_42, %dma_start3A_83] : memref<2x2560x128xi32, #tpu.memory_space<hbm>> -> memref<1x160x128xi32, #tpu.memory_space<hbm>>
      %dma_start3A_85 = tpu.memref_squeeze %dma_start3A_84 : memref<1x160x128xi32, #tpu.memory_space<hbm>> -> memref<160x128xi32, #tpu.memory_space<hbm>>
      tpu.enqueue_dma source(%dma_start3A_85 : memref<160x128xi32, #tpu.memory_space<hbm>>) target(%arg4 : memref<160x128xi32, #tpu.memory_space<vmem>>) target_semaphore(%run_scoped3A : memref<!tpu.dma_semaphore, #tpu.memory_space<semaphore_mem>>)
      %dma_wait3A = arith.constant 0 : i32
      %dma_wait3A_86 = tpu.memref_slice %arg2[%arg0, %mul3A_42, %dma_wait3A] : memref<2x2560x128xi32, #tpu.memory_space<hbm>> -> memref<1x160x128xi32, #tpu.memory_space<hbm>>
      %dma_wait3A_87 = tpu.memref_squeeze %dma_wait3A_86 : memref<1x160x128xi32, #tpu.memory_space<hbm>> -> memref<160x128xi32, #tpu.memory_space<hbm>>
      %dma_wait3A_88 = arith.constant 0 : i32
      %dma_wait3A_89 = tpu.memref_slice %arg2[%arg0, %mul3A_42, %dma_wait3A_88] : memref<2x2560x128xi32, #tpu.memory_space<hbm>> -> memref<1x160x128xi32, #tpu.memory_space<hbm>>
      %dma_wait3A_90 = tpu.memref_squeeze %dma_wait3A_89 : memref<1x160x128xi32, #tpu.memory_space<hbm>> -> memref<160x128xi32, #tpu.memory_space<hbm>>
      tpu.wait_dma2 semaphore(%run_scoped3A : memref<!tpu.dma_semaphore, #tpu.memory_space<semaphore_mem>>) src(%dma_wait3A_90 : memref<160x128xi32, #tpu.memory_space<hbm>>) dst(%arg4 : memref<160x128xi32, #tpu.memory_space<vmem>>)
      tpu.yield
    }) : () -> ()
    %dma_start3A = arith.constant 0 : i32
    %dma_start3A_43 = arith.constant 0 : i32
    %dma_start3A_44 = tpu.memref_slice %arg4[%dma_start3A, %dma_start3A_43] : memref<160x128xi32, #tpu.memory_space<vmem>> -> memref<1x128xi32, #tpu.memory_space<vmem>>
    %dma_start3A_45 = tpu.memref_squeeze %dma_start3A_44 : memref<1x128xi32, #tpu.memory_space<vmem>> -> memref<128xi32, #tpu.memory_space<vmem>>
    %dma_start3A_46 = arith.constant 0 : i32
    %dma_start3A_47 = tpu.memref_slice %arg7[%dma_start3A_46] : memref<10240xf32, #tpu.memory_space<vmem_shared>> -> memref<10240xf32, #tpu.memory_space<vmem_shared>>
    tpu.enqueue_indirect_dma source(%arg6 : memref<128xf32, #tpu.memory_space<vmem>>) target(%dma_start3A_47 : memref<10240xf32, #tpu.memory_space<vmem_shared>>) offsets(%dma_start3A_45 : memref<128xi32, #tpu.memory_space<vmem>>) semaphore(%arg8 : memref<!tpu.dma_semaphore, #tpu.memory_space<semaphore_mem>>) {add = true}
    %dma_start3A_48 = arith.constant 1 : i32
    %dma_start3A_49 = arith.constant 0 : i32
    %dma_start3A_50 = tpu.memref_slice %arg4[%dma_start3A_48, %dma_start3A_49] : memref<160x128xi32, #tpu.memory_space<vmem>> -> memref<1x128xi32, #tpu.memory_space<vmem>>
    %dma_start3A_51 = tpu.memref_squeeze %dma_start3A_50 : memref<1x128xi32, #tpu.memory_space<vmem>> -> memref<128xi32, #tpu.memory_space<vmem>>
    %dma_start3A_52 = arith.constant 0 : i32
    %dma_start3A_53 = tpu.memref_slice %arg7[%dma_start3A_52] : memref<10240xf32, #tpu.memory_space<vmem_shared>> -> memref<10240xf32, #tpu.memory_space<vmem_shared>>
    tpu.enqueue_indirect_dma source(%arg6 : memref<128xf32, #tpu.memory_space<vmem>>) target(%dma_start3A_53 : memref<10240xf32, #tpu.memory_space<vmem_shared>>) offsets(%dma_start3A_51 : memref<128xi32, #tpu.memory_space<vmem>>) semaphore(%arg9 : memref<!tpu.dma_semaphore, #tpu.memory_space<semaphore_mem>>) {add = true}
    %dma_start3A_54 = arith.constant 2 : i32
    %dma_start3A_55 = arith.constant 0 : i32
    %dma_start3A_56 = tpu.memref_slice %arg4[%dma_start3A_54, %dma_start3A_55] : memref<160x128xi32, #tpu.memory_space<vmem>> -> memref<1x128xi32, #tpu.memory_space<vmem>>
    %dma_start3A_57 = tpu.memref_squeeze %dma_start3A_56 : memref<1x128xi32, #tpu.memory_space<vmem>> -> memref<128xi32, #tpu.memory_space<vmem>>
    %dma_start3A_58 = arith.constant 0 : i32
    %dma_start3A_59 = tpu.memref_slice %arg7[%dma_start3A_58] : memref<10240xf32, #tpu.memory_space<vmem_shared>> -> memref<10240xf32, #tpu.memory_space<vmem_shared>>
    tpu.enqueue_indirect_dma source(%arg6 : memref<128xf32, #tpu.memory_space<vmem>>) target(%dma_start3A_59 : memref<10240xf32, #tpu.memory_space<vmem_shared>>) offsets(%dma_start3A_57 : memref<128xi32, #tpu.memory_space<vmem>>) semaphore(%arg10 : memref<!tpu.dma_semaphore, #tpu.memory_space<semaphore_mem>>) {add = true}
    %dma_start3A_60 = arith.constant 3 : i32
    %dma_start3A_61 = arith.constant 0 : i32
    %dma_start3A_62 = tpu.memref_slice %arg4[%dma_start3A_60, %dma_start3A_61] : memref<160x128xi32, #tpu.memory_space<vmem>> -> memref<1x128xi32, #tpu.memory_space<vmem>>
    %dma_start3A_63 = tpu.memref_squeeze %dma_start3A_62 : memref<1x128xi32, #tpu.memory_space<vmem>> -> memref<128xi32, #tpu.memory_space<vmem>>
    %dma_start3A_64 = arith.constant 0 : i32
    %dma_start3A_65 = tpu.memref_slice %arg7[%dma_start3A_64] : memref<10240xf32, #tpu.memory_space<vmem_shared>> -> memref<10240xf32, #tpu.memory_space<vmem_shared>>
    tpu.enqueue_indirect_dma source(%arg6 : memref<128xf32, #tpu.memory_space<vmem>>) target(%dma_start3A_65 : memref<10240xf32, #tpu.memory_space<vmem_shared>>) offsets(%dma_start3A_63 : memref<128xi32, #tpu.memory_space<vmem>>) semaphore(%arg11 : memref<!tpu.dma_semaphore, #tpu.memory_space<semaphore_mem>>) {add = true}
    %scan3A_66 = arith.constant 0 : i32
    %scan3A_67 = arith.constant 0 : i32
    %scan3A_68 = arith.constant 40 : i32
    %scan3A_69 = arith.addi %scan3A_67, %scan3A_68 : i32
    %scan3A_70 = arith.constant 1 : i32
    %scan3A_71 = scf.for %scan3A_80 = %scan3A_67 to %scan3A_69 step %scan3A_70 iter_args(%scan3A_81 = %scan3A_66) -> (i32)  : i32 {
      %mul3A_82 = arith.constant 4 : i32
      %mul3A_83 = arith.muli %mul3A_82, %scan3A_80 : i32
      %add3A_84 = arith.constant 0 : i32
      %add3A_85 = arith.addi %mul3A_83, %add3A_84 : i32
      %dma_wait3A = arith.constant 0 : i32
      %dma_wait3A_86 = tpu.memref_slice %arg4[%add3A_85, %dma_wait3A] : memref<160x128xi32, #tpu.memory_space<vmem>> -> memref<1x128xi32, #tpu.memory_space<vmem>>
      %dma_wait3A_87 = tpu.memref_squeeze %dma_wait3A_86 : memref<1x128xi32, #tpu.memory_space<vmem>> -> memref<128xi32, #tpu.memory_space<vmem>>
      %dma_wait3A_88 = arith.constant 0 : i32
      %dma_wait3A_89 = tpu.memref_slice %arg7[%dma_wait3A_88] : memref<10240xf32, #tpu.memory_space<vmem_shared>> -> memref<10240xf32, #tpu.memory_space<vmem_shared>>
      tpu.wait_indirect_dma semaphore(%arg8 : memref<!tpu.dma_semaphore, #tpu.memory_space<semaphore_mem>>) src(%arg6 : memref<128xf32, #tpu.memory_space<vmem>>) dst(%dma_wait3A_89 : memref<10240xf32, #tpu.memory_space<vmem_shared>>)
      %add3A_90 = arith.constant 4 : i32
      %add3A_91 = arith.addi %add3A_85, %add3A_90 : i32
      %lt3A = arith.constant 160 : i32
      %lt3A_92 = arith.cmpi slt, %add3A_91, %lt3A : i32
      %convert_element_type3A = arith.extui %lt3A_92 : i1 to i32
      %cond3A = arith.constant 0 : i32
      %cond3A_93 = arith.cmpi ne, %convert_element_type3A, %cond3A : i32
      scf.if %cond3A_93 {
        %add3A_143 = arith.constant 4 : i32
        %add3A_144 = arith.addi %add3A_85, %add3A_143 : i32
        %dma_start3A_145 = arith.constant 0 : i32
        %dma_start3A_146 = tpu.memref_slice %arg4[%add3A_144, %dma_start3A_145] : memref<160x128xi32, #tpu.memory_space<vmem>> -> memref<1x128xi32, #tpu.memory_space<vmem>>
        %dma_start3A_147 = tpu.memref_squeeze %dma_start3A_146 : memref<1x128xi32, #tpu.memory_space<vmem>> -> memref<128xi32, #tpu.memory_space<vmem>>
        %dma_start3A_148 = arith.constant 0 : i32
        %dma_start3A_149 = tpu.memref_slice %arg7[%dma_start3A_148] : memref<10240xf32, #tpu.memory_space<vmem_shared>> -> memref<10240xf32, #tpu.memory_space<vmem_shared>>
        tpu.enqueue_indirect_dma source(%arg6 : memref<128xf32, #tpu.memory_space<vmem>>) target(%dma_start3A_149 : memref<10240xf32, #tpu.memory_space<vmem_shared>>) offsets(%dma_start3A_147 : memref<128xi32, #tpu.memory_space<vmem>>) semaphore(%arg8 : memref<!tpu.dma_semaphore, #tpu.memory_space<semaphore_mem>>) {add = true}
      } else {
      }
      %mul3A_94 = arith.constant 4 : i32
      %mul3A_95 = arith.muli %mul3A_94, %scan3A_80 : i32
      %add3A_96 = arith.constant 1 : i32
      %add3A_97 = arith.addi %mul3A_95, %add3A_96 : i32
      %dma_wait3A_98 = arith.constant 0 : i32
      %dma_wait3A_99 = tpu.memref_slice %arg4[%add3A_97, %dma_wait3A_98] : memref<160x128xi32, #tpu.memory_space<vmem>> -> memref<1x128xi32, #tpu.memory_space<vmem>>
      %dma_wait3A_100 = tpu.memref_squeeze %dma_wait3A_99 : memref<1x128xi32, #tpu.memory_space<vmem>> -> memref<128xi32, #tpu.memory_space<vmem>>
      %dma_wait3A_101 = arith.constant 0 : i32
      %dma_wait3A_102 = tpu.memref_slice %arg7[%dma_wait3A_101] : memref<10240xf32, #tpu.memory_space<vmem_shared>> -> memref<10240xf32, #tpu.memory_space<vmem_shared>>
      tpu.wait_indirect_dma semaphore(%arg9 : memref<!tpu.dma_semaphore, #tpu.memory_space<semaphore_mem>>) src(%arg6 : memref<128xf32, #tpu.memory_space<vmem>>) dst(%dma_wait3A_102 : memref<10240xf32, #tpu.memory_space<vmem_shared>>)
      %add3A_103 = arith.constant 4 : i32
      %add3A_104 = arith.addi %add3A_97, %add3A_103 : i32
      %lt3A_105 = arith.constant 160 : i32
      %lt3A_106 = arith.cmpi slt, %add3A_104, %lt3A_105 : i32
      %convert_element_type3A_107 = arith.extui %lt3A_106 : i1 to i32
      %cond3A_108 = arith.constant 0 : i32
      %cond3A_109 = arith.cmpi ne, %convert_element_type3A_107, %cond3A_108 : i32
      scf.if %cond3A_109 {
        %add3A_143 = arith.constant 4 : i32
        %add3A_144 = arith.addi %add3A_97, %add3A_143 : i32
        %dma_start3A_145 = arith.constant 0 : i32
        %dma_start3A_146 = tpu.memref_slice %arg4[%add3A_144, %dma_start3A_145] : memref<160x128xi32, #tpu.memory_space<vmem>> -> memref<1x128xi32, #tpu.memory_space<vmem>>
        %dma_start3A_147 = tpu.memref_squeeze %dma_start3A_146 : memref<1x128xi32, #tpu.memory_space<vmem>> -> memref<128xi32, #tpu.memory_space<vmem>>
        %dma_start3A_148 = arith.constant 0 : i32
        %dma_start3A_149 = tpu.memref_slice %arg7[%dma_start3A_148] : memref<10240xf32, #tpu.memory_space<vmem_shared>> -> memref<10240xf32, #tpu.memory_space<vmem_shared>>
        tpu.enqueue_indirect_dma source(%arg6 : memref<128xf32, #tpu.memory_space<vmem>>) target(%dma_start3A_149 : memref<10240xf32, #tpu.memory_space<vmem_shared>>) offsets(%dma_start3A_147 : memref<128xi32, #tpu.memory_space<vmem>>) semaphore(%arg9 : memref<!tpu.dma_semaphore, #tpu.memory_space<semaphore_mem>>) {add = true}
      } else {
      }
      %mul3A_110 = arith.constant 4 : i32
      %mul3A_111 = arith.muli %mul3A_110, %scan3A_80 : i32
      %add3A_112 = arith.constant 2 : i32
      %add3A_113 = arith.addi %mul3A_111, %add3A_112 : i32
      %dma_wait3A_114 = arith.constant 0 : i32
      %dma_wait3A_115 = tpu.memref_slice %arg4[%add3A_113, %dma_wait3A_114] : memref<160x128xi32, #tpu.memory_space<vmem>> -> memref<1x128xi32, #tpu.memory_space<vmem>>
      %dma_wait3A_116 = tpu.memref_squeeze %dma_wait3A_115 : memref<1x128xi32, #tpu.memory_space<vmem>> -> memref<128xi32, #tpu.memory_space<vmem>>
      %dma_wait3A_117 = arith.constant 0 : i32
      %dma_wait3A_118 = tpu.memref_slice %arg7[%dma_wait3A_117] : memref<10240xf32, #tpu.memory_space<vmem_shared>> -> memref<10240xf32, #tpu.memory_space<vmem_shared>>
      tpu.wait_indirect_dma semaphore(%arg10 : memref<!tpu.dma_semaphore, #tpu.memory_space<semaphore_mem>>) src(%arg6 : memref<128xf32, #tpu.memory_space<vmem>>) dst(%dma_wait3A_118 : memref<10240xf32, #tpu.memory_space<vmem_shared>>)
      %add3A_119 = arith.constant 4 : i32
      %add3A_120 = arith.addi %add3A_113, %add3A_119 : i32
      %lt3A_121 = arith.constant 160 : i32
      %lt3A_122 = arith.cmpi slt, %add3A_120, %lt3A_121 : i32
      %convert_element_type3A_123 = arith.extui %lt3A_122 : i1 to i32
      %cond3A_124 = arith.constant 0 : i32
      %cond3A_125 = arith.cmpi ne, %convert_element_type3A_123, %cond3A_124 : i32
      scf.if %cond3A_125 {
        %add3A_143 = arith.constant 4 : i32
        %add3A_144 = arith.addi %add3A_113, %add3A_143 : i32
        %dma_start3A_145 = arith.constant 0 : i32
        %dma_start3A_146 = tpu.memref_slice %arg4[%add3A_144, %dma_start3A_145] : memref<160x128xi32, #tpu.memory_space<vmem>> -> memref<1x128xi32, #tpu.memory_space<vmem>>
        %dma_start3A_147 = tpu.memref_squeeze %dma_start3A_146 : memref<1x128xi32, #tpu.memory_space<vmem>> -> memref<128xi32, #tpu.memory_space<vmem>>
        %dma_start3A_148 = arith.constant 0 : i32
        %dma_start3A_149 = tpu.memref_slice %arg7[%dma_start3A_148] : memref<10240xf32, #tpu.memory_space<vmem_shared>> -> memref<10240xf32, #tpu.memory_space<vmem_shared>>
        tpu.enqueue_indirect_dma source(%arg6 : memref<128xf32, #tpu.memory_space<vmem>>) target(%dma_start3A_149 : memref<10240xf32, #tpu.memory_space<vmem_shared>>) offsets(%dma_start3A_147 : memref<128xi32, #tpu.memory_space<vmem>>) semaphore(%arg10 : memref<!tpu.dma_semaphore, #tpu.memory_space<semaphore_mem>>) {add = true}
      } else {
      }
      %mul3A_126 = arith.constant 4 : i32
      %mul3A_127 = arith.muli %mul3A_126, %scan3A_80 : i32
      %add3A_128 = arith.constant 3 : i32
      %add3A_129 = arith.addi %mul3A_127, %add3A_128 : i32
      %dma_wait3A_130 = arith.constant 0 : i32
      %dma_wait3A_131 = tpu.memref_slice %arg4[%add3A_129, %dma_wait3A_130] : memref<160x128xi32, #tpu.memory_space<vmem>> -> memref<1x128xi32, #tpu.memory_space<vmem>>
      %dma_wait3A_132 = tpu.memref_squeeze %dma_wait3A_131 : memref<1x128xi32, #tpu.memory_space<vmem>> -> memref<128xi32, #tpu.memory_space<vmem>>
      %dma_wait3A_133 = arith.constant 0 : i32
      %dma_wait3A_134 = tpu.memref_slice %arg7[%dma_wait3A_133] : memref<10240xf32, #tpu.memory_space<vmem_shared>> -> memref<10240xf32, #tpu.memory_space<vmem_shared>>
      tpu.wait_indirect_dma semaphore(%arg11 : memref<!tpu.dma_semaphore, #tpu.memory_space<semaphore_mem>>) src(%arg6 : memref<128xf32, #tpu.memory_space<vmem>>) dst(%dma_wait3A_134 : memref<10240xf32, #tpu.memory_space<vmem_shared>>)
      %add3A_135 = arith.constant 4 : i32
      %add3A_136 = arith.addi %add3A_129, %add3A_135 : i32
      %lt3A_137 = arith.constant 160 : i32
      %lt3A_138 = arith.cmpi slt, %add3A_136, %lt3A_137 : i32
      %convert_element_type3A_139 = arith.extui %lt3A_138 : i1 to i32
      %cond3A_140 = arith.constant 0 : i32
      %cond3A_141 = arith.cmpi ne, %convert_element_type3A_139, %cond3A_140 : i32
      scf.if %cond3A_141 {
        %add3A_143 = arith.constant 4 : i32
        %add3A_144 = arith.addi %add3A_129, %add3A_143 : i32
        %dma_start3A_145 = arith.constant 0 : i32
        %dma_start3A_146 = tpu.memref_slice %arg4[%add3A_144, %dma_start3A_145] : memref<160x128xi32, #tpu.memory_space<vmem>> -> memref<1x128xi32, #tpu.memory_space<vmem>>
        %dma_start3A_147 = tpu.memref_squeeze %dma_start3A_146 : memref<1x128xi32, #tpu.memory_space<vmem>> -> memref<128xi32, #tpu.memory_space<vmem>>
        %dma_start3A_148 = arith.constant 0 : i32
        %dma_start3A_149 = tpu.memref_slice %arg7[%dma_start3A_148] : memref<10240xf32, #tpu.memory_space<vmem_shared>> -> memref<10240xf32, #tpu.memory_space<vmem_shared>>
        tpu.enqueue_indirect_dma source(%arg6 : memref<128xf32, #tpu.memory_space<vmem>>) target(%dma_start3A_149 : memref<10240xf32, #tpu.memory_space<vmem_shared>>) offsets(%dma_start3A_147 : memref<128xi32, #tpu.memory_space<vmem>>) semaphore(%arg11 : memref<!tpu.dma_semaphore, #tpu.memory_space<semaphore_mem>>) {add = true}
      } else {
      }
      %scan3A_142 = arith.constant 0 : i32
      scf.yield %scan3A_142 : i32
    }
    %scan3A_72 = arith.constant 40 : i32
    %barrier3A_73 = arith.constant 0 : index
    tpu.barrier barrier_id(%barrier3A_73)
    %mul3A_74 = arith.constant 640 : i32
    %mul3A_75 = arith.muli %arg1, %mul3A_74 : i32
    %mul3A_76 = arith.constant 10240 : i32
    %mul3A_77 = arith.muli %arg0, %mul3A_76 : i32
    %mul3A_78 = arith.constant 640 : i32
    %mul3A_79 = arith.muli %arg1, %mul3A_78 : i32
    %add3A = arith.addi %mul3A_77, %mul3A_79 : i32
    "tpu.region"() ({
      %run_scoped3A = tpu.sem_alloc : memref<!tpu.dma_semaphore, #tpu.memory_space<semaphore_mem>>
      %dma_start3A_80 = tpu.memref_slice %arg3[%add3A] : memref<20480xf32, #tpu.memory_space<hbm>> -> memref<640xf32, #tpu.memory_space<hbm>>
      %dma_start3A_81 = tpu.memref_slice %arg7[%mul3A_75] : memref<10240xf32, #tpu.memory_space<vmem_shared>> -> memref<640xf32, #tpu.memory_space<vmem_shared>>
      tpu.enqueue_dma source(%dma_start3A_81 : memref<640xf32, #tpu.memory_space<vmem_shared>>) target(%dma_start3A_80 : memref<640xf32, #tpu.memory_space<hbm>>) target_semaphore(%run_scoped3A : memref<!tpu.dma_semaphore, #tpu.memory_space<semaphore_mem>>)
      %dma_wait3A = tpu.memref_slice %arg3[%add3A] : memref<20480xf32, #tpu.memory_space<hbm>> -> memref<640xf32, #tpu.memory_space<hbm>>
      %dma_wait3A_82 = tpu.memref_slice %arg7[%mul3A_75] : memref<10240xf32, #tpu.memory_space<vmem_shared>> -> memref<640xf32, #tpu.memory_space<vmem_shared>>
      tpu.wait_dma2 semaphore(%run_scoped3A : memref<!tpu.dma_semaphore, #tpu.memory_space<semaphore_mem>>) src(%dma_wait3A_82 : memref<640xf32, #tpu.memory_space<vmem_shared>>) dst(%dma_wait3A : memref<640xf32, #tpu.memory_space<hbm>>)
      tpu.yield
    }) : () -> ()
    return
  }
}

#map = affine_map<(d0, d1) -> (0, 0)>
#map1 = affine_map<(d0, d1) -> (0, 0, 0)>
module attributes {stable_mosaic.version = 14 : i64} {
  func.func @_agg_body(%arg0: i32, %arg1: i32, %arg2: memref<10240x128xf32, #tpu.memory_space<hbm>>, %arg3: memref<2x2560x128xi32, #tpu.memory_space<hbm>>, %arg4: memref<10240x128xf32, #tpu.memory_space<hbm>>, %arg5: memref<10240x128xf32, #tpu.memory_space<hbm>>, %arg6: memref<40x128xi32, #tpu.memory_space<vmem>>, %arg7: memref<40x128xi32, #tpu.memory_space<vmem>>, %arg8: memref<128x128xf32, #tpu.memory_space<vmem>>, %arg9: memref<128x128xf32, #tpu.memory_space<vmem>>, %arg10: memref<16x128xf32, #tpu.memory_space<vmem>>, %arg11: memref<10240x128xf32, #tpu.memory_space<vmem_shared>>, %arg12: memref<!tpu.dma_semaphore, #tpu.memory_space<semaphore_mem>>, %arg13: memref<!tpu.dma_semaphore, #tpu.memory_space<semaphore_mem>>) attributes {dimension_semantics = [#tpu.dimension_semantics<core_parallel>, #tpu.dimension_semantics<subcore_parallel>], iteration_bounds = array<i64: 2, 16>, scalar_prefetch = 0 : i64, scratch_operands = 8 : i64, tpu.core_type = #tpu.core_type<sc_vector_subcore>, window_params = [{transform_indices = #map}, {transform_indices = #map1}, {transform_indices = #map}, {transform_indices = #map}]} {
    %mul3A = arith.constant 16 : i32
    %mul3A_0 = arith.muli %arg0, %mul3A : i32
    %add3A = arith.addi %mul3A_0, %arg1 : i32
    %broadcast_in_dim3A = arith.constant 0.000000e+00 : f32
    %broadcast_in_dim3A_1 = vector.broadcast %broadcast_in_dim3A : f32 to vector<16xf32>
    %mul3A_2 = arith.constant 80 : i32
    %mul3A_3 = arith.muli %add3A, %mul3A_2 : i32
    %dma_start3A = arith.constant 0 : i32
    %dma_start3A_4 = arith.constant 0 : i32
    %dma_start3A_5 = tpu.memref_slice %arg3[%dma_start3A, %mul3A_3, %dma_start3A_4] : memref<2x2560x128xi32, #tpu.memory_space<hbm>> -> memref<1x40x128xi32, #tpu.memory_space<hbm>>
    %dma_start3A_6 = tpu.memref_squeeze %dma_start3A_5 : memref<1x40x128xi32, #tpu.memory_space<hbm>> -> memref<40x128xi32, #tpu.memory_space<hbm>>
    %dma_start3A_7 = arith.constant 0 : i32
    %dma_start3A_8 = tpu.memref_slice %arg3[%dma_start3A, %mul3A_3, %dma_start3A_7] : memref<2x2560x128xi32, #tpu.memory_space<hbm>> -> memref<1x40x128xi32, #tpu.memory_space<hbm>>
    %dma_start3A_9 = tpu.memref_squeeze %dma_start3A_8 : memref<1x40x128xi32, #tpu.memory_space<hbm>> -> memref<40x128xi32, #tpu.memory_space<hbm>>
    tpu.enqueue_dma source(%dma_start3A_9 : memref<40x128xi32, #tpu.memory_space<hbm>>) target(%arg6 : memref<40x128xi32, #tpu.memory_space<vmem>>) target_semaphore(%arg12 : memref<!tpu.dma_semaphore, #tpu.memory_space<semaphore_mem>>)
    %mul3A_10 = arith.constant 80 : i32
    %mul3A_11 = arith.muli %add3A, %mul3A_10 : i32
    %dma_start3A_12 = arith.constant 1 : i32
    %dma_start3A_13 = arith.constant 0 : i32
    %dma_start3A_14 = tpu.memref_slice %arg3[%dma_start3A_12, %mul3A_11, %dma_start3A_13] : memref<2x2560x128xi32, #tpu.memory_space<hbm>> -> memref<1x40x128xi32, #tpu.memory_space<hbm>>
    %dma_start3A_15 = tpu.memref_squeeze %dma_start3A_14 : memref<1x40x128xi32, #tpu.memory_space<hbm>> -> memref<40x128xi32, #tpu.memory_space<hbm>>
    %dma_start3A_16 = arith.constant 0 : i32
    %dma_start3A_17 = tpu.memref_slice %arg3[%dma_start3A_12, %mul3A_11, %dma_start3A_16] : memref<2x2560x128xi32, #tpu.memory_space<hbm>> -> memref<1x40x128xi32, #tpu.memory_space<hbm>>
    %dma_start3A_18 = tpu.memref_squeeze %dma_start3A_17 : memref<1x40x128xi32, #tpu.memory_space<hbm>> -> memref<40x128xi32, #tpu.memory_space<hbm>>
    tpu.enqueue_dma source(%dma_start3A_18 : memref<40x128xi32, #tpu.memory_space<hbm>>) target(%arg7 : memref<40x128xi32, #tpu.memory_space<vmem>>) target_semaphore(%arg13 : memref<!tpu.dma_semaphore, #tpu.memory_space<semaphore_mem>>)
    %scan3A = arith.constant 0 : i32
    %scan3A_19 = arith.constant 0 : i32
    %scan3A_20 = arith.constant 16 : i32
    %scan3A_21 = arith.addi %scan3A_19, %scan3A_20 : i32
    %scan3A_22 = arith.constant 1 : i32
    %scan3A_23 = scf.for %scan3A_108 = %scan3A_19 to %scan3A_21 step %scan3A_22 iter_args(%scan3A_109 = %scan3A) -> (i32)  : i32 {
      %swap3A = arith.index_cast %scan3A_108 : i32 to index
      %swap3A_110 = arith.constant 0 : index
      %swap3A_111 = tpu.vector_load %arg10[%swap3A, %swap3A_110] {strides = array<i32>} : memref<16x128xf32, #tpu.memory_space<vmem>>, vector<1x16xf32>,
      %swap3A_112 = vector.shape_cast %swap3A_111 : vector<1x16xf32> to vector<16xf32>
      %swap3A_113 = vector.shape_cast %broadcast_in_dim3A_1 : vector<16xf32> to vector<1x16xf32>
      tpu.vector_store %arg10[%swap3A, %swap3A_110], %swap3A_113 {strides = array<i32>} : memref<16x128xf32, #tpu.memory_space<vmem>>, vector<1x16xf32>,
      %swap3A_114 = arith.index_cast %scan3A_108 : i32 to index
      %swap3A_115 = arith.constant 16 : index
      %swap3A_116 = tpu.vector_load %arg10[%swap3A_114, %swap3A_115] {strides = array<i32>} : memref<16x128xf32, #tpu.memory_space<vmem>>, vector<1x16xf32>,
      %swap3A_117 = vector.shape_cast %swap3A_116 : vector<1x16xf32> to vector<16xf32>
      %swap3A_118 = vector.shape_cast %broadcast_in_dim3A_1 : vector<16xf32> to vector<1x16xf32>
      tpu.vector_store %arg10[%swap3A_114, %swap3A_115], %swap3A_118 {strides = array<i32>} : memref<16x128xf32, #tpu.memory_space<vmem>>, vector<1x16xf32>,
      %swap3A_119 = arith.index_cast %scan3A_108 : i32 to index
      %swap3A_120 = arith.constant 32 : index
      %swap3A_121 = tpu.vector_load %arg10[%swap3A_119, %swap3A_120] {strides = array<i32>} : memref<16x128xf32, #tpu.memory_space<vmem>>, vector<1x16xf32>,
      %swap3A_122 = vector.shape_cast %swap3A_121 : vector<1x16xf32> to vector<16xf32>
      %swap3A_123 = vector.shape_cast %broadcast_in_dim3A_1 : vector<16xf32> to vector<1x16xf32>
      tpu.vector_store %arg10[%swap3A_119, %swap3A_120], %swap3A_123 {strides = array<i32>} : memref<16x128xf32, #tpu.memory_space<vmem>>, vector<1x16xf32>,
      %swap3A_124 = arith.index_cast %scan3A_108 : i32 to index
      %swap3A_125 = arith.constant 48 : index
      %swap3A_126 = tpu.vector_load %arg10[%swap3A_124, %swap3A_125] {strides = array<i32>} : memref<16x128xf32, #tpu.memory_space<vmem>>, vector<1x16xf32>,
      %swap3A_127 = vector.shape_cast %swap3A_126 : vector<1x16xf32> to vector<16xf32>
      %swap3A_128 = vector.shape_cast %broadcast_in_dim3A_1 : vector<16xf32> to vector<1x16xf32>
      tpu.vector_store %arg10[%swap3A_124, %swap3A_125], %swap3A_128 {strides = array<i32>} : memref<16x128xf32, #tpu.memory_space<vmem>>, vector<1x16xf32>,
      %swap3A_129 = arith.index_cast %scan3A_108 : i32 to index
      %swap3A_130 = arith.constant 64 : index
      %swap3A_131 = tpu.vector_load %arg10[%swap3A_129, %swap3A_130] {strides = array<i32>} : memref<16x128xf32, #tpu.memory_space<vmem>>, vector<1x16xf32>,
      %swap3A_132 = vector.shape_cast %swap3A_131 : vector<1x16xf32> to vector<16xf32>
      %swap3A_133 = vector.shape_cast %broadcast_in_dim3A_1 : vector<16xf32> to vector<1x16xf32>
      tpu.vector_store %arg10[%swap3A_129, %swap3A_130], %swap3A_133 {strides = array<i32>} : memref<16x128xf32, #tpu.memory_space<vmem>>, vector<1x16xf32>,
      %swap3A_134 = arith.index_cast %scan3A_108 : i32 to index
      %swap3A_135 = arith.constant 80 : index
      %swap3A_136 = tpu.vector_load %arg10[%swap3A_134, %swap3A_135] {strides = array<i32>} : memref<16x128xf32, #tpu.memory_space<vmem>>, vector<1x16xf32>,
      %swap3A_137 = vector.shape_cast %swap3A_136 : vector<1x16xf32> to vector<16xf32>
      %swap3A_138 = vector.shape_cast %broadcast_in_dim3A_1 : vector<16xf32> to vector<1x16xf32>
      tpu.vector_store %arg10[%swap3A_134, %swap3A_135], %swap3A_138 {strides = array<i32>} : memref<16x128xf32, #tpu.memory_space<vmem>>, vector<1x16xf32>,
      %swap3A_139 = arith.index_cast %scan3A_108 : i32 to index
      %swap3A_140 = arith.constant 96 : index
      %swap3A_141 = tpu.vector_load %arg10[%swap3A_139, %swap3A_140] {strides = array<i32>} : memref<16x128xf32, #tpu.memory_space<vmem>>, vector<1x16xf32>,
      %swap3A_142 = vector.shape_cast %swap3A_141 : vector<1x16xf32> to vector<16xf32>
      %swap3A_143 = vector.shape_cast %broadcast_in_dim3A_1 : vector<16xf32> to vector<1x16xf32>
      tpu.vector_store %arg10[%swap3A_139, %swap3A_140], %swap3A_143 {strides = array<i32>} : memref<16x128xf32, #tpu.memory_space<vmem>>, vector<1x16xf32>,
      %swap3A_144 = arith.index_cast %scan3A_108 : i32 to index
      %swap3A_145 = arith.constant 112 : index
      %swap3A_146 = tpu.vector_load %arg10[%swap3A_144, %swap3A_145] {strides = array<i32>} : memref<16x128xf32, #tpu.memory_space<vmem>>, vector<1x16xf32>,
      %swap3A_147 = vector.shape_cast %swap3A_146 : vector<1x16xf32> to vector<16xf32>
      %swap3A_148 = vector.shape_cast %broadcast_in_dim3A_1 : vector<16xf32> to vector<1x16xf32>
      tpu.vector_store %arg10[%swap3A_144, %swap3A_145], %swap3A_148 {strides = array<i32>} : memref<16x128xf32, #tpu.memory_space<vmem>>, vector<1x16xf32>,
      %scan3A_149 = arith.constant 0 : i32
      scf.yield %scan3A_149 : i32
    }
    %scan3A_24 = arith.constant 16 : i32
    %scan3A_25 = arith.constant 0 : i32
    %scan3A_26 = arith.constant 0 : i32
    %scan3A_27 = arith.constant 40 : i32
    %scan3A_28 = arith.addi %scan3A_26, %scan3A_27 : i32
    %scan3A_29 = arith.constant 1 : i32
    %scan3A_30 = scf.for %scan3A_108 = %scan3A_26 to %scan3A_28 step %scan3A_29 iter_args(%scan3A_109 = %scan3A_25) -> (i32)  : i32 {
      %mul3A_110 = arith.constant 640 : i32
      %mul3A_111 = arith.muli %arg1, %mul3A_110 : i32
      %mul3A_112 = arith.constant 16 : i32
      %mul3A_113 = arith.muli %scan3A_108, %mul3A_112 : i32
      %add3A_114 = arith.addi %mul3A_111, %mul3A_113 : i32
      "tpu.region"() ({
        %run_scoped3A_116 = tpu.sem_alloc : memref<!tpu.dma_semaphore, #tpu.memory_space<semaphore_mem>>
        %dma_start3A_117 = arith.constant 0 : i32
        %dma_start3A_118 = tpu.memref_slice %arg11[%add3A_114, %dma_start3A_117] : memref<10240x128xf32, #tpu.memory_space<vmem_shared>> -> memref<16x128xf32, #tpu.memory_space<vmem_shared>>
        %dma_start3A_119 = arith.constant 0 : i32
        %dma_start3A_120 = tpu.memref_slice %arg11[%add3A_114, %dma_start3A_119] : memref<10240x128xf32, #tpu.memory_space<vmem_shared>> -> memref<16x128xf32, #tpu.memory_space<vmem_shared>>
        tpu.enqueue_dma source(%arg10 : memref<16x128xf32, #tpu.memory_space<vmem>>) target(%dma_start3A_120 : memref<16x128xf32, #tpu.memory_space<vmem_shared>>) target_semaphore(%run_scoped3A_116 : memref<!tpu.dma_semaphore, #tpu.memory_space<semaphore_mem>>)
        %dma_wait3A_121 = arith.constant 0 : i32
        %dma_wait3A_122 = tpu.memref_slice %arg11[%add3A_114, %dma_wait3A_121] : memref<10240x128xf32, #tpu.memory_space<vmem_shared>> -> memref<16x128xf32, #tpu.memory_space<vmem_shared>>
        %dma_wait3A_123 = arith.constant 0 : i32
        %dma_wait3A_124 = tpu.memref_slice %arg11[%add3A_114, %dma_wait3A_123] : memref<10240x128xf32, #tpu.memory_space<vmem_shared>> -> memref<16x128xf32, #tpu.memory_space<vmem_shared>>
        tpu.wait_dma2 semaphore(%run_scoped3A_116 : memref<!tpu.dma_semaphore, #tpu.memory_space<semaphore_mem>>) src(%arg10 : memref<16x128xf32, #tpu.memory_space<vmem>>) dst(%dma_wait3A_124 : memref<16x128xf32, #tpu.memory_space<vmem_shared>>)
        tpu.yield
      }) : () -> ()
      %scan3A_115 = arith.constant 0 : i32
      scf.yield %scan3A_115 : i32
    }
    %scan3A_31 = arith.constant 40 : i32
    %barrier3A = arith.constant 0 : index
    tpu.barrier barrier_id(%barrier3A)
    %mul3A_32 = arith.constant 80 : i32
    %mul3A_33 = arith.muli %add3A, %mul3A_32 : i32
    %dma_wait3A = arith.constant 0 : i32
    %dma_wait3A_34 = arith.constant 0 : i32
    %dma_wait3A_35 = tpu.memref_slice %arg3[%dma_wait3A, %mul3A_33, %dma_wait3A_34] : memref<2x2560x128xi32, #tpu.memory_space<hbm>> -> memref<1x40x128xi32, #tpu.memory_space<hbm>>
    %dma_wait3A_36 = tpu.memref_squeeze %dma_wait3A_35 : memref<1x40x128xi32, #tpu.memory_space<hbm>> -> memref<40x128xi32, #tpu.memory_space<hbm>>
    %dma_wait3A_37 = arith.constant 0 : i32
    %dma_wait3A_38 = tpu.memref_slice %arg3[%dma_wait3A, %mul3A_33, %dma_wait3A_37] : memref<2x2560x128xi32, #tpu.memory_space<hbm>> -> memref<1x40x128xi32, #tpu.memory_space<hbm>>
    %dma_wait3A_39 = tpu.memref_squeeze %dma_wait3A_38 : memref<1x40x128xi32, #tpu.memory_space<hbm>> -> memref<40x128xi32, #tpu.memory_space<hbm>>
    tpu.wait_dma2 semaphore(%arg12 : memref<!tpu.dma_semaphore, #tpu.memory_space<semaphore_mem>>) src(%dma_wait3A_39 : memref<40x128xi32, #tpu.memory_space<hbm>>) dst(%arg6 : memref<40x128xi32, #tpu.memory_space<vmem>>)
    %mul3A_40 = arith.constant 80 : i32
    %mul3A_41 = arith.muli %add3A, %mul3A_40 : i32
    %dma_wait3A_42 = arith.constant 1 : i32
    %dma_wait3A_43 = arith.constant 0 : i32
    %dma_wait3A_44 = tpu.memref_slice %arg3[%dma_wait3A_42, %mul3A_41, %dma_wait3A_43] : memref<2x2560x128xi32, #tpu.memory_space<hbm>> -> memref<1x40x128xi32, #tpu.memory_space<hbm>>
    %dma_wait3A_45 = tpu.memref_squeeze %dma_wait3A_44 : memref<1x40x128xi32, #tpu.memory_space<hbm>> -> memref<40x128xi32, #tpu.memory_space<hbm>>
    %dma_wait3A_46 = arith.constant 0 : i32
    %dma_wait3A_47 = tpu.memref_slice %arg3[%dma_wait3A_42, %mul3A_41, %dma_wait3A_46] : memref<2x2560x128xi32, #tpu.memory_space<hbm>> -> memref<1x40x128xi32, #tpu.memory_space<hbm>>
    %dma_wait3A_48 = tpu.memref_squeeze %dma_wait3A_47 : memref<1x40x128xi32, #tpu.memory_space<hbm>> -> memref<40x128xi32, #tpu.memory_space<hbm>>
    tpu.wait_dma2 semaphore(%arg13 : memref<!tpu.dma_semaphore, #tpu.memory_space<semaphore_mem>>) src(%dma_wait3A_48 : memref<40x128xi32, #tpu.memory_space<hbm>>) dst(%arg7 : memref<40x128xi32, #tpu.memory_space<vmem>>)
    %dma_start3A_49 = arith.constant 0 : i32
    %dma_start3A_50 = arith.constant 0 : i32
    %dma_start3A_51 = tpu.memref_slice %arg6[%dma_start3A_49, %dma_start3A_50] : memref<40x128xi32, #tpu.memory_space<vmem>> -> memref<1x128xi32, #tpu.memory_space<vmem>>
    %dma_start3A_52 = tpu.memref_squeeze %dma_start3A_51 : memref<1x128xi32, #tpu.memory_space<vmem>> -> memref<128xi32, #tpu.memory_space<vmem>>
    %dma_start3A_53 = arith.constant 0 : i32
    %dma_start3A_54 = arith.constant 0 : i32
    %dma_start3A_55 = tpu.memref_slice %arg2[%dma_start3A_53, %dma_start3A_54] : memref<10240x128xf32, #tpu.memory_space<hbm>> -> memref<10240x128xf32, #tpu.memory_space<hbm>>
    tpu.enqueue_indirect_dma source(%dma_start3A_55 : memref<10240x128xf32, #tpu.memory_space<hbm>>) target(%arg8 : memref<128x128xf32, #tpu.memory_space<vmem>>) offsets(%dma_start3A_52 : memref<128xi32, #tpu.memory_space<vmem>>) semaphore(%arg12 : memref<!tpu.dma_semaphore, #tpu.memory_space<semaphore_mem>>)
    %dma_start3A_56 = arith.constant 1 : i32
    %dma_start3A_57 = arith.constant 0 : i32
    %dma_start3A_58 = tpu.memref_slice %arg6[%dma_start3A_56, %dma_start3A_57] : memref<40x128xi32, #tpu.memory_space<vmem>> -> memref<1x128xi32, #tpu.memory_space<vmem>>
    %dma_start3A_59 = tpu.memref_squeeze %dma_start3A_58 : memref<1x128xi32, #tpu.memory_space<vmem>> -> memref<128xi32, #tpu.memory_space<vmem>>
    %dma_start3A_60 = arith.constant 0 : i32
    %dma_start3A_61 = arith.constant 0 : i32
    %dma_start3A_62 = tpu.memref_slice %arg2[%dma_start3A_60, %dma_start3A_61] : memref<10240x128xf32, #tpu.memory_space<hbm>> -> memref<10240x128xf32, #tpu.memory_space<hbm>>
    tpu.enqueue_indirect_dma source(%dma_start3A_62 : memref<10240x128xf32, #tpu.memory_space<hbm>>) target(%arg9 : memref<128x128xf32, #tpu.memory_space<vmem>>) offsets(%dma_start3A_59 : memref<128xi32, #tpu.memory_space<vmem>>) semaphore(%arg13 : memref<!tpu.dma_semaphore, #tpu.memory_space<semaphore_mem>>)
    %scan3A_63 = arith.constant 0 : i32
    %scan3A_64 = arith.constant 0 : i32
    %scan3A_65 = arith.constant 20 : i32
    %scan3A_66 = arith.addi %scan3A_64, %scan3A_65 : i32
    %scan3A_67 = arith.constant 1 : i32
    %scan3A_68 = scf.for %scan3A_108 = %scan3A_64 to %scan3A_66 step %scan3A_67 iter_args(%scan3A_109 = %scan3A_63) -> (i32)  : i32 {
      %mul3A_110 = arith.constant 2 : i32
      %mul3A_111 = arith.muli %mul3A_110, %scan3A_108 : i32
      %mul3A_112 = arith.constant 2 : i32
      %mul3A_113 = arith.muli %mul3A_112, %scan3A_108 : i32
      %add3A_114 = arith.constant 1 : i32
      %add3A_115 = arith.addi %mul3A_113, %add3A_114 : i32
      %dma_wait3A_116 = arith.constant 0 : i32
      %dma_wait3A_117 = tpu.memref_slice %arg6[%mul3A_111, %dma_wait3A_116] : memref<40x128xi32, #tpu.memory_space<vmem>> -> memref<1x128xi32, #tpu.memory_space<vmem>>
      %dma_wait3A_118 = tpu.memref_squeeze %dma_wait3A_117 : memref<1x128xi32, #tpu.memory_space<vmem>> -> memref<128xi32, #tpu.memory_space<vmem>>
      %dma_wait3A_119 = arith.constant 0 : i32
      %dma_wait3A_120 = arith.constant 0 : i32
      %dma_wait3A_121 = tpu.memref_slice %arg2[%dma_wait3A_119, %dma_wait3A_120] : memref<10240x128xf32, #tpu.memory_space<hbm>> -> memref<10240x128xf32, #tpu.memory_space<hbm>>
      tpu.wait_indirect_dma semaphore(%arg12 : memref<!tpu.dma_semaphore, #tpu.memory_space<semaphore_mem>>) src(%dma_wait3A_121 : memref<10240x128xf32, #tpu.memory_space<hbm>>) dst(%arg8 : memref<128x128xf32, #tpu.memory_space<vmem>>)
      "tpu.region"() ({
        %run_scoped3A_142 = tpu.sem_alloc : memref<!tpu.dma_semaphore, #tpu.memory_space<semaphore_mem>>
        %dma_start3A_143 = arith.constant 0 : i32
        %dma_start3A_144 = tpu.memref_slice %arg7[%mul3A_111, %dma_start3A_143] : memref<40x128xi32, #tpu.memory_space<vmem>> -> memref<1x128xi32, #tpu.memory_space<vmem>>
        %dma_start3A_145 = tpu.memref_squeeze %dma_start3A_144 : memref<1x128xi32, #tpu.memory_space<vmem>> -> memref<128xi32, #tpu.memory_space<vmem>>
        %dma_start3A_146 = arith.constant 0 : i32
        %dma_start3A_147 = arith.constant 0 : i32
        %dma_start3A_148 = tpu.memref_slice %arg11[%dma_start3A_146, %dma_start3A_147] : memref<10240x128xf32, #tpu.memory_space<vmem_shared>> -> memref<10240x128xf32, #tpu.memory_space<vmem_shared>>
        tpu.enqueue_indirect_dma source(%arg8 : memref<128x128xf32, #tpu.memory_space<vmem>>) target(%dma_start3A_148 : memref<10240x128xf32, #tpu.memory_space<vmem_shared>>) offsets(%dma_start3A_145 : memref<128xi32, #tpu.memory_space<vmem>>) semaphore(%run_scoped3A_142 : memref<!tpu.dma_semaphore, #tpu.memory_space<semaphore_mem>>) {add = true}
        %dma_wait3A_149 = arith.constant 0 : i32
        %dma_wait3A_150 = tpu.memref_slice %arg7[%mul3A_111, %dma_wait3A_149] : memref<40x128xi32, #tpu.memory_space<vmem>> -> memref<1x128xi32, #tpu.memory_space<vmem>>
        %dma_wait3A_151 = tpu.memref_squeeze %dma_wait3A_150 : memref<1x128xi32, #tpu.memory_space<vmem>> -> memref<128xi32, #tpu.memory_space<vmem>>
        %dma_wait3A_152 = arith.constant 0 : i32
        %dma_wait3A_153 = arith.constant 0 : i32
        %dma_wait3A_154 = tpu.memref_slice %arg11[%dma_wait3A_152, %dma_wait3A_153] : memref<10240x128xf32, #tpu.memory_space<vmem_shared>> -> memref<10240x128xf32, #tpu.memory_space<vmem_shared>>
        tpu.wait_indirect_dma semaphore(%run_scoped3A_142 : memref<!tpu.dma_semaphore, #tpu.memory_space<semaphore_mem>>) src(%arg8 : memref<128x128xf32, #tpu.memory_space<vmem>>) dst(%dma_wait3A_154 : memref<10240x128xf32, #tpu.memory_space<vmem_shared>>)
        tpu.yield
      }) : () -> ()
      %add3A_122 = arith.constant 2 : i32
      %add3A_123 = arith.addi %mul3A_111, %add3A_122 : i32
      %lt3A = arith.constant 40 : i32
      %lt3A_124 = arith.cmpi slt, %add3A_123, %lt3A : i32
      %convert_element_type3A_125 = arith.extui %lt3A_124 : i1 to i32
      %cond3A_126 = arith.constant 0 : i32
      %cond3A_127 = arith.cmpi ne, %convert_element_type3A_125, %cond3A_126 : i32
      scf.if %cond3A_127 {
        %add3A_142 = arith.constant 2 : i32
        %add3A_143 = arith.addi %mul3A_111, %add3A_142 : i32
        %dma_start3A_144 = arith.constant 0 : i32
        %dma_start3A_145 = tpu.memref_slice %arg6[%add3A_143, %dma_start3A_144] : memref<40x128xi32, #tpu.memory_space<vmem>> -> memref<1x128xi32, #tpu.memory_space<vmem>>
        %dma_start3A_146 = tpu.memref_squeeze %dma_start3A_145 : memref<1x128xi32, #tpu.memory_space<vmem>> -> memref<128xi32, #tpu.memory_space<vmem>>
        %dma_start3A_147 = arith.constant 0 : i32
        %dma_start3A_148 = arith.constant 0 : i32
        %dma_start3A_149 = tpu.memref_slice %arg2[%dma_start3A_147, %dma_start3A_148] : memref<10240x128xf32, #tpu.memory_space<hbm>> -> memref<10240x128xf32, #tpu.memory_space<hbm>>
        tpu.enqueue_indirect_dma source(%dma_start3A_149 : memref<10240x128xf32, #tpu.memory_space<hbm>>) target(%arg8 : memref<128x128xf32, #tpu.memory_space<vmem>>) offsets(%dma_start3A_146 : memref<128xi32, #tpu.memory_space<vmem>>) semaphore(%arg12 : memref<!tpu.dma_semaphore, #tpu.memory_space<semaphore_mem>>)
      } else {
      }
      %dma_wait3A_128 = arith.constant 0 : i32
      %dma_wait3A_129 = tpu.memref_slice %arg6[%add3A_115, %dma_wait3A_128] : memref<40x128xi32, #tpu.memory_space<vmem>> -> memref<1x128xi32, #tpu.memory_space<vmem>>
      %dma_wait3A_130 = tpu.memref_squeeze %dma_wait3A_129 : memref<1x128xi32, #tpu.memory_space<vmem>> -> memref<128xi32, #tpu.memory_space<vmem>>
      %dma_wait3A_131 = arith.constant 0 : i32
      %dma_wait3A_132 = arith.constant 0 : i32
      %dma_wait3A_133 = tpu.memref_slice %arg2[%dma_wait3A_131, %dma_wait3A_132] : memref<10240x128xf32, #tpu.memory_space<hbm>> -> memref<10240x128xf32, #tpu.memory_space<hbm>>
      tpu.wait_indirect_dma semaphore(%arg13 : memref<!tpu.dma_semaphore, #tpu.memory_space<semaphore_mem>>) src(%dma_wait3A_133 : memref<10240x128xf32, #tpu.memory_space<hbm>>) dst(%arg9 : memref<128x128xf32, #tpu.memory_space<vmem>>)
      "tpu.region"() ({
        %run_scoped3A_142 = tpu.sem_alloc : memref<!tpu.dma_semaphore, #tpu.memory_space<semaphore_mem>>
        %dma_start3A_143 = arith.constant 0 : i32
        %dma_start3A_144 = tpu.memref_slice %arg7[%add3A_115, %dma_start3A_143] : memref<40x128xi32, #tpu.memory_space<vmem>> -> memref<1x128xi32, #tpu.memory_space<vmem>>
        %dma_start3A_145 = tpu.memref_squeeze %dma_start3A_144 : memref<1x128xi32, #tpu.memory_space<vmem>> -> memref<128xi32, #tpu.memory_space<vmem>>
        %dma_start3A_146 = arith.constant 0 : i32
        %dma_start3A_147 = arith.constant 0 : i32
        %dma_start3A_148 = tpu.memref_slice %arg11[%dma_start3A_146, %dma_start3A_147] : memref<10240x128xf32, #tpu.memory_space<vmem_shared>> -> memref<10240x128xf32, #tpu.memory_space<vmem_shared>>
        tpu.enqueue_indirect_dma source(%arg9 : memref<128x128xf32, #tpu.memory_space<vmem>>) target(%dma_start3A_148 : memref<10240x128xf32, #tpu.memory_space<vmem_shared>>) offsets(%dma_start3A_145 : memref<128xi32, #tpu.memory_space<vmem>>) semaphore(%run_scoped3A_142 : memref<!tpu.dma_semaphore, #tpu.memory_space<semaphore_mem>>) {add = true}
        %dma_wait3A_149 = arith.constant 0 : i32
        %dma_wait3A_150 = tpu.memref_slice %arg7[%add3A_115, %dma_wait3A_149] : memref<40x128xi32, #tpu.memory_space<vmem>> -> memref<1x128xi32, #tpu.memory_space<vmem>>
        %dma_wait3A_151 = tpu.memref_squeeze %dma_wait3A_150 : memref<1x128xi32, #tpu.memory_space<vmem>> -> memref<128xi32, #tpu.memory_space<vmem>>
        %dma_wait3A_152 = arith.constant 0 : i32
        %dma_wait3A_153 = arith.constant 0 : i32
        %dma_wait3A_154 = tpu.memref_slice %arg11[%dma_wait3A_152, %dma_wait3A_153] : memref<10240x128xf32, #tpu.memory_space<vmem_shared>> -> memref<10240x128xf32, #tpu.memory_space<vmem_shared>>
        tpu.wait_indirect_dma semaphore(%run_scoped3A_142 : memref<!tpu.dma_semaphore, #tpu.memory_space<semaphore_mem>>) src(%arg9 : memref<128x128xf32, #tpu.memory_space<vmem>>) dst(%dma_wait3A_154 : memref<10240x128xf32, #tpu.memory_space<vmem_shared>>)
        tpu.yield
      }) : () -> ()
      %add3A_134 = arith.constant 2 : i32
      %add3A_135 = arith.addi %add3A_115, %add3A_134 : i32
      %lt3A_136 = arith.constant 40 : i32
      %lt3A_137 = arith.cmpi slt, %add3A_135, %lt3A_136 : i32
      %convert_element_type3A_138 = arith.extui %lt3A_137 : i1 to i32
      %cond3A_139 = arith.constant 0 : i32
      %cond3A_140 = arith.cmpi ne, %convert_element_type3A_138, %cond3A_139 : i32
      scf.if %cond3A_140 {
        %add3A_142 = arith.constant 2 : i32
        %add3A_143 = arith.addi %add3A_115, %add3A_142 : i32
        %dma_start3A_144 = arith.constant 0 : i32
        %dma_start3A_145 = tpu.memref_slice %arg6[%add3A_143, %dma_start3A_144] : memref<40x128xi32, #tpu.memory_space<vmem>> -> memref<1x128xi32, #tpu.memory_space<vmem>>
        %dma_start3A_146 = tpu.memref_squeeze %dma_start3A_145 : memref<1x128xi32, #tpu.memory_space<vmem>> -> memref<128xi32, #tpu.memory_space<vmem>>
        %dma_start3A_147 = arith.constant 0 : i32
        %dma_start3A_148 = arith.constant 0 : i32
        %dma_start3A_149 = tpu.memref_slice %arg2[%dma_start3A_147, %dma_start3A_148] : memref<10240x128xf32, #tpu.memory_space<hbm>> -> memref<10240x128xf32, #tpu.memory_space<hbm>>
        tpu.enqueue_indirect_dma source(%dma_start3A_149 : memref<10240x128xf32, #tpu.memory_space<hbm>>) target(%arg9 : memref<128x128xf32, #tpu.memory_space<vmem>>) offsets(%dma_start3A_146 : memref<128xi32, #tpu.memory_space<vmem>>) semaphore(%arg13 : memref<!tpu.dma_semaphore, #tpu.memory_space<semaphore_mem>>)
      } else {
      }
      %scan3A_141 = arith.constant 0 : i32
      scf.yield %scan3A_141 : i32
    }
    %scan3A_69 = arith.constant 20 : i32
    %mul3A_70 = arith.constant 80 : i32
    %mul3A_71 = arith.muli %add3A, %mul3A_70 : i32
    %add3A_72 = arith.constant 40 : i32
    %add3A_73 = arith.addi %mul3A_71, %add3A_72 : i32
    %run_scoped3A = arith.constant 0 : i32
    "tpu.region"() ({
      %run_scoped3A_108 = tpu.sem_alloc : memref<!tpu.dma_semaphore, #tpu.memory_space<semaphore_mem>>
      %dma_start3A_109 = arith.constant 0 : i32
      %dma_start3A_110 = tpu.memref_slice %arg3[%run_scoped3A, %add3A_73, %dma_start3A_109] : memref<2x2560x128xi32, #tpu.memory_space<hbm>> -> memref<1x40x128xi32, #tpu.memory_space<hbm>>
      %dma_start3A_111 = tpu.memref_squeeze %dma_start3A_110 : memref<1x40x128xi32, #tpu.memory_space<hbm>> -> memref<40x128xi32, #tpu.memory_space<hbm>>
      %dma_start3A_112 = arith.constant 0 : i32
      %dma_start3A_113 = tpu.memref_slice %arg3[%run_scoped3A, %add3A_73, %dma_start3A_112] : memref<2x2560x128xi32, #tpu.memory_space<hbm>> -> memref<1x40x128xi32, #tpu.memory_space<hbm>>
      %dma_start3A_114 = tpu.memref_squeeze %dma_start3A_113 : memref<1x40x128xi32, #tpu.memory_space<hbm>> -> memref<40x128xi32, #tpu.memory_space<hbm>>
      tpu.enqueue_dma source(%dma_start3A_114 : memref<40x128xi32, #tpu.memory_space<hbm>>) target(%arg6 : memref<40x128xi32, #tpu.memory_space<vmem>>) target_semaphore(%run_scoped3A_108 : memref<!tpu.dma_semaphore, #tpu.memory_space<semaphore_mem>>)
      %dma_wait3A_115 = arith.constant 0 : i32
      %dma_wait3A_116 = tpu.memref_slice %arg3[%run_scoped3A, %add3A_73, %dma_wait3A_115] : memref<2x2560x128xi32, #tpu.memory_space<hbm>> -> memref<1x40x128xi32, #tpu.memory_space<hbm>>
      %dma_wait3A_117 = tpu.memref_squeeze %dma_wait3A_116 : memref<1x40x128xi32, #tpu.memory_space<hbm>> -> memref<40x128xi32, #tpu.memory_space<hbm>>
      %dma_wait3A_118 = arith.constant 0 : i32
      %dma_wait3A_119 = tpu.memref_slice %arg3[%run_scoped3A, %add3A_73, %dma_wait3A_118] : memref<2x2560x128xi32, #tpu.memory_space<hbm>> -> memref<1x40x128xi32, #tpu.memory_space<hbm>>
      %dma_wait3A_120 = tpu.memref_squeeze %dma_wait3A_119 : memref<1x40x128xi32, #tpu.memory_space<hbm>> -> memref<40x128xi32, #tpu.memory_space<hbm>>
      tpu.wait_dma2 semaphore(%run_scoped3A_108 : memref<!tpu.dma_semaphore, #tpu.memory_space<semaphore_mem>>) src(%dma_wait3A_120 : memref<40x128xi32, #tpu.memory_space<hbm>>) dst(%arg6 : memref<40x128xi32, #tpu.memory_space<vmem>>)
      tpu.yield
    }) : () -> ()
    %mul3A_74 = arith.constant 80 : i32
    %mul3A_75 = arith.muli %add3A, %mul3A_74 : i32
    %add3A_76 = arith.constant 40 : i32
    %add3A_77 = arith.addi %mul3A_75, %add3A_76 : i32
    %run_scoped3A_78 = arith.constant 1 : i32
    "tpu.region"() ({
      %run_scoped3A_108 = tpu.sem_alloc : memref<!tpu.dma_semaphore, #tpu.memory_space<semaphore_mem>>
      %dma_start3A_109 = arith.constant 0 : i32
      %dma_start3A_110 = tpu.memref_slice %arg3[%run_scoped3A_78, %add3A_77, %dma_start3A_109] : memref<2x2560x128xi32, #tpu.memory_space<hbm>> -> memref<1x40x128xi32, #tpu.memory_space<hbm>>
      %dma_start3A_111 = tpu.memref_squeeze %dma_start3A_110 : memref<1x40x128xi32, #tpu.memory_space<hbm>> -> memref<40x128xi32, #tpu.memory_space<hbm>>
      %dma_start3A_112 = arith.constant 0 : i32
      %dma_start3A_113 = tpu.memref_slice %arg3[%run_scoped3A_78, %add3A_77, %dma_start3A_112] : memref<2x2560x128xi32, #tpu.memory_space<hbm>> -> memref<1x40x128xi32, #tpu.memory_space<hbm>>
      %dma_start3A_114 = tpu.memref_squeeze %dma_start3A_113 : memref<1x40x128xi32, #tpu.memory_space<hbm>> -> memref<40x128xi32, #tpu.memory_space<hbm>>
      tpu.enqueue_dma source(%dma_start3A_114 : memref<40x128xi32, #tpu.memory_space<hbm>>) target(%arg7 : memref<40x128xi32, #tpu.memory_space<vmem>>) target_semaphore(%run_scoped3A_108 : memref<!tpu.dma_semaphore, #tpu.memory_space<semaphore_mem>>)
      %dma_wait3A_115 = arith.constant 0 : i32
      %dma_wait3A_116 = tpu.memref_slice %arg3[%run_scoped3A_78, %add3A_77, %dma_wait3A_115] : memref<2x2560x128xi32, #tpu.memory_space<hbm>> -> memref<1x40x128xi32, #tpu.memory_space<hbm>>
      %dma_wait3A_117 = tpu.memref_squeeze %dma_wait3A_116 : memref<1x40x128xi32, #tpu.memory_space<hbm>> -> memref<40x128xi32, #tpu.memory_space<hbm>>
      %dma_wait3A_118 = arith.constant 0 : i32
      %dma_wait3A_119 = tpu.memref_slice %arg3[%run_scoped3A_78, %add3A_77, %dma_wait3A_118] : memref<2x2560x128xi32, #tpu.memory_space<hbm>> -> memref<1x40x128xi32, #tpu.memory_space<hbm>>
      %dma_wait3A_120 = tpu.memref_squeeze %dma_wait3A_119 : memref<1x40x128xi32, #tpu.memory_space<hbm>> -> memref<40x128xi32, #tpu.memory_space<hbm>>
      tpu.wait_dma2 semaphore(%run_scoped3A_108 : memref<!tpu.dma_semaphore, #tpu.memory_space<semaphore_mem>>) src(%dma_wait3A_120 : memref<40x128xi32, #tpu.memory_space<hbm>>) dst(%arg7 : memref<40x128xi32, #tpu.memory_space<vmem>>)
      tpu.yield
    }) : () -> ()
    %dma_start3A_79 = arith.constant 0 : i32
    %dma_start3A_80 = arith.constant 0 : i32
    %dma_start3A_81 = tpu.memref_slice %arg6[%dma_start3A_79, %dma_start3A_80] : memref<40x128xi32, #tpu.memory_space<vmem>> -> memref<1x128xi32, #tpu.memory_space<vmem>>
    %dma_start3A_82 = tpu.memref_squeeze %dma_start3A_81 : memref<1x128xi32, #tpu.memory_space<vmem>> -> memref<128xi32, #tpu.memory_space<vmem>>
    %dma_start3A_83 = arith.constant 0 : i32
    %dma_start3A_84 = arith.constant 0 : i32
    %dma_start3A_85 = tpu.memref_slice %arg2[%dma_start3A_83, %dma_start3A_84] : memref<10240x128xf32, #tpu.memory_space<hbm>> -> memref<10240x128xf32, #tpu.memory_space<hbm>>
    tpu.enqueue_indirect_dma source(%dma_start3A_85 : memref<10240x128xf32, #tpu.memory_space<hbm>>) target(%arg8 : memref<128x128xf32, #tpu.memory_space<vmem>>) offsets(%dma_start3A_82 : memref<128xi32, #tpu.memory_space<vmem>>) semaphore(%arg12 : memref<!tpu.dma_semaphore, #tpu.memory_space<semaphore_mem>>)
    %dma_start3A_86 = arith.constant 1 : i32
    %dma_start3A_87 = arith.constant 0 : i32
    %dma_start3A_88 = tpu.memref_slice %arg6[%dma_start3A_86, %dma_start3A_87] : memref<40x128xi32, #tpu.memory_space<vmem>> -> memref<1x128xi32, #tpu.memory_space<vmem>>
    %dma_start3A_89 = tpu.memref_squeeze %dma_start3A_88 : memref<1x128xi32, #tpu.memory_space<vmem>> -> memref<128xi32, #tpu.memory_space<vmem>>
    %dma_start3A_90 = arith.constant 0 : i32
    %dma_start3A_91 = arith.constant 0 : i32
    %dma_start3A_92 = tpu.memref_slice %arg2[%dma_start3A_90, %dma_start3A_91] : memref<10240x128xf32, #tpu.memory_space<hbm>> -> memref<10240x128xf32, #tpu.memory_space<hbm>>
    tpu.enqueue_indirect_dma source(%dma_start3A_92 : memref<10240x128xf32, #tpu.memory_space<hbm>>) target(%arg9 : memref<128x128xf32, #tpu.memory_space<vmem>>) offsets(%dma_start3A_89 : memref<128xi32, #tpu.memory_space<vmem>>) semaphore(%arg13 : memref<!tpu.dma_semaphore, #tpu.memory_space<semaphore_mem>>)
    %scan3A_93 = arith.constant 0 : i32
    %scan3A_94 = arith.constant 0 : i32
    %scan3A_95 = arith.constant 20 : i32
    %scan3A_96 = arith.addi %scan3A_94, %scan3A_95 : i32
    %scan3A_97 = arith.constant 1 : i32
    %scan3A_98 = scf.for %scan3A_108 = %scan3A_94 to %scan3A_96 step %scan3A_97 iter_args(%scan3A_109 = %scan3A_93) -> (i32)  : i32 {
      %mul3A_110 = arith.constant 2 : i32
      %mul3A_111 = arith.muli %mul3A_110, %scan3A_108 : i32
      %mul3A_112 = arith.constant 2 : i32
      %mul3A_113 = arith.muli %mul3A_112, %scan3A_108 : i32
      %add3A_114 = arith.constant 1 : i32
      %add3A_115 = arith.addi %mul3A_113, %add3A_114 : i32
      %dma_wait3A_116 = arith.constant 0 : i32
      %dma_wait3A_117 = tpu.memref_slice %arg6[%mul3A_111, %dma_wait3A_116] : memref<40x128xi32, #tpu.memory_space<vmem>> -> memref<1x128xi32, #tpu.memory_space<vmem>>
      %dma_wait3A_118 = tpu.memref_squeeze %dma_wait3A_117 : memref<1x128xi32, #tpu.memory_space<vmem>> -> memref<128xi32, #tpu.memory_space<vmem>>
      %dma_wait3A_119 = arith.constant 0 : i32
      %dma_wait3A_120 = arith.constant 0 : i32
      %dma_wait3A_121 = tpu.memref_slice %arg2[%dma_wait3A_119, %dma_wait3A_120] : memref<10240x128xf32, #tpu.memory_space<hbm>> -> memref<10240x128xf32, #tpu.memory_space<hbm>>
      tpu.wait_indirect_dma semaphore(%arg12 : memref<!tpu.dma_semaphore, #tpu.memory_space<semaphore_mem>>) src(%dma_wait3A_121 : memref<10240x128xf32, #tpu.memory_space<hbm>>) dst(%arg8 : memref<128x128xf32, #tpu.memory_space<vmem>>)
      "tpu.region"() ({
        %run_scoped3A_142 = tpu.sem_alloc : memref<!tpu.dma_semaphore, #tpu.memory_space<semaphore_mem>>
        %dma_start3A_143 = arith.constant 0 : i32
        %dma_start3A_144 = tpu.memref_slice %arg7[%mul3A_111, %dma_start3A_143] : memref<40x128xi32, #tpu.memory_space<vmem>> -> memref<1x128xi32, #tpu.memory_space<vmem>>
        %dma_start3A_145 = tpu.memref_squeeze %dma_start3A_144 : memref<1x128xi32, #tpu.memory_space<vmem>> -> memref<128xi32, #tpu.memory_space<vmem>>
        %dma_start3A_146 = arith.constant 0 : i32
        %dma_start3A_147 = arith.constant 0 : i32
        %dma_start3A_148 = tpu.memref_slice %arg11[%dma_start3A_146, %dma_start3A_147] : memref<10240x128xf32, #tpu.memory_space<vmem_shared>> -> memref<10240x128xf32, #tpu.memory_space<vmem_shared>>
        tpu.enqueue_indirect_dma source(%arg8 : memref<128x128xf32, #tpu.memory_space<vmem>>) target(%dma_start3A_148 : memref<10240x128xf32, #tpu.memory_space<vmem_shared>>) offsets(%dma_start3A_145 : memref<128xi32, #tpu.memory_space<vmem>>) semaphore(%run_scoped3A_142 : memref<!tpu.dma_semaphore, #tpu.memory_space<semaphore_mem>>) {add = true}
        %dma_wait3A_149 = arith.constant 0 : i32
        %dma_wait3A_150 = tpu.memref_slice %arg7[%mul3A_111, %dma_wait3A_149] : memref<40x128xi32, #tpu.memory_space<vmem>> -> memref<1x128xi32, #tpu.memory_space<vmem>>
        %dma_wait3A_151 = tpu.memref_squeeze %dma_wait3A_150 : memref<1x128xi32, #tpu.memory_space<vmem>> -> memref<128xi32, #tpu.memory_space<vmem>>
        %dma_wait3A_152 = arith.constant 0 : i32
        %dma_wait3A_153 = arith.constant 0 : i32
        %dma_wait3A_154 = tpu.memref_slice %arg11[%dma_wait3A_152, %dma_wait3A_153] : memref<10240x128xf32, #tpu.memory_space<vmem_shared>> -> memref<10240x128xf32, #tpu.memory_space<vmem_shared>>
        tpu.wait_indirect_dma semaphore(%run_scoped3A_142 : memref<!tpu.dma_semaphore, #tpu.memory_space<semaphore_mem>>) src(%arg8 : memref<128x128xf32, #tpu.memory_space<vmem>>) dst(%dma_wait3A_154 : memref<10240x128xf32, #tpu.memory_space<vmem_shared>>)
        tpu.yield
      }) : () -> ()
      %add3A_122 = arith.constant 2 : i32
      %add3A_123 = arith.addi %mul3A_111, %add3A_122 : i32
      %lt3A = arith.constant 40 : i32
      %lt3A_124 = arith.cmpi slt, %add3A_123, %lt3A : i32
      %convert_element_type3A_125 = arith.extui %lt3A_124 : i1 to i32
      %cond3A_126 = arith.constant 0 : i32
      %cond3A_127 = arith.cmpi ne, %convert_element_type3A_125, %cond3A_126 : i32
      scf.if %cond3A_127 {
        %add3A_142 = arith.constant 2 : i32
        %add3A_143 = arith.addi %mul3A_111, %add3A_142 : i32
        %dma_start3A_144 = arith.constant 0 : i32
        %dma_start3A_145 = tpu.memref_slice %arg6[%add3A_143, %dma_start3A_144] : memref<40x128xi32, #tpu.memory_space<vmem>> -> memref<1x128xi32, #tpu.memory_space<vmem>>
        %dma_start3A_146 = tpu.memref_squeeze %dma_start3A_145 : memref<1x128xi32, #tpu.memory_space<vmem>> -> memref<128xi32, #tpu.memory_space<vmem>>
        %dma_start3A_147 = arith.constant 0 : i32
        %dma_start3A_148 = arith.constant 0 : i32
        %dma_start3A_149 = tpu.memref_slice %arg2[%dma_start3A_147, %dma_start3A_148] : memref<10240x128xf32, #tpu.memory_space<hbm>> -> memref<10240x128xf32, #tpu.memory_space<hbm>>
        tpu.enqueue_indirect_dma source(%dma_start3A_149 : memref<10240x128xf32, #tpu.memory_space<hbm>>) target(%arg8 : memref<128x128xf32, #tpu.memory_space<vmem>>) offsets(%dma_start3A_146 : memref<128xi32, #tpu.memory_space<vmem>>) semaphore(%arg12 : memref<!tpu.dma_semaphore, #tpu.memory_space<semaphore_mem>>)
      } else {
      }
      %dma_wait3A_128 = arith.constant 0 : i32
      %dma_wait3A_129 = tpu.memref_slice %arg6[%add3A_115, %dma_wait3A_128] : memref<40x128xi32, #tpu.memory_space<vmem>> -> memref<1x128xi32, #tpu.memory_space<vmem>>
      %dma_wait3A_130 = tpu.memref_squeeze %dma_wait3A_129 : memref<1x128xi32, #tpu.memory_space<vmem>> -> memref<128xi32, #tpu.memory_space<vmem>>
      %dma_wait3A_131 = arith.constant 0 : i32
      %dma_wait3A_132 = arith.constant 0 : i32
      %dma_wait3A_133 = tpu.memref_slice %arg2[%dma_wait3A_131, %dma_wait3A_132] : memref<10240x128xf32, #tpu.memory_space<hbm>> -> memref<10240x128xf32, #tpu.memory_space<hbm>>
      tpu.wait_indirect_dma semaphore(%arg13 : memref<!tpu.dma_semaphore, #tpu.memory_space<semaphore_mem>>) src(%dma_wait3A_133 : memref<10240x128xf32, #tpu.memory_space<hbm>>) dst(%arg9 : memref<128x128xf32, #tpu.memory_space<vmem>>)
      "tpu.region"() ({
        %run_scoped3A_142 = tpu.sem_alloc : memref<!tpu.dma_semaphore, #tpu.memory_space<semaphore_mem>>
        %dma_start3A_143 = arith.constant 0 : i32
        %dma_start3A_144 = tpu.memref_slice %arg7[%add3A_115, %dma_start3A_143] : memref<40x128xi32, #tpu.memory_space<vmem>> -> memref<1x128xi32, #tpu.memory_space<vmem>>
        %dma_start3A_145 = tpu.memref_squeeze %dma_start3A_144 : memref<1x128xi32, #tpu.memory_space<vmem>> -> memref<128xi32, #tpu.memory_space<vmem>>
        %dma_start3A_146 = arith.constant 0 : i32
        %dma_start3A_147 = arith.constant 0 : i32
        %dma_start3A_148 = tpu.memref_slice %arg11[%dma_start3A_146, %dma_start3A_147] : memref<10240x128xf32, #tpu.memory_space<vmem_shared>> -> memref<10240x128xf32, #tpu.memory_space<vmem_shared>>
        tpu.enqueue_indirect_dma source(%arg9 : memref<128x128xf32, #tpu.memory_space<vmem>>) target(%dma_start3A_148 : memref<10240x128xf32, #tpu.memory_space<vmem_shared>>) offsets(%dma_start3A_145 : memref<128xi32, #tpu.memory_space<vmem>>) semaphore(%run_scoped3A_142 : memref<!tpu.dma_semaphore, #tpu.memory_space<semaphore_mem>>) {add = true}
        %dma_wait3A_149 = arith.constant 0 : i32
        %dma_wait3A_150 = tpu.memref_slice %arg7[%add3A_115, %dma_wait3A_149] : memref<40x128xi32, #tpu.memory_space<vmem>> -> memref<1x128xi32, #tpu.memory_space<vmem>>
        %dma_wait3A_151 = tpu.memref_squeeze %dma_wait3A_150 : memref<1x128xi32, #tpu.memory_space<vmem>> -> memref<128xi32, #tpu.memory_space<vmem>>
        %dma_wait3A_152 = arith.constant 0 : i32
        %dma_wait3A_153 = arith.constant 0 : i32
        %dma_wait3A_154 = tpu.memref_slice %arg11[%dma_wait3A_152, %dma_wait3A_153] : memref<10240x128xf32, #tpu.memory_space<vmem_shared>> -> memref<10240x128xf32, #tpu.memory_space<vmem_shared>>
        tpu.wait_indirect_dma semaphore(%run_scoped3A_142 : memref<!tpu.dma_semaphore, #tpu.memory_space<semaphore_mem>>) src(%arg9 : memref<128x128xf32, #tpu.memory_space<vmem>>) dst(%dma_wait3A_154 : memref<10240x128xf32, #tpu.memory_space<vmem_shared>>)
        tpu.yield
      }) : () -> ()
      %add3A_134 = arith.constant 2 : i32
      %add3A_135 = arith.addi %add3A_115, %add3A_134 : i32
      %lt3A_136 = arith.constant 40 : i32
      %lt3A_137 = arith.cmpi slt, %add3A_135, %lt3A_136 : i32
      %convert_element_type3A_138 = arith.extui %lt3A_137 : i1 to i32
      %cond3A_139 = arith.constant 0 : i32
      %cond3A_140 = arith.cmpi ne, %convert_element_type3A_138, %cond3A_139 : i32
      scf.if %cond3A_140 {
        %add3A_142 = arith.constant 2 : i32
        %add3A_143 = arith.addi %add3A_115, %add3A_142 : i32
        %dma_start3A_144 = arith.constant 0 : i32
        %dma_start3A_145 = tpu.memref_slice %arg6[%add3A_143, %dma_start3A_144] : memref<40x128xi32, #tpu.memory_space<vmem>> -> memref<1x128xi32, #tpu.memory_space<vmem>>
        %dma_start3A_146 = tpu.memref_squeeze %dma_start3A_145 : memref<1x128xi32, #tpu.memory_space<vmem>> -> memref<128xi32, #tpu.memory_space<vmem>>
        %dma_start3A_147 = arith.constant 0 : i32
        %dma_start3A_148 = arith.constant 0 : i32
        %dma_start3A_149 = tpu.memref_slice %arg2[%dma_start3A_147, %dma_start3A_148] : memref<10240x128xf32, #tpu.memory_space<hbm>> -> memref<10240x128xf32, #tpu.memory_space<hbm>>
        tpu.enqueue_indirect_dma source(%dma_start3A_149 : memref<10240x128xf32, #tpu.memory_space<hbm>>) target(%arg9 : memref<128x128xf32, #tpu.memory_space<vmem>>) offsets(%dma_start3A_146 : memref<128xi32, #tpu.memory_space<vmem>>) semaphore(%arg13 : memref<!tpu.dma_semaphore, #tpu.memory_space<semaphore_mem>>)
      } else {
      }
      %scan3A_141 = arith.constant 0 : i32
      scf.yield %scan3A_141 : i32
    }
    %scan3A_99 = arith.constant 20 : i32
    %barrier3A_100 = arith.constant 0 : index
    tpu.barrier barrier_id(%barrier3A_100)
    %eq3A = arith.constant 0 : i32
    %eq3A_101 = arith.cmpi eq, %arg0, %eq3A : i32
    %convert_element_type3A = arith.extui %eq3A_101 : i1 to i32
    %cond3A = arith.constant 0 : i32
    %cond3A_102 = arith.cmpi ne, %convert_element_type3A, %cond3A : i32
    scf.if %cond3A_102 {
      %mul3A_108 = arith.constant 640 : i32
      %mul3A_109 = arith.muli %arg1, %mul3A_108 : i32
      %mul3A_110 = arith.constant 640 : i32
      %mul3A_111 = arith.muli %arg1, %mul3A_110 : i32
      "tpu.region"() ({
        %run_scoped3A_112 = tpu.sem_alloc : memref<!tpu.dma_semaphore, #tpu.memory_space<semaphore_mem>>
        %dma_start3A_113 = arith.constant 0 : i32
        %dma_start3A_114 = tpu.memref_slice %arg4[%mul3A_111, %dma_start3A_113] : memref<10240x128xf32, #tpu.memory_space<hbm>> -> memref<640x128xf32, #tpu.memory_space<hbm>>
        %dma_start3A_115 = arith.constant 0 : i32
        %dma_start3A_116 = tpu.memref_slice %arg11[%mul3A_109, %dma_start3A_115] : memref<10240x128xf32, #tpu.memory_space<vmem_shared>> -> memref<640x128xf32, #tpu.memory_space<vmem_shared>>
        tpu.enqueue_dma source(%dma_start3A_116 : memref<640x128xf32, #tpu.memory_space<vmem_shared>>) target(%dma_start3A_114 : memref<640x128xf32, #tpu.memory_space<hbm>>) target_semaphore(%run_scoped3A_112 : memref<!tpu.dma_semaphore, #tpu.memory_space<semaphore_mem>>)
        %dma_wait3A_117 = arith.constant 0 : i32
        %dma_wait3A_118 = tpu.memref_slice %arg4[%mul3A_111, %dma_wait3A_117] : memref<10240x128xf32, #tpu.memory_space<hbm>> -> memref<640x128xf32, #tpu.memory_space<hbm>>
        %dma_wait3A_119 = arith.constant 0 : i32
        %dma_wait3A_120 = tpu.memref_slice %arg11[%mul3A_109, %dma_wait3A_119] : memref<10240x128xf32, #tpu.memory_space<vmem_shared>> -> memref<640x128xf32, #tpu.memory_space<vmem_shared>>
        tpu.wait_dma2 semaphore(%run_scoped3A_112 : memref<!tpu.dma_semaphore, #tpu.memory_space<semaphore_mem>>) src(%dma_wait3A_120 : memref<640x128xf32, #tpu.memory_space<vmem_shared>>) dst(%dma_wait3A_118 : memref<640x128xf32, #tpu.memory_space<hbm>>)
        tpu.yield
      }) : () -> ()
    } else {
    }
    %eq3A_103 = arith.constant 1 : i32
    %eq3A_104 = arith.cmpi eq, %arg0, %eq3A_103 : i32
    %convert_element_type3A_105 = arith.extui %eq3A_104 : i1 to i32
    %cond3A_106 = arith.constant 0 : i32
    %cond3A_107 = arith.cmpi ne, %convert_element_type3A_105, %cond3A_106 : i32
    scf.if %cond3A_107 {
      %mul3A_108 = arith.constant 640 : i32
      %mul3A_109 = arith.muli %arg1, %mul3A_108 : i32
      %mul3A_110 = arith.constant 640 : i32
      %mul3A_111 = arith.muli %arg1, %mul3A_110 : i32
      "tpu.region"() ({
        %run_scoped3A_112 = tpu.sem_alloc : memref<!tpu.dma_semaphore, #tpu.memory_space<semaphore_mem>>
        %dma_start3A_113 = arith.constant 0 : i32
        %dma_start3A_114 = tpu.memref_slice %arg5[%mul3A_111, %dma_start3A_113] : memref<10240x128xf32, #tpu.memory_space<hbm>> -> memref<640x128xf32, #tpu.memory_space<hbm>>
        %dma_start3A_115 = arith.constant 0 : i32
        %dma_start3A_116 = tpu.memref_slice %arg11[%mul3A_109, %dma_start3A_115] : memref<10240x128xf32, #tpu.memory_space<vmem_shared>> -> memref<640x128xf32, #tpu.memory_space<vmem_shared>>
        tpu.enqueue_dma source(%dma_start3A_116 : memref<640x128xf32, #tpu.memory_space<vmem_shared>>) target(%dma_start3A_114 : memref<640x128xf32, #tpu.memory_space<hbm>>) target_semaphore(%run_scoped3A_112 : memref<!tpu.dma_semaphore, #tpu.memory_space<semaphore_mem>>)
        %dma_wait3A_117 = arith.constant 0 : i32
        %dma_wait3A_118 = tpu.memref_slice %arg5[%mul3A_111, %dma_wait3A_117] : memref<10240x128xf32, #tpu.memory_space<hbm>> -> memref<640x128xf32, #tpu.memory_space<hbm>>
        %dma_wait3A_119 = arith.constant 0 : i32
        %dma_wait3A_120 = tpu.memref_slice %arg11[%mul3A_109, %dma_wait3A_119] : memref<10240x128xf32, #tpu.memory_space<vmem_shared>> -> memref<640x128xf32, #tpu.memory_space<vmem_shared>>
        tpu.wait_dma2 semaphore(%run_scoped3A_112 : memref<!tpu.dma_semaphore, #tpu.memory_space<semaphore_mem>>) src(%dma_wait3A_120 : memref<640x128xf32, #tpu.memory_space<vmem_shared>>) dst(%dma_wait3A_118 : memref<640x128xf32, #tpu.memory_space<hbm>>)
        tpu.yield
      }) : () -> ()
    } else {
    }
    return
  }
}

#map = affine_map<(d0, d1) -> (0, 0)>
#map1 = affine_map<(d0, d1) -> (0, 0, 0)>
module attributes {stable_mosaic.version = 14 : i64} {
  func.func @_agg_body(%arg0: i32, %arg1: i32, %arg2: memref<10240x128xf32, #tpu.memory_space<hbm>>, %arg3: memref<2x2560x128xi32, #tpu.memory_space<hbm>>, %arg4: memref<10240x128xf32, #tpu.memory_space<hbm>>, %arg5: memref<10240x128xf32, #tpu.memory_space<hbm>>, %arg6: memref<40x128xi32, #tpu.memory_space<vmem>>, %arg7: memref<40x128xi32, #tpu.memory_space<vmem>>, %arg8: memref<128x128xf32, #tpu.memory_space<vmem>>, %arg9: memref<128x128xf32, #tpu.memory_space<vmem>>, %arg10: memref<16x128xf32, #tpu.memory_space<vmem>>, %arg11: memref<10240x128xf32, #tpu.memory_space<vmem_shared>>, %arg12: memref<!tpu.dma_semaphore, #tpu.memory_space<semaphore_mem>>, %arg13: memref<!tpu.dma_semaphore, #tpu.memory_space<semaphore_mem>>) attributes {dimension_semantics = [#tpu.dimension_semantics<core_parallel>, #tpu.dimension_semantics<subcore_parallel>], iteration_bounds = array<i64: 2, 16>, scalar_prefetch = 0 : i64, scratch_operands = 8 : i64, tpu.core_type = #tpu.core_type<sc_vector_subcore>, window_params = [{transform_indices = #map}, {transform_indices = #map1}, {transform_indices = #map}, {transform_indices = #map}]} {
    %mul3A = arith.constant 16 : i32
    %mul3A_0 = arith.muli %arg0, %mul3A : i32
    %add3A = arith.addi %mul3A_0, %arg1 : i32
    %broadcast_in_dim3A = arith.constant 0.000000e+00 : f32
    %broadcast_in_dim3A_1 = vector.broadcast %broadcast_in_dim3A : f32 to vector<16xf32>
    %mul3A_2 = arith.constant 80 : i32
    %mul3A_3 = arith.muli %add3A, %mul3A_2 : i32
    %dma_start3A = arith.constant 0 : i32
    %dma_start3A_4 = arith.constant 0 : i32
    %dma_start3A_5 = tpu.memref_slice %arg3[%dma_start3A, %mul3A_3, %dma_start3A_4] : memref<2x2560x128xi32, #tpu.memory_space<hbm>> -> memref<1x40x128xi32, #tpu.memory_space<hbm>>
    %dma_start3A_6 = tpu.memref_squeeze %dma_start3A_5 : memref<1x40x128xi32, #tpu.memory_space<hbm>> -> memref<40x128xi32, #tpu.memory_space<hbm>>
    %dma_start3A_7 = arith.constant 0 : i32
    %dma_start3A_8 = tpu.memref_slice %arg3[%dma_start3A, %mul3A_3, %dma_start3A_7] : memref<2x2560x128xi32, #tpu.memory_space<hbm>> -> memref<1x40x128xi32, #tpu.memory_space<hbm>>
    %dma_start3A_9 = tpu.memref_squeeze %dma_start3A_8 : memref<1x40x128xi32, #tpu.memory_space<hbm>> -> memref<40x128xi32, #tpu.memory_space<hbm>>
    tpu.enqueue_dma source(%dma_start3A_9 : memref<40x128xi32, #tpu.memory_space<hbm>>) target(%arg6 : memref<40x128xi32, #tpu.memory_space<vmem>>) target_semaphore(%arg12 : memref<!tpu.dma_semaphore, #tpu.memory_space<semaphore_mem>>)
    %mul3A_10 = arith.constant 80 : i32
    %mul3A_11 = arith.muli %add3A, %mul3A_10 : i32
    %dma_start3A_12 = arith.constant 1 : i32
    %dma_start3A_13 = arith.constant 0 : i32
    %dma_start3A_14 = tpu.memref_slice %arg3[%dma_start3A_12, %mul3A_11, %dma_start3A_13] : memref<2x2560x128xi32, #tpu.memory_space<hbm>> -> memref<1x40x128xi32, #tpu.memory_space<hbm>>
    %dma_start3A_15 = tpu.memref_squeeze %dma_start3A_14 : memref<1x40x128xi32, #tpu.memory_space<hbm>> -> memref<40x128xi32, #tpu.memory_space<hbm>>
    %dma_start3A_16 = arith.constant 0 : i32
    %dma_start3A_17 = tpu.memref_slice %arg3[%dma_start3A_12, %mul3A_11, %dma_start3A_16] : memref<2x2560x128xi32, #tpu.memory_space<hbm>> -> memref<1x40x128xi32, #tpu.memory_space<hbm>>
    %dma_start3A_18 = tpu.memref_squeeze %dma_start3A_17 : memref<1x40x128xi32, #tpu.memory_space<hbm>> -> memref<40x128xi32, #tpu.memory_space<hbm>>
    tpu.enqueue_dma source(%dma_start3A_18 : memref<40x128xi32, #tpu.memory_space<hbm>>) target(%arg7 : memref<40x128xi32, #tpu.memory_space<vmem>>) target_semaphore(%arg13 : memref<!tpu.dma_semaphore, #tpu.memory_space<semaphore_mem>>)
    %scan3A = arith.constant 0 : i32
    %scan3A_19 = arith.constant 0 : i32
    %scan3A_20 = arith.constant 16 : i32
    %scan3A_21 = arith.addi %scan3A_19, %scan3A_20 : i32
    %scan3A_22 = arith.constant 1 : i32
    %scan3A_23 = scf.for %scan3A_108 = %scan3A_19 to %scan3A_21 step %scan3A_22 iter_args(%scan3A_109 = %scan3A) -> (i32)  : i32 {
      %swap3A = arith.index_cast %scan3A_108 : i32 to index
      %swap3A_110 = arith.constant 0 : index
      %swap3A_111 = tpu.vector_load %arg10[%swap3A, %swap3A_110] {strides = array<i32>} : memref<16x128xf32, #tpu.memory_space<vmem>>, vector<1x16xf32>,
      %swap3A_112 = vector.shape_cast %swap3A_111 : vector<1x16xf32> to vector<16xf32>
      %swap3A_113 = vector.shape_cast %broadcast_in_dim3A_1 : vector<16xf32> to vector<1x16xf32>
      tpu.vector_store %arg10[%swap3A, %swap3A_110], %swap3A_113 {strides = array<i32>} : memref<16x128xf32, #tpu.memory_space<vmem>>, vector<1x16xf32>,
      %swap3A_114 = arith.index_cast %scan3A_108 : i32 to index
      %swap3A_115 = arith.constant 16 : index
      %swap3A_116 = tpu.vector_load %arg10[%swap3A_114, %swap3A_115] {strides = array<i32>} : memref<16x128xf32, #tpu.memory_space<vmem>>, vector<1x16xf32>,
      %swap3A_117 = vector.shape_cast %swap3A_116 : vector<1x16xf32> to vector<16xf32>
      %swap3A_118 = vector.shape_cast %broadcast_in_dim3A_1 : vector<16xf32> to vector<1x16xf32>
      tpu.vector_store %arg10[%swap3A_114, %swap3A_115], %swap3A_118 {strides = array<i32>} : memref<16x128xf32, #tpu.memory_space<vmem>>, vector<1x16xf32>,
      %swap3A_119 = arith.index_cast %scan3A_108 : i32 to index
      %swap3A_120 = arith.constant 32 : index
      %swap3A_121 = tpu.vector_load %arg10[%swap3A_119, %swap3A_120] {strides = array<i32>} : memref<16x128xf32, #tpu.memory_space<vmem>>, vector<1x16xf32>,
      %swap3A_122 = vector.shape_cast %swap3A_121 : vector<1x16xf32> to vector<16xf32>
      %swap3A_123 = vector.shape_cast %broadcast_in_dim3A_1 : vector<16xf32> to vector<1x16xf32>
      tpu.vector_store %arg10[%swap3A_119, %swap3A_120], %swap3A_123 {strides = array<i32>} : memref<16x128xf32, #tpu.memory_space<vmem>>, vector<1x16xf32>,
      %swap3A_124 = arith.index_cast %scan3A_108 : i32 to index
      %swap3A_125 = arith.constant 48 : index
      %swap3A_126 = tpu.vector_load %arg10[%swap3A_124, %swap3A_125] {strides = array<i32>} : memref<16x128xf32, #tpu.memory_space<vmem>>, vector<1x16xf32>,
      %swap3A_127 = vector.shape_cast %swap3A_126 : vector<1x16xf32> to vector<16xf32>
      %swap3A_128 = vector.shape_cast %broadcast_in_dim3A_1 : vector<16xf32> to vector<1x16xf32>
      tpu.vector_store %arg10[%swap3A_124, %swap3A_125], %swap3A_128 {strides = array<i32>} : memref<16x128xf32, #tpu.memory_space<vmem>>, vector<1x16xf32>,
      %swap3A_129 = arith.index_cast %scan3A_108 : i32 to index
      %swap3A_130 = arith.constant 64 : index
      %swap3A_131 = tpu.vector_load %arg10[%swap3A_129, %swap3A_130] {strides = array<i32>} : memref<16x128xf32, #tpu.memory_space<vmem>>, vector<1x16xf32>,
      %swap3A_132 = vector.shape_cast %swap3A_131 : vector<1x16xf32> to vector<16xf32>
      %swap3A_133 = vector.shape_cast %broadcast_in_dim3A_1 : vector<16xf32> to vector<1x16xf32>
      tpu.vector_store %arg10[%swap3A_129, %swap3A_130], %swap3A_133 {strides = array<i32>} : memref<16x128xf32, #tpu.memory_space<vmem>>, vector<1x16xf32>,
      %swap3A_134 = arith.index_cast %scan3A_108 : i32 to index
      %swap3A_135 = arith.constant 80 : index
      %swap3A_136 = tpu.vector_load %arg10[%swap3A_134, %swap3A_135] {strides = array<i32>} : memref<16x128xf32, #tpu.memory_space<vmem>>, vector<1x16xf32>,
      %swap3A_137 = vector.shape_cast %swap3A_136 : vector<1x16xf32> to vector<16xf32>
      %swap3A_138 = vector.shape_cast %broadcast_in_dim3A_1 : vector<16xf32> to vector<1x16xf32>
      tpu.vector_store %arg10[%swap3A_134, %swap3A_135], %swap3A_138 {strides = array<i32>} : memref<16x128xf32, #tpu.memory_space<vmem>>, vector<1x16xf32>,
      %swap3A_139 = arith.index_cast %scan3A_108 : i32 to index
      %swap3A_140 = arith.constant 96 : index
      %swap3A_141 = tpu.vector_load %arg10[%swap3A_139, %swap3A_140] {strides = array<i32>} : memref<16x128xf32, #tpu.memory_space<vmem>>, vector<1x16xf32>,
      %swap3A_142 = vector.shape_cast %swap3A_141 : vector<1x16xf32> to vector<16xf32>
      %swap3A_143 = vector.shape_cast %broadcast_in_dim3A_1 : vector<16xf32> to vector<1x16xf32>
      tpu.vector_store %arg10[%swap3A_139, %swap3A_140], %swap3A_143 {strides = array<i32>} : memref<16x128xf32, #tpu.memory_space<vmem>>, vector<1x16xf32>,
      %swap3A_144 = arith.index_cast %scan3A_108 : i32 to index
      %swap3A_145 = arith.constant 112 : index
      %swap3A_146 = tpu.vector_load %arg10[%swap3A_144, %swap3A_145] {strides = array<i32>} : memref<16x128xf32, #tpu.memory_space<vmem>>, vector<1x16xf32>,
      %swap3A_147 = vector.shape_cast %swap3A_146 : vector<1x16xf32> to vector<16xf32>
      %swap3A_148 = vector.shape_cast %broadcast_in_dim3A_1 : vector<16xf32> to vector<1x16xf32>
      tpu.vector_store %arg10[%swap3A_144, %swap3A_145], %swap3A_148 {strides = array<i32>} : memref<16x128xf32, #tpu.memory_space<vmem>>, vector<1x16xf32>,
      %scan3A_149 = arith.constant 0 : i32
      scf.yield %scan3A_149 : i32
    }
    %scan3A_24 = arith.constant 16 : i32
    %scan3A_25 = arith.constant 0 : i32
    %scan3A_26 = arith.constant 0 : i32
    %scan3A_27 = arith.constant 40 : i32
    %scan3A_28 = arith.addi %scan3A_26, %scan3A_27 : i32
    %scan3A_29 = arith.constant 1 : i32
    %scan3A_30 = scf.for %scan3A_108 = %scan3A_26 to %scan3A_28 step %scan3A_29 iter_args(%scan3A_109 = %scan3A_25) -> (i32)  : i32 {
      %mul3A_110 = arith.constant 640 : i32
      %mul3A_111 = arith.muli %arg1, %mul3A_110 : i32
      %mul3A_112 = arith.constant 16 : i32
      %mul3A_113 = arith.muli %scan3A_108, %mul3A_112 : i32
      %add3A_114 = arith.addi %mul3A_111, %mul3A_113 : i32
      "tpu.region"() ({
        %run_scoped3A_116 = tpu.sem_alloc : memref<!tpu.dma_semaphore, #tpu.memory_space<semaphore_mem>>
        %dma_start3A_117 = arith.constant 0 : i32
        %dma_start3A_118 = tpu.memref_slice %arg11[%add3A_114, %dma_start3A_117] : memref<10240x128xf32, #tpu.memory_space<vmem_shared>> -> memref<16x128xf32, #tpu.memory_space<vmem_shared>>
        %dma_start3A_119 = arith.constant 0 : i32
        %dma_start3A_120 = tpu.memref_slice %arg11[%add3A_114, %dma_start3A_119] : memref<10240x128xf32, #tpu.memory_space<vmem_shared>> -> memref<16x128xf32, #tpu.memory_space<vmem_shared>>
        tpu.enqueue_dma source(%arg10 : memref<16x128xf32, #tpu.memory_space<vmem>>) target(%dma_start3A_120 : memref<16x128xf32, #tpu.memory_space<vmem_shared>>) target_semaphore(%run_scoped3A_116 : memref<!tpu.dma_semaphore, #tpu.memory_space<semaphore_mem>>)
        %dma_wait3A_121 = arith.constant 0 : i32
        %dma_wait3A_122 = tpu.memref_slice %arg11[%add3A_114, %dma_wait3A_121] : memref<10240x128xf32, #tpu.memory_space<vmem_shared>> -> memref<16x128xf32, #tpu.memory_space<vmem_shared>>
        %dma_wait3A_123 = arith.constant 0 : i32
        %dma_wait3A_124 = tpu.memref_slice %arg11[%add3A_114, %dma_wait3A_123] : memref<10240x128xf32, #tpu.memory_space<vmem_shared>> -> memref<16x128xf32, #tpu.memory_space<vmem_shared>>
        tpu.wait_dma2 semaphore(%run_scoped3A_116 : memref<!tpu.dma_semaphore, #tpu.memory_space<semaphore_mem>>) src(%arg10 : memref<16x128xf32, #tpu.memory_space<vmem>>) dst(%dma_wait3A_124 : memref<16x128xf32, #tpu.memory_space<vmem_shared>>)
        tpu.yield
      }) : () -> ()
      %scan3A_115 = arith.constant 0 : i32
      scf.yield %scan3A_115 : i32
    }
    %scan3A_31 = arith.constant 40 : i32
    %barrier3A = arith.constant 0 : index
    tpu.barrier barrier_id(%barrier3A)
    %mul3A_32 = arith.constant 80 : i32
    %mul3A_33 = arith.muli %add3A, %mul3A_32 : i32
    %dma_wait3A = arith.constant 0 : i32
    %dma_wait3A_34 = arith.constant 0 : i32
    %dma_wait3A_35 = tpu.memref_slice %arg3[%dma_wait3A, %mul3A_33, %dma_wait3A_34] : memref<2x2560x128xi32, #tpu.memory_space<hbm>> -> memref<1x40x128xi32, #tpu.memory_space<hbm>>
    %dma_wait3A_36 = tpu.memref_squeeze %dma_wait3A_35 : memref<1x40x128xi32, #tpu.memory_space<hbm>> -> memref<40x128xi32, #tpu.memory_space<hbm>>
    %dma_wait3A_37 = arith.constant 0 : i32
    %dma_wait3A_38 = tpu.memref_slice %arg3[%dma_wait3A, %mul3A_33, %dma_wait3A_37] : memref<2x2560x128xi32, #tpu.memory_space<hbm>> -> memref<1x40x128xi32, #tpu.memory_space<hbm>>
    %dma_wait3A_39 = tpu.memref_squeeze %dma_wait3A_38 : memref<1x40x128xi32, #tpu.memory_space<hbm>> -> memref<40x128xi32, #tpu.memory_space<hbm>>
    tpu.wait_dma2 semaphore(%arg12 : memref<!tpu.dma_semaphore, #tpu.memory_space<semaphore_mem>>) src(%dma_wait3A_39 : memref<40x128xi32, #tpu.memory_space<hbm>>) dst(%arg6 : memref<40x128xi32, #tpu.memory_space<vmem>>)
    %mul3A_40 = arith.constant 80 : i32
    %mul3A_41 = arith.muli %add3A, %mul3A_40 : i32
    %dma_wait3A_42 = arith.constant 1 : i32
    %dma_wait3A_43 = arith.constant 0 : i32
    %dma_wait3A_44 = tpu.memref_slice %arg3[%dma_wait3A_42, %mul3A_41, %dma_wait3A_43] : memref<2x2560x128xi32, #tpu.memory_space<hbm>> -> memref<1x40x128xi32, #tpu.memory_space<hbm>>
    %dma_wait3A_45 = tpu.memref_squeeze %dma_wait3A_44 : memref<1x40x128xi32, #tpu.memory_space<hbm>> -> memref<40x128xi32, #tpu.memory_space<hbm>>
    %dma_wait3A_46 = arith.constant 0 : i32
    %dma_wait3A_47 = tpu.memref_slice %arg3[%dma_wait3A_42, %mul3A_41, %dma_wait3A_46] : memref<2x2560x128xi32, #tpu.memory_space<hbm>> -> memref<1x40x128xi32, #tpu.memory_space<hbm>>
    %dma_wait3A_48 = tpu.memref_squeeze %dma_wait3A_47 : memref<1x40x128xi32, #tpu.memory_space<hbm>> -> memref<40x128xi32, #tpu.memory_space<hbm>>
    tpu.wait_dma2 semaphore(%arg13 : memref<!tpu.dma_semaphore, #tpu.memory_space<semaphore_mem>>) src(%dma_wait3A_48 : memref<40x128xi32, #tpu.memory_space<hbm>>) dst(%arg7 : memref<40x128xi32, #tpu.memory_space<vmem>>)
    %dma_start3A_49 = arith.constant 0 : i32
    %dma_start3A_50 = arith.constant 0 : i32
    %dma_start3A_51 = tpu.memref_slice %arg6[%dma_start3A_49, %dma_start3A_50] : memref<40x128xi32, #tpu.memory_space<vmem>> -> memref<1x128xi32, #tpu.memory_space<vmem>>
    %dma_start3A_52 = tpu.memref_squeeze %dma_start3A_51 : memref<1x128xi32, #tpu.memory_space<vmem>> -> memref<128xi32, #tpu.memory_space<vmem>>
    %dma_start3A_53 = arith.constant 0 : i32
    %dma_start3A_54 = arith.constant 0 : i32
    %dma_start3A_55 = tpu.memref_slice %arg2[%dma_start3A_53, %dma_start3A_54] : memref<10240x128xf32, #tpu.memory_space<hbm>> -> memref<10240x128xf32, #tpu.memory_space<hbm>>
    tpu.enqueue_indirect_dma source(%dma_start3A_55 : memref<10240x128xf32, #tpu.memory_space<hbm>>) target(%arg8 : memref<128x128xf32, #tpu.memory_space<vmem>>) offsets(%dma_start3A_52 : memref<128xi32, #tpu.memory_space<vmem>>) semaphore(%arg12 : memref<!tpu.dma_semaphore, #tpu.memory_space<semaphore_mem>>)
    %dma_start3A_56 = arith.constant 1 : i32
    %dma_start3A_57 = arith.constant 0 : i32
    %dma_start3A_58 = tpu.memref_slice %arg6[%dma_start3A_56, %dma_start3A_57] : memref<40x128xi32, #tpu.memory_space<vmem>> -> memref<1x128xi32, #tpu.memory_space<vmem>>
    %dma_start3A_59 = tpu.memref_squeeze %dma_start3A_58 : memref<1x128xi32, #tpu.memory_space<vmem>> -> memref<128xi32, #tpu.memory_space<vmem>>
    %dma_start3A_60 = arith.constant 0 : i32
    %dma_start3A_61 = arith.constant 0 : i32
    %dma_start3A_62 = tpu.memref_slice %arg2[%dma_start3A_60, %dma_start3A_61] : memref<10240x128xf32, #tpu.memory_space<hbm>> -> memref<10240x128xf32, #tpu.memory_space<hbm>>
    tpu.enqueue_indirect_dma source(%dma_start3A_62 : memref<10240x128xf32, #tpu.memory_space<hbm>>) target(%arg9 : memref<128x128xf32, #tpu.memory_space<vmem>>) offsets(%dma_start3A_59 : memref<128xi32, #tpu.memory_space<vmem>>) semaphore(%arg13 : memref<!tpu.dma_semaphore, #tpu.memory_space<semaphore_mem>>)
    %scan3A_63 = arith.constant 0 : i32
    %scan3A_64 = arith.constant 0 : i32
    %scan3A_65 = arith.constant 20 : i32
    %scan3A_66 = arith.addi %scan3A_64, %scan3A_65 : i32
    %scan3A_67 = arith.constant 1 : i32
    %scan3A_68 = scf.for %scan3A_108 = %scan3A_64 to %scan3A_66 step %scan3A_67 iter_args(%scan3A_109 = %scan3A_63) -> (i32)  : i32 {
      %mul3A_110 = arith.constant 2 : i32
      %mul3A_111 = arith.muli %mul3A_110, %scan3A_108 : i32
      %mul3A_112 = arith.constant 2 : i32
      %mul3A_113 = arith.muli %mul3A_112, %scan3A_108 : i32
      %add3A_114 = arith.constant 1 : i32
      %add3A_115 = arith.addi %mul3A_113, %add3A_114 : i32
      %dma_wait3A_116 = arith.constant 0 : i32
      %dma_wait3A_117 = tpu.memref_slice %arg6[%mul3A_111, %dma_wait3A_116] : memref<40x128xi32, #tpu.memory_space<vmem>> -> memref<1x128xi32, #tpu.memory_space<vmem>>
      %dma_wait3A_118 = tpu.memref_squeeze %dma_wait3A_117 : memref<1x128xi32, #tpu.memory_space<vmem>> -> memref<128xi32, #tpu.memory_space<vmem>>
      %dma_wait3A_119 = arith.constant 0 : i32
      %dma_wait3A_120 = arith.constant 0 : i32
      %dma_wait3A_121 = tpu.memref_slice %arg2[%dma_wait3A_119, %dma_wait3A_120] : memref<10240x128xf32, #tpu.memory_space<hbm>> -> memref<10240x128xf32, #tpu.memory_space<hbm>>
      tpu.wait_indirect_dma semaphore(%arg12 : memref<!tpu.dma_semaphore, #tpu.memory_space<semaphore_mem>>) src(%dma_wait3A_121 : memref<10240x128xf32, #tpu.memory_space<hbm>>) dst(%arg8 : memref<128x128xf32, #tpu.memory_space<vmem>>)
      "tpu.region"() ({
        %run_scoped3A_142 = tpu.sem_alloc : memref<!tpu.dma_semaphore, #tpu.memory_space<semaphore_mem>>
        %dma_start3A_143 = arith.constant 0 : i32
        %dma_start3A_144 = tpu.memref_slice %arg7[%mul3A_111, %dma_start3A_143] : memref<40x128xi32, #tpu.memory_space<vmem>> -> memref<1x128xi32, #tpu.memory_space<vmem>>
        %dma_start3A_145 = tpu.memref_squeeze %dma_start3A_144 : memref<1x128xi32, #tpu.memory_space<vmem>> -> memref<128xi32, #tpu.memory_space<vmem>>
        %dma_start3A_146 = arith.constant 0 : i32
        %dma_start3A_147 = arith.constant 0 : i32
        %dma_start3A_148 = tpu.memref_slice %arg11[%dma_start3A_146, %dma_start3A_147] : memref<10240x128xf32, #tpu.memory_space<vmem_shared>> -> memref<10240x128xf32, #tpu.memory_space<vmem_shared>>
        tpu.enqueue_indirect_dma source(%arg8 : memref<128x128xf32, #tpu.memory_space<vmem>>) target(%dma_start3A_148 : memref<10240x128xf32, #tpu.memory_space<vmem_shared>>) offsets(%dma_start3A_145 : memref<128xi32, #tpu.memory_space<vmem>>) semaphore(%run_scoped3A_142 : memref<!tpu.dma_semaphore, #tpu.memory_space<semaphore_mem>>) {add = true}
        %dma_wait3A_149 = arith.constant 0 : i32
        %dma_wait3A_150 = tpu.memref_slice %arg7[%mul3A_111, %dma_wait3A_149] : memref<40x128xi32, #tpu.memory_space<vmem>> -> memref<1x128xi32, #tpu.memory_space<vmem>>
        %dma_wait3A_151 = tpu.memref_squeeze %dma_wait3A_150 : memref<1x128xi32, #tpu.memory_space<vmem>> -> memref<128xi32, #tpu.memory_space<vmem>>
        %dma_wait3A_152 = arith.constant 0 : i32
        %dma_wait3A_153 = arith.constant 0 : i32
        %dma_wait3A_154 = tpu.memref_slice %arg11[%dma_wait3A_152, %dma_wait3A_153] : memref<10240x128xf32, #tpu.memory_space<vmem_shared>> -> memref<10240x128xf32, #tpu.memory_space<vmem_shared>>
        tpu.wait_indirect_dma semaphore(%run_scoped3A_142 : memref<!tpu.dma_semaphore, #tpu.memory_space<semaphore_mem>>) src(%arg8 : memref<128x128xf32, #tpu.memory_space<vmem>>) dst(%dma_wait3A_154 : memref<10240x128xf32, #tpu.memory_space<vmem_shared>>)
        tpu.yield
      }) : () -> ()
      %add3A_122 = arith.constant 2 : i32
      %add3A_123 = arith.addi %mul3A_111, %add3A_122 : i32
      %lt3A = arith.constant 40 : i32
      %lt3A_124 = arith.cmpi slt, %add3A_123, %lt3A : i32
      %convert_element_type3A_125 = arith.extui %lt3A_124 : i1 to i32
      %cond3A_126 = arith.constant 0 : i32
      %cond3A_127 = arith.cmpi ne, %convert_element_type3A_125, %cond3A_126 : i32
      scf.if %cond3A_127 {
        %add3A_142 = arith.constant 2 : i32
        %add3A_143 = arith.addi %mul3A_111, %add3A_142 : i32
        %dma_start3A_144 = arith.constant 0 : i32
        %dma_start3A_145 = tpu.memref_slice %arg6[%add3A_143, %dma_start3A_144] : memref<40x128xi32, #tpu.memory_space<vmem>> -> memref<1x128xi32, #tpu.memory_space<vmem>>
        %dma_start3A_146 = tpu.memref_squeeze %dma_start3A_145 : memref<1x128xi32, #tpu.memory_space<vmem>> -> memref<128xi32, #tpu.memory_space<vmem>>
        %dma_start3A_147 = arith.constant 0 : i32
        %dma_start3A_148 = arith.constant 0 : i32
        %dma_start3A_149 = tpu.memref_slice %arg2[%dma_start3A_147, %dma_start3A_148] : memref<10240x128xf32, #tpu.memory_space<hbm>> -> memref<10240x128xf32, #tpu.memory_space<hbm>>
        tpu.enqueue_indirect_dma source(%dma_start3A_149 : memref<10240x128xf32, #tpu.memory_space<hbm>>) target(%arg8 : memref<128x128xf32, #tpu.memory_space<vmem>>) offsets(%dma_start3A_146 : memref<128xi32, #tpu.memory_space<vmem>>) semaphore(%arg12 : memref<!tpu.dma_semaphore, #tpu.memory_space<semaphore_mem>>)
      } else {
      }
      %dma_wait3A_128 = arith.constant 0 : i32
      %dma_wait3A_129 = tpu.memref_slice %arg6[%add3A_115, %dma_wait3A_128] : memref<40x128xi32, #tpu.memory_space<vmem>> -> memref<1x128xi32, #tpu.memory_space<vmem>>
      %dma_wait3A_130 = tpu.memref_squeeze %dma_wait3A_129 : memref<1x128xi32, #tpu.memory_space<vmem>> -> memref<128xi32, #tpu.memory_space<vmem>>
      %dma_wait3A_131 = arith.constant 0 : i32
      %dma_wait3A_132 = arith.constant 0 : i32
      %dma_wait3A_133 = tpu.memref_slice %arg2[%dma_wait3A_131, %dma_wait3A_132] : memref<10240x128xf32, #tpu.memory_space<hbm>> -> memref<10240x128xf32, #tpu.memory_space<hbm>>
      tpu.wait_indirect_dma semaphore(%arg13 : memref<!tpu.dma_semaphore, #tpu.memory_space<semaphore_mem>>) src(%dma_wait3A_133 : memref<10240x128xf32, #tpu.memory_space<hbm>>) dst(%arg9 : memref<128x128xf32, #tpu.memory_space<vmem>>)
      "tpu.region"() ({
        %run_scoped3A_142 = tpu.sem_alloc : memref<!tpu.dma_semaphore, #tpu.memory_space<semaphore_mem>>
        %dma_start3A_143 = arith.constant 0 : i32
        %dma_start3A_144 = tpu.memref_slice %arg7[%add3A_115, %dma_start3A_143] : memref<40x128xi32, #tpu.memory_space<vmem>> -> memref<1x128xi32, #tpu.memory_space<vmem>>
        %dma_start3A_145 = tpu.memref_squeeze %dma_start3A_144 : memref<1x128xi32, #tpu.memory_space<vmem>> -> memref<128xi32, #tpu.memory_space<vmem>>
        %dma_start3A_146 = arith.constant 0 : i32
        %dma_start3A_147 = arith.constant 0 : i32
        %dma_start3A_148 = tpu.memref_slice %arg11[%dma_start3A_146, %dma_start3A_147] : memref<10240x128xf32, #tpu.memory_space<vmem_shared>> -> memref<10240x128xf32, #tpu.memory_space<vmem_shared>>
        tpu.enqueue_indirect_dma source(%arg9 : memref<128x128xf32, #tpu.memory_space<vmem>>) target(%dma_start3A_148 : memref<10240x128xf32, #tpu.memory_space<vmem_shared>>) offsets(%dma_start3A_145 : memref<128xi32, #tpu.memory_space<vmem>>) semaphore(%run_scoped3A_142 : memref<!tpu.dma_semaphore, #tpu.memory_space<semaphore_mem>>) {add = true}
        %dma_wait3A_149 = arith.constant 0 : i32
        %dma_wait3A_150 = tpu.memref_slice %arg7[%add3A_115, %dma_wait3A_149] : memref<40x128xi32, #tpu.memory_space<vmem>> -> memref<1x128xi32, #tpu.memory_space<vmem>>
        %dma_wait3A_151 = tpu.memref_squeeze %dma_wait3A_150 : memref<1x128xi32, #tpu.memory_space<vmem>> -> memref<128xi32, #tpu.memory_space<vmem>>
        %dma_wait3A_152 = arith.constant 0 : i32
        %dma_wait3A_153 = arith.constant 0 : i32
        %dma_wait3A_154 = tpu.memref_slice %arg11[%dma_wait3A_152, %dma_wait3A_153] : memref<10240x128xf32, #tpu.memory_space<vmem_shared>> -> memref<10240x128xf32, #tpu.memory_space<vmem_shared>>
        tpu.wait_indirect_dma semaphore(%run_scoped3A_142 : memref<!tpu.dma_semaphore, #tpu.memory_space<semaphore_mem>>) src(%arg9 : memref<128x128xf32, #tpu.memory_space<vmem>>) dst(%dma_wait3A_154 : memref<10240x128xf32, #tpu.memory_space<vmem_shared>>)
        tpu.yield
      }) : () -> ()
      %add3A_134 = arith.constant 2 : i32
      %add3A_135 = arith.addi %add3A_115, %add3A_134 : i32
      %lt3A_136 = arith.constant 40 : i32
      %lt3A_137 = arith.cmpi slt, %add3A_135, %lt3A_136 : i32
      %convert_element_type3A_138 = arith.extui %lt3A_137 : i1 to i32
      %cond3A_139 = arith.constant 0 : i32
      %cond3A_140 = arith.cmpi ne, %convert_element_type3A_138, %cond3A_139 : i32
      scf.if %cond3A_140 {
        %add3A_142 = arith.constant 2 : i32
        %add3A_143 = arith.addi %add3A_115, %add3A_142 : i32
        %dma_start3A_144 = arith.constant 0 : i32
        %dma_start3A_145 = tpu.memref_slice %arg6[%add3A_143, %dma_start3A_144] : memref<40x128xi32, #tpu.memory_space<vmem>> -> memref<1x128xi32, #tpu.memory_space<vmem>>
        %dma_start3A_146 = tpu.memref_squeeze %dma_start3A_145 : memref<1x128xi32, #tpu.memory_space<vmem>> -> memref<128xi32, #tpu.memory_space<vmem>>
        %dma_start3A_147 = arith.constant 0 : i32
        %dma_start3A_148 = arith.constant 0 : i32
        %dma_start3A_149 = tpu.memref_slice %arg2[%dma_start3A_147, %dma_start3A_148] : memref<10240x128xf32, #tpu.memory_space<hbm>> -> memref<10240x128xf32, #tpu.memory_space<hbm>>
        tpu.enqueue_indirect_dma source(%dma_start3A_149 : memref<10240x128xf32, #tpu.memory_space<hbm>>) target(%arg9 : memref<128x128xf32, #tpu.memory_space<vmem>>) offsets(%dma_start3A_146 : memref<128xi32, #tpu.memory_space<vmem>>) semaphore(%arg13 : memref<!tpu.dma_semaphore, #tpu.memory_space<semaphore_mem>>)
      } else {
      }
      %scan3A_141 = arith.constant 0 : i32
      scf.yield %scan3A_141 : i32
    }
    %scan3A_69 = arith.constant 20 : i32
    %mul3A_70 = arith.constant 80 : i32
    %mul3A_71 = arith.muli %add3A, %mul3A_70 : i32
    %add3A_72 = arith.constant 40 : i32
    %add3A_73 = arith.addi %mul3A_71, %add3A_72 : i32
    %run_scoped3A = arith.constant 0 : i32
    "tpu.region"() ({
      %run_scoped3A_108 = tpu.sem_alloc : memref<!tpu.dma_semaphore, #tpu.memory_space<semaphore_mem>>
      %dma_start3A_109 = arith.constant 0 : i32
      %dma_start3A_110 = tpu.memref_slice %arg3[%run_scoped3A, %add3A_73, %dma_start3A_109] : memref<2x2560x128xi32, #tpu.memory_space<hbm>> -> memref<1x40x128xi32, #tpu.memory_space<hbm>>
      %dma_start3A_111 = tpu.memref_squeeze %dma_start3A_110 : memref<1x40x128xi32, #tpu.memory_space<hbm>> -> memref<40x128xi32, #tpu.memory_space<hbm>>
      %dma_start3A_112 = arith.constant 0 : i32
      %dma_start3A_113 = tpu.memref_slice %arg3[%run_scoped3A, %add3A_73, %dma_start3A_112] : memref<2x2560x128xi32, #tpu.memory_space<hbm>> -> memref<1x40x128xi32, #tpu.memory_space<hbm>>
      %dma_start3A_114 = tpu.memref_squeeze %dma_start3A_113 : memref<1x40x128xi32, #tpu.memory_space<hbm>> -> memref<40x128xi32, #tpu.memory_space<hbm>>
      tpu.enqueue_dma source(%dma_start3A_114 : memref<40x128xi32, #tpu.memory_space<hbm>>) target(%arg6 : memref<40x128xi32, #tpu.memory_space<vmem>>) target_semaphore(%run_scoped3A_108 : memref<!tpu.dma_semaphore, #tpu.memory_space<semaphore_mem>>)
      %dma_wait3A_115 = arith.constant 0 : i32
      %dma_wait3A_116 = tpu.memref_slice %arg3[%run_scoped3A, %add3A_73, %dma_wait3A_115] : memref<2x2560x128xi32, #tpu.memory_space<hbm>> -> memref<1x40x128xi32, #tpu.memory_space<hbm>>
      %dma_wait3A_117 = tpu.memref_squeeze %dma_wait3A_116 : memref<1x40x128xi32, #tpu.memory_space<hbm>> -> memref<40x128xi32, #tpu.memory_space<hbm>>
      %dma_wait3A_118 = arith.constant 0 : i32
      %dma_wait3A_119 = tpu.memref_slice %arg3[%run_scoped3A, %add3A_73, %dma_wait3A_118] : memref<2x2560x128xi32, #tpu.memory_space<hbm>> -> memref<1x40x128xi32, #tpu.memory_space<hbm>>
      %dma_wait3A_120 = tpu.memref_squeeze %dma_wait3A_119 : memref<1x40x128xi32, #tpu.memory_space<hbm>> -> memref<40x128xi32, #tpu.memory_space<hbm>>
      tpu.wait_dma2 semaphore(%run_scoped3A_108 : memref<!tpu.dma_semaphore, #tpu.memory_space<semaphore_mem>>) src(%dma_wait3A_120 : memref<40x128xi32, #tpu.memory_space<hbm>>) dst(%arg6 : memref<40x128xi32, #tpu.memory_space<vmem>>)
      tpu.yield
    }) : () -> ()
    %mul3A_74 = arith.constant 80 : i32
    %mul3A_75 = arith.muli %add3A, %mul3A_74 : i32
    %add3A_76 = arith.constant 40 : i32
    %add3A_77 = arith.addi %mul3A_75, %add3A_76 : i32
    %run_scoped3A_78 = arith.constant 1 : i32
    "tpu.region"() ({
      %run_scoped3A_108 = tpu.sem_alloc : memref<!tpu.dma_semaphore, #tpu.memory_space<semaphore_mem>>
      %dma_start3A_109 = arith.constant 0 : i32
      %dma_start3A_110 = tpu.memref_slice %arg3[%run_scoped3A_78, %add3A_77, %dma_start3A_109] : memref<2x2560x128xi32, #tpu.memory_space<hbm>> -> memref<1x40x128xi32, #tpu.memory_space<hbm>>
      %dma_start3A_111 = tpu.memref_squeeze %dma_start3A_110 : memref<1x40x128xi32, #tpu.memory_space<hbm>> -> memref<40x128xi32, #tpu.memory_space<hbm>>
      %dma_start3A_112 = arith.constant 0 : i32
      %dma_start3A_113 = tpu.memref_slice %arg3[%run_scoped3A_78, %add3A_77, %dma_start3A_112] : memref<2x2560x128xi32, #tpu.memory_space<hbm>> -> memref<1x40x128xi32, #tpu.memory_space<hbm>>
      %dma_start3A_114 = tpu.memref_squeeze %dma_start3A_113 : memref<1x40x128xi32, #tpu.memory_space<hbm>> -> memref<40x128xi32, #tpu.memory_space<hbm>>
      tpu.enqueue_dma source(%dma_start3A_114 : memref<40x128xi32, #tpu.memory_space<hbm>>) target(%arg7 : memref<40x128xi32, #tpu.memory_space<vmem>>) target_semaphore(%run_scoped3A_108 : memref<!tpu.dma_semaphore, #tpu.memory_space<semaphore_mem>>)
      %dma_wait3A_115 = arith.constant 0 : i32
      %dma_wait3A_116 = tpu.memref_slice %arg3[%run_scoped3A_78, %add3A_77, %dma_wait3A_115] : memref<2x2560x128xi32, #tpu.memory_space<hbm>> -> memref<1x40x128xi32, #tpu.memory_space<hbm>>
      %dma_wait3A_117 = tpu.memref_squeeze %dma_wait3A_116 : memref<1x40x128xi32, #tpu.memory_space<hbm>> -> memref<40x128xi32, #tpu.memory_space<hbm>>
      %dma_wait3A_118 = arith.constant 0 : i32
      %dma_wait3A_119 = tpu.memref_slice %arg3[%run_scoped3A_78, %add3A_77, %dma_wait3A_118] : memref<2x2560x128xi32, #tpu.memory_space<hbm>> -> memref<1x40x128xi32, #tpu.memory_space<hbm>>
      %dma_wait3A_120 = tpu.memref_squeeze %dma_wait3A_119 : memref<1x40x128xi32, #tpu.memory_space<hbm>> -> memref<40x128xi32, #tpu.memory_space<hbm>>
      tpu.wait_dma2 semaphore(%run_scoped3A_108 : memref<!tpu.dma_semaphore, #tpu.memory_space<semaphore_mem>>) src(%dma_wait3A_120 : memref<40x128xi32, #tpu.memory_space<hbm>>) dst(%arg7 : memref<40x128xi32, #tpu.memory_space<vmem>>)
      tpu.yield
    }) : () -> ()
    %dma_start3A_79 = arith.constant 0 : i32
    %dma_start3A_80 = arith.constant 0 : i32
    %dma_start3A_81 = tpu.memref_slice %arg6[%dma_start3A_79, %dma_start3A_80] : memref<40x128xi32, #tpu.memory_space<vmem>> -> memref<1x128xi32, #tpu.memory_space<vmem>>
    %dma_start3A_82 = tpu.memref_squeeze %dma_start3A_81 : memref<1x128xi32, #tpu.memory_space<vmem>> -> memref<128xi32, #tpu.memory_space<vmem>>
    %dma_start3A_83 = arith.constant 0 : i32
    %dma_start3A_84 = arith.constant 0 : i32
    %dma_start3A_85 = tpu.memref_slice %arg2[%dma_start3A_83, %dma_start3A_84] : memref<10240x128xf32, #tpu.memory_space<hbm>> -> memref<10240x128xf32, #tpu.memory_space<hbm>>
    tpu.enqueue_indirect_dma source(%dma_start3A_85 : memref<10240x128xf32, #tpu.memory_space<hbm>>) target(%arg8 : memref<128x128xf32, #tpu.memory_space<vmem>>) offsets(%dma_start3A_82 : memref<128xi32, #tpu.memory_space<vmem>>) semaphore(%arg12 : memref<!tpu.dma_semaphore, #tpu.memory_space<semaphore_mem>>)
    %dma_start3A_86 = arith.constant 1 : i32
    %dma_start3A_87 = arith.constant 0 : i32
    %dma_start3A_88 = tpu.memref_slice %arg6[%dma_start3A_86, %dma_start3A_87] : memref<40x128xi32, #tpu.memory_space<vmem>> -> memref<1x128xi32, #tpu.memory_space<vmem>>
    %dma_start3A_89 = tpu.memref_squeeze %dma_start3A_88 : memref<1x128xi32, #tpu.memory_space<vmem>> -> memref<128xi32, #tpu.memory_space<vmem>>
    %dma_start3A_90 = arith.constant 0 : i32
    %dma_start3A_91 = arith.constant 0 : i32
    %dma_start3A_92 = tpu.memref_slice %arg2[%dma_start3A_90, %dma_start3A_91] : memref<10240x128xf32, #tpu.memory_space<hbm>> -> memref<10240x128xf32, #tpu.memory_space<hbm>>
    tpu.enqueue_indirect_dma source(%dma_start3A_92 : memref<10240x128xf32, #tpu.memory_space<hbm>>) target(%arg9 : memref<128x128xf32, #tpu.memory_space<vmem>>) offsets(%dma_start3A_89 : memref<128xi32, #tpu.memory_space<vmem>>) semaphore(%arg13 : memref<!tpu.dma_semaphore, #tpu.memory_space<semaphore_mem>>)
    %scan3A_93 = arith.constant 0 : i32
    %scan3A_94 = arith.constant 0 : i32
    %scan3A_95 = arith.constant 20 : i32
    %scan3A_96 = arith.addi %scan3A_94, %scan3A_95 : i32
    %scan3A_97 = arith.constant 1 : i32
    %scan3A_98 = scf.for %scan3A_108 = %scan3A_94 to %scan3A_96 step %scan3A_97 iter_args(%scan3A_109 = %scan3A_93) -> (i32)  : i32 {
      %mul3A_110 = arith.constant 2 : i32
      %mul3A_111 = arith.muli %mul3A_110, %scan3A_108 : i32
      %mul3A_112 = arith.constant 2 : i32
      %mul3A_113 = arith.muli %mul3A_112, %scan3A_108 : i32
      %add3A_114 = arith.constant 1 : i32
      %add3A_115 = arith.addi %mul3A_113, %add3A_114 : i32
      %dma_wait3A_116 = arith.constant 0 : i32
      %dma_wait3A_117 = tpu.memref_slice %arg6[%mul3A_111, %dma_wait3A_116] : memref<40x128xi32, #tpu.memory_space<vmem>> -> memref<1x128xi32, #tpu.memory_space<vmem>>
      %dma_wait3A_118 = tpu.memref_squeeze %dma_wait3A_117 : memref<1x128xi32, #tpu.memory_space<vmem>> -> memref<128xi32, #tpu.memory_space<vmem>>
      %dma_wait3A_119 = arith.constant 0 : i32
      %dma_wait3A_120 = arith.constant 0 : i32
      %dma_wait3A_121 = tpu.memref_slice %arg2[%dma_wait3A_119, %dma_wait3A_120] : memref<10240x128xf32, #tpu.memory_space<hbm>> -> memref<10240x128xf32, #tpu.memory_space<hbm>>
      tpu.wait_indirect_dma semaphore(%arg12 : memref<!tpu.dma_semaphore, #tpu.memory_space<semaphore_mem>>) src(%dma_wait3A_121 : memref<10240x128xf32, #tpu.memory_space<hbm>>) dst(%arg8 : memref<128x128xf32, #tpu.memory_space<vmem>>)
      "tpu.region"() ({
        %run_scoped3A_142 = tpu.sem_alloc : memref<!tpu.dma_semaphore, #tpu.memory_space<semaphore_mem>>
        %dma_start3A_143 = arith.constant 0 : i32
        %dma_start3A_144 = tpu.memref_slice %arg7[%mul3A_111, %dma_start3A_143] : memref<40x128xi32, #tpu.memory_space<vmem>> -> memref<1x128xi32, #tpu.memory_space<vmem>>
        %dma_start3A_145 = tpu.memref_squeeze %dma_start3A_144 : memref<1x128xi32, #tpu.memory_space<vmem>> -> memref<128xi32, #tpu.memory_space<vmem>>
        %dma_start3A_146 = arith.constant 0 : i32
        %dma_start3A_147 = arith.constant 0 : i32
        %dma_start3A_148 = tpu.memref_slice %arg11[%dma_start3A_146, %dma_start3A_147] : memref<10240x128xf32, #tpu.memory_space<vmem_shared>> -> memref<10240x128xf32, #tpu.memory_space<vmem_shared>>
        tpu.enqueue_indirect_dma source(%arg8 : memref<128x128xf32, #tpu.memory_space<vmem>>) target(%dma_start3A_148 : memref<10240x128xf32, #tpu.memory_space<vmem_shared>>) offsets(%dma_start3A_145 : memref<128xi32, #tpu.memory_space<vmem>>) semaphore(%run_scoped3A_142 : memref<!tpu.dma_semaphore, #tpu.memory_space<semaphore_mem>>) {add = true}
        %dma_wait3A_149 = arith.constant 0 : i32
        %dma_wait3A_150 = tpu.memref_slice %arg7[%mul3A_111, %dma_wait3A_149] : memref<40x128xi32, #tpu.memory_space<vmem>> -> memref<1x128xi32, #tpu.memory_space<vmem>>
        %dma_wait3A_151 = tpu.memref_squeeze %dma_wait3A_150 : memref<1x128xi32, #tpu.memory_space<vmem>> -> memref<128xi32, #tpu.memory_space<vmem>>
        %dma_wait3A_152 = arith.constant 0 : i32
        %dma_wait3A_153 = arith.constant 0 : i32
        %dma_wait3A_154 = tpu.memref_slice %arg11[%dma_wait3A_152, %dma_wait3A_153] : memref<10240x128xf32, #tpu.memory_space<vmem_shared>> -> memref<10240x128xf32, #tpu.memory_space<vmem_shared>>
        tpu.wait_indirect_dma semaphore(%run_scoped3A_142 : memref<!tpu.dma_semaphore, #tpu.memory_space<semaphore_mem>>) src(%arg8 : memref<128x128xf32, #tpu.memory_space<vmem>>) dst(%dma_wait3A_154 : memref<10240x128xf32, #tpu.memory_space<vmem_shared>>)
        tpu.yield
      }) : () -> ()
      %add3A_122 = arith.constant 2 : i32
      %add3A_123 = arith.addi %mul3A_111, %add3A_122 : i32
      %lt3A = arith.constant 40 : i32
      %lt3A_124 = arith.cmpi slt, %add3A_123, %lt3A : i32
      %convert_element_type3A_125 = arith.extui %lt3A_124 : i1 to i32
      %cond3A_126 = arith.constant 0 : i32
      %cond3A_127 = arith.cmpi ne, %convert_element_type3A_125, %cond3A_126 : i32
      scf.if %cond3A_127 {
        %add3A_142 = arith.constant 2 : i32
        %add3A_143 = arith.addi %mul3A_111, %add3A_142 : i32
        %dma_start3A_144 = arith.constant 0 : i32
        %dma_start3A_145 = tpu.memref_slice %arg6[%add3A_143, %dma_start3A_144] : memref<40x128xi32, #tpu.memory_space<vmem>> -> memref<1x128xi32, #tpu.memory_space<vmem>>
        %dma_start3A_146 = tpu.memref_squeeze %dma_start3A_145 : memref<1x128xi32, #tpu.memory_space<vmem>> -> memref<128xi32, #tpu.memory_space<vmem>>
        %dma_start3A_147 = arith.constant 0 : i32
        %dma_start3A_148 = arith.constant 0 : i32
        %dma_start3A_149 = tpu.memref_slice %arg2[%dma_start3A_147, %dma_start3A_148] : memref<10240x128xf32, #tpu.memory_space<hbm>> -> memref<10240x128xf32, #tpu.memory_space<hbm>>
        tpu.enqueue_indirect_dma source(%dma_start3A_149 : memref<10240x128xf32, #tpu.memory_space<hbm>>) target(%arg8 : memref<128x128xf32, #tpu.memory_space<vmem>>) offsets(%dma_start3A_146 : memref<128xi32, #tpu.memory_space<vmem>>) semaphore(%arg12 : memref<!tpu.dma_semaphore, #tpu.memory_space<semaphore_mem>>)
      } else {
      }
      %dma_wait3A_128 = arith.constant 0 : i32
      %dma_wait3A_129 = tpu.memref_slice %arg6[%add3A_115, %dma_wait3A_128] : memref<40x128xi32, #tpu.memory_space<vmem>> -> memref<1x128xi32, #tpu.memory_space<vmem>>
      %dma_wait3A_130 = tpu.memref_squeeze %dma_wait3A_129 : memref<1x128xi32, #tpu.memory_space<vmem>> -> memref<128xi32, #tpu.memory_space<vmem>>
      %dma_wait3A_131 = arith.constant 0 : i32
      %dma_wait3A_132 = arith.constant 0 : i32
      %dma_wait3A_133 = tpu.memref_slice %arg2[%dma_wait3A_131, %dma_wait3A_132] : memref<10240x128xf32, #tpu.memory_space<hbm>> -> memref<10240x128xf32, #tpu.memory_space<hbm>>
      tpu.wait_indirect_dma semaphore(%arg13 : memref<!tpu.dma_semaphore, #tpu.memory_space<semaphore_mem>>) src(%dma_wait3A_133 : memref<10240x128xf32, #tpu.memory_space<hbm>>) dst(%arg9 : memref<128x128xf32, #tpu.memory_space<vmem>>)
      "tpu.region"() ({
        %run_scoped3A_142 = tpu.sem_alloc : memref<!tpu.dma_semaphore, #tpu.memory_space<semaphore_mem>>
        %dma_start3A_143 = arith.constant 0 : i32
        %dma_start3A_144 = tpu.memref_slice %arg7[%add3A_115, %dma_start3A_143] : memref<40x128xi32, #tpu.memory_space<vmem>> -> memref<1x128xi32, #tpu.memory_space<vmem>>
        %dma_start3A_145 = tpu.memref_squeeze %dma_start3A_144 : memref<1x128xi32, #tpu.memory_space<vmem>> -> memref<128xi32, #tpu.memory_space<vmem>>
        %dma_start3A_146 = arith.constant 0 : i32
        %dma_start3A_147 = arith.constant 0 : i32
        %dma_start3A_148 = tpu.memref_slice %arg11[%dma_start3A_146, %dma_start3A_147] : memref<10240x128xf32, #tpu.memory_space<vmem_shared>> -> memref<10240x128xf32, #tpu.memory_space<vmem_shared>>
        tpu.enqueue_indirect_dma source(%arg9 : memref<128x128xf32, #tpu.memory_space<vmem>>) target(%dma_start3A_148 : memref<10240x128xf32, #tpu.memory_space<vmem_shared>>) offsets(%dma_start3A_145 : memref<128xi32, #tpu.memory_space<vmem>>) semaphore(%run_scoped3A_142 : memref<!tpu.dma_semaphore, #tpu.memory_space<semaphore_mem>>) {add = true}
        %dma_wait3A_149 = arith.constant 0 : i32
        %dma_wait3A_150 = tpu.memref_slice %arg7[%add3A_115, %dma_wait3A_149] : memref<40x128xi32, #tpu.memory_space<vmem>> -> memref<1x128xi32, #tpu.memory_space<vmem>>
        %dma_wait3A_151 = tpu.memref_squeeze %dma_wait3A_150 : memref<1x128xi32, #tpu.memory_space<vmem>> -> memref<128xi32, #tpu.memory_space<vmem>>
        %dma_wait3A_152 = arith.constant 0 : i32
        %dma_wait3A_153 = arith.constant 0 : i32
        %dma_wait3A_154 = tpu.memref_slice %arg11[%dma_wait3A_152, %dma_wait3A_153] : memref<10240x128xf32, #tpu.memory_space<vmem_shared>> -> memref<10240x128xf32, #tpu.memory_space<vmem_shared>>
        tpu.wait_indirect_dma semaphore(%run_scoped3A_142 : memref<!tpu.dma_semaphore, #tpu.memory_space<semaphore_mem>>) src(%arg9 : memref<128x128xf32, #tpu.memory_space<vmem>>) dst(%dma_wait3A_154 : memref<10240x128xf32, #tpu.memory_space<vmem_shared>>)
        tpu.yield
      }) : () -> ()
      %add3A_134 = arith.constant 2 : i32
      %add3A_135 = arith.addi %add3A_115, %add3A_134 : i32
      %lt3A_136 = arith.constant 40 : i32
      %lt3A_137 = arith.cmpi slt, %add3A_135, %lt3A_136 : i32
      %convert_element_type3A_138 = arith.extui %lt3A_137 : i1 to i32
      %cond3A_139 = arith.constant 0 : i32
      %cond3A_140 = arith.cmpi ne, %convert_element_type3A_138, %cond3A_139 : i32
      scf.if %cond3A_140 {
        %add3A_142 = arith.constant 2 : i32
        %add3A_143 = arith.addi %add3A_115, %add3A_142 : i32
        %dma_start3A_144 = arith.constant 0 : i32
        %dma_start3A_145 = tpu.memref_slice %arg6[%add3A_143, %dma_start3A_144] : memref<40x128xi32, #tpu.memory_space<vmem>> -> memref<1x128xi32, #tpu.memory_space<vmem>>
        %dma_start3A_146 = tpu.memref_squeeze %dma_start3A_145 : memref<1x128xi32, #tpu.memory_space<vmem>> -> memref<128xi32, #tpu.memory_space<vmem>>
        %dma_start3A_147 = arith.constant 0 : i32
        %dma_start3A_148 = arith.constant 0 : i32
        %dma_start3A_149 = tpu.memref_slice %arg2[%dma_start3A_147, %dma_start3A_148] : memref<10240x128xf32, #tpu.memory_space<hbm>> -> memref<10240x128xf32, #tpu.memory_space<hbm>>
        tpu.enqueue_indirect_dma source(%dma_start3A_149 : memref<10240x128xf32, #tpu.memory_space<hbm>>) target(%arg9 : memref<128x128xf32, #tpu.memory_space<vmem>>) offsets(%dma_start3A_146 : memref<128xi32, #tpu.memory_space<vmem>>) semaphore(%arg13 : memref<!tpu.dma_semaphore, #tpu.memory_space<semaphore_mem>>)
      } else {
      }
      %scan3A_141 = arith.constant 0 : i32
      scf.yield %scan3A_141 : i32
    }
    %scan3A_99 = arith.constant 20 : i32
    %barrier3A_100 = arith.constant 0 : index
    tpu.barrier barrier_id(%barrier3A_100)
    %eq3A = arith.constant 0 : i32
    %eq3A_101 = arith.cmpi eq, %arg0, %eq3A : i32
    %convert_element_type3A = arith.extui %eq3A_101 : i1 to i32
    %cond3A = arith.constant 0 : i32
    %cond3A_102 = arith.cmpi ne, %convert_element_type3A, %cond3A : i32
    scf.if %cond3A_102 {
      %mul3A_108 = arith.constant 640 : i32
      %mul3A_109 = arith.muli %arg1, %mul3A_108 : i32
      %mul3A_110 = arith.constant 640 : i32
      %mul3A_111 = arith.muli %arg1, %mul3A_110 : i32
      "tpu.region"() ({
        %run_scoped3A_112 = tpu.sem_alloc : memref<!tpu.dma_semaphore, #tpu.memory_space<semaphore_mem>>
        %dma_start3A_113 = arith.constant 0 : i32
        %dma_start3A_114 = tpu.memref_slice %arg4[%mul3A_111, %dma_start3A_113] : memref<10240x128xf32, #tpu.memory_space<hbm>> -> memref<640x128xf32, #tpu.memory_space<hbm>>
        %dma_start3A_115 = arith.constant 0 : i32
        %dma_start3A_116 = tpu.memref_slice %arg11[%mul3A_109, %dma_start3A_115] : memref<10240x128xf32, #tpu.memory_space<vmem_shared>> -> memref<640x128xf32, #tpu.memory_space<vmem_shared>>
        tpu.enqueue_dma source(%dma_start3A_116 : memref<640x128xf32, #tpu.memory_space<vmem_shared>>) target(%dma_start3A_114 : memref<640x128xf32, #tpu.memory_space<hbm>>) target_semaphore(%run_scoped3A_112 : memref<!tpu.dma_semaphore, #tpu.memory_space<semaphore_mem>>)
        %dma_wait3A_117 = arith.constant 0 : i32
        %dma_wait3A_118 = tpu.memref_slice %arg4[%mul3A_111, %dma_wait3A_117] : memref<10240x128xf32, #tpu.memory_space<hbm>> -> memref<640x128xf32, #tpu.memory_space<hbm>>
        %dma_wait3A_119 = arith.constant 0 : i32
        %dma_wait3A_120 = tpu.memref_slice %arg11[%mul3A_109, %dma_wait3A_119] : memref<10240x128xf32, #tpu.memory_space<vmem_shared>> -> memref<640x128xf32, #tpu.memory_space<vmem_shared>>
        tpu.wait_dma2 semaphore(%run_scoped3A_112 : memref<!tpu.dma_semaphore, #tpu.memory_space<semaphore_mem>>) src(%dma_wait3A_120 : memref<640x128xf32, #tpu.memory_space<vmem_shared>>) dst(%dma_wait3A_118 : memref<640x128xf32, #tpu.memory_space<hbm>>)
        tpu.yield
      }) : () -> ()
    } else {
    }
    %eq3A_103 = arith.constant 1 : i32
    %eq3A_104 = arith.cmpi eq, %arg0, %eq3A_103 : i32
    %convert_element_type3A_105 = arith.extui %eq3A_104 : i1 to i32
    %cond3A_106 = arith.constant 0 : i32
    %cond3A_107 = arith.cmpi ne, %convert_element_type3A_105, %cond3A_106 : i32
    scf.if %cond3A_107 {
      %mul3A_108 = arith.constant 640 : i32
      %mul3A_109 = arith.muli %arg1, %mul3A_108 : i32
      %mul3A_110 = arith.constant 640 : i32
      %mul3A_111 = arith.muli %arg1, %mul3A_110 : i32
      "tpu.region"() ({
        %run_scoped3A_112 = tpu.sem_alloc : memref<!tpu.dma_semaphore, #tpu.memory_space<semaphore_mem>>
        %dma_start3A_113 = arith.constant 0 : i32
        %dma_start3A_114 = tpu.memref_slice %arg5[%mul3A_111, %dma_start3A_113] : memref<10240x128xf32, #tpu.memory_space<hbm>> -> memref<640x128xf32, #tpu.memory_space<hbm>>
        %dma_start3A_115 = arith.constant 0 : i32
        %dma_start3A_116 = tpu.memref_slice %arg11[%mul3A_109, %dma_start3A_115] : memref<10240x128xf32, #tpu.memory_space<vmem_shared>> -> memref<640x128xf32, #tpu.memory_space<vmem_shared>>
        tpu.enqueue_dma source(%dma_start3A_116 : memref<640x128xf32, #tpu.memory_space<vmem_shared>>) target(%dma_start3A_114 : memref<640x128xf32, #tpu.memory_space<hbm>>) target_semaphore(%run_scoped3A_112 : memref<!tpu.dma_semaphore, #tpu.memory_space<semaphore_mem>>)
        %dma_wait3A_117 = arith.constant 0 : i32
        %dma_wait3A_118 = tpu.memref_slice %arg5[%mul3A_111, %dma_wait3A_117] : memref<10240x128xf32, #tpu.memory_space<hbm>> -> memref<640x128xf32, #tpu.memory_space<hbm>>
        %dma_wait3A_119 = arith.constant 0 : i32
        %dma_wait3A_120 = tpu.memref_slice %arg11[%mul3A_109, %dma_wait3A_119] : memref<10240x128xf32, #tpu.memory_space<vmem_shared>> -> memref<640x128xf32, #tpu.memory_space<vmem_shared>>
        tpu.wait_dma2 semaphore(%run_scoped3A_112 : memref<!tpu.dma_semaphore, #tpu.memory_space<semaphore_mem>>) src(%dma_wait3A_120 : memref<640x128xf32, #tpu.memory_space<vmem_shared>>) dst(%dma_wait3A_118 : memref<640x128xf32, #tpu.memory_space<hbm>>)
        tpu.yield
      }) : () -> ()
    } else {
    }
    return
  }
}

module attributes {stable_mosaic.version = 14 : i64} {
  func.func @_prep1_body(%arg0: i32, %arg1: memref<16x128xf32, #tpu.memory_space<vmem>>, %arg2: memref<16x128xf32, #tpu.memory_space<vmem>>, %arg3: memref<16x128x128xf32, #tpu.memory_space<vmem>>, %arg4: memref<128x128xf32, #tpu.memory_space<vmem>>, %arg5: memref<2048x128xf32, #tpu.memory_space<vmem>>, %arg6: memref<16x128xf32, #tpu.memory_space<vmem>>, %arg7: memref<16x128xf32, #tpu.memory_space<vmem>>) attributes {dimension_semantics = [#tpu.dimension_semantics<arbitrary>], iteration_bounds = array<i64: 5>, scalar_prefetch = 0 : i64, scratch_operands = 0 : i64, tpu.core_type = #tpu.core_type<tc>, window_params = [{transform_indices = @transform_0, window_bounds = array<i64: 16, 128>}, {transform_indices = @transform_1, window_bounds = array<i64: 16, 128>}, {transform_indices = @transform_2, window_bounds = array<i64: 16, 128, 128>}, {pipeline_mode = #tpu.pipeline_mode<synchronous>, transform_indices = @transform_3, window_bounds = array<i64: 128, 128>}, {transform_indices = @transform_4, window_bounds = array<i64: 2048, 128>}, {transform_indices = @transform_5, window_bounds = array<i64: 16, 128>}, {transform_indices = @transform_6, window_bounds = array<i64: 16, 128>}]} {
    %get3A = arith.constant 0 : index
    %get3A_0 = arith.constant 0 : index
    %get3A_1 = vector.load %arg1[%get3A, %get3A_0] : memref<16x128xf32, #tpu.memory_space<vmem>>, vector<16x128xf32>
    %gt3A = arith.constant 0.000000e+00 : f32
    %gt3A_2 = vector.broadcast %gt3A : f32 to vector<16x128xf32>
    %gt3A_3 = arith.cmpf ogt, %get3A_1, %gt3A_2 : vector<16x128xf32>
    %max3A = arith.constant 1.000000e+00 : f32
    %max3A_4 = vector.broadcast %max3A : f32 to vector<16x128xf32>
    %max3A_5 = arith.maximumf %get3A_1, %max3A_4 : vector<16x128xf32>
    %rsqrt3A = math.rsqrt %max3A_5 : vector<16x128xf32>
    %jit3A = arith.constant 0.000000e+00 : f32
    %broadcast_in_dim3A = vector.broadcast %jit3A : f32 to vector<16x128xf32>
    %select_n3A = arith.select %gt3A_3, %rsqrt3A, %broadcast_in_dim3A : vector<16x128xi1>, vector<16x128xf32>
    %get3A_6 = arith.constant 0 : index
    %get3A_7 = arith.constant 0 : index
    %get3A_8 = vector.load %arg2[%get3A_6, %get3A_7] : memref<16x128xf32, #tpu.memory_space<vmem>>, vector<16x128xf32>
    %gt3A_9 = arith.constant 0.000000e+00 : f32
    %gt3A_10 = vector.broadcast %gt3A_9 : f32 to vector<16x128xf32>
    %gt3A_11 = arith.cmpf ogt, %get3A_8, %gt3A_10 : vector<16x128xf32>
    %max3A_12 = arith.constant 1.000000e+00 : f32
    %max3A_13 = vector.broadcast %max3A_12 : f32 to vector<16x128xf32>
    %max3A_14 = arith.maximumf %get3A_8, %max3A_13 : vector<16x128xf32>
    %rsqrt3A_15 = math.rsqrt %max3A_14 : vector<16x128xf32>
    %jit3A_16 = arith.constant 0.000000e+00 : f32
    %broadcast_in_dim3A_17 = vector.broadcast %jit3A_16 : f32 to vector<16x128xf32>
    %select_n3A_18 = arith.select %gt3A_11, %rsqrt3A_15, %broadcast_in_dim3A_17 : vector<16x128xi1>, vector<16x128xf32>
    %swap3A = arith.constant 0 : index
    %swap3A_19 = arith.constant 0 : index
    %swap3A_20 = vector.load %arg6[%swap3A, %swap3A_19] : memref<16x128xf32, #tpu.memory_space<vmem>>, vector<16x128xf32>
    tpu.vector_store %arg6[%swap3A, %swap3A_19], %select_n3A {strides = array<i32>} : memref<16x128xf32, #tpu.memory_space<vmem>>, vector<16x128xf32>,
    %swap3A_21 = arith.constant 0 : index
    %swap3A_22 = arith.constant 0 : index
    %swap3A_23 = vector.load %arg7[%swap3A_21, %swap3A_22] : memref<16x128xf32, #tpu.memory_space<vmem>>, vector<16x128xf32>
    tpu.vector_store %arg7[%swap3A_21, %swap3A_22], %select_n3A_18 {strides = array<i32>} : memref<16x128xf32, #tpu.memory_space<vmem>>, vector<16x128xf32>,
    %get3A_24 = arith.constant 0 : index
    %get3A_25 = arith.constant 0 : index
    %get3A_26 = arith.constant 0 : index
    %get3A_27 = vector.load %arg3[%get3A_24, %get3A_25, %get3A_26] : memref<16x128x128xf32, #tpu.memory_space<vmem>>, vector<16x128x128xf32>
    %broadcast_in_dim3A_28 = vector.shape_cast %select_n3A : vector<16x128xf32> to vector<16x128x1xf32>
    %mul3A = vector.broadcast %broadcast_in_dim3A_28 : vector<16x128x1xf32> to vector<16x128x128xf32>
    %mul3A_29 = arith.mulf %get3A_27, %mul3A : vector<16x128x128xf32>
    %reshape3A = vector.shape_cast %mul3A_29 : vector<16x128x128xf32> to vector<2048x128xf32>
    %get3A_30 = arith.constant 0 : index
    %get3A_31 = arith.constant 0 : index
    %get3A_32 = vector.load %arg4[%get3A_30, %get3A_31] : memref<128x128xf32, #tpu.memory_space<vmem>>, vector<128x128xf32>
    %dot_general3A = arith.constant dense<0.000000e+00> : vector<2048x128xf32>
    %dot_general3A_33 = tpu.matmul %reshape3A, %get3A_32, %dot_general3A {dimension_numbers = #tpu.dot_dimension_numbers<[1], [0], [0], [1], [0, 0, 1, 1], [], []>, transpose_lhs_hint = false} : vector<2048x128xf32>, vector<128x128xf32>, vector<2048x128xf32> -> vector<2048x128xf32>
    %swap3A_34 = arith.constant 0 : index
    %swap3A_35 = arith.constant 0 : index
    %swap3A_36 = vector.load %arg5[%swap3A_34, %swap3A_35] : memref<2048x128xf32, #tpu.memory_space<vmem>>, vector<2048x128xf32>
    tpu.vector_store %arg5[%swap3A_34, %swap3A_35], %dot_general3A_33 {strides = array<i32>} : memref<2048x128xf32, #tpu.memory_space<vmem>>, vector<2048x128xf32>,
    return
  }
  func.func @transform_0(%arg0: i32) -> (i32, i32) {
    %c0_i32 = arith.constant 0 : i32
    %c0_i32_0 = arith.constant 0 : i32
    return %arg0, %c0_i32 : i32, i32
  }
  func.func @transform_1(%arg0: i32) -> (i32, i32) {
    %c0_i32 = arith.constant 0 : i32
    %c0_i32_0 = arith.constant 0 : i32
    return %arg0, %c0_i32 : i32, i32
  }
  func.func @transform_2(%arg0: i32) -> (i32, i32, i32) {
    %c0_i32 = arith.constant 0 : i32
    %c0_i32_0 = arith.constant 0 : i32
    %c0_i32_1 = arith.constant 0 : i32
    return %arg0, %c0_i32, %c0_i32_0 : i32, i32, i32
  }
  func.func @transform_3(%arg0: i32) -> (i32, i32) {
    %c0_i32 = arith.constant 0 : i32
    %c0_i32_0 = arith.constant 0 : i32
    %c0_i32_1 = arith.constant 0 : i32
    return %c0_i32, %c0_i32_0 : i32, i32
  }
  func.func @transform_4(%arg0: i32) -> (i32, i32) {
    %c0_i32 = arith.constant 0 : i32
    %c0_i32_0 = arith.constant 0 : i32
    return %arg0, %c0_i32 : i32, i32
  }
  func.func @transform_5(%arg0: i32) -> (i32, i32) {
    %c0_i32 = arith.constant 0 : i32
    %c0_i32_0 = arith.constant 0 : i32
    return %arg0, %c0_i32 : i32, i32
  }
  func.func @transform_6(%arg0: i32) -> (i32, i32) {
    %c0_i32 = arith.constant 0 : i32
    %c0_i32_0 = arith.constant 0 : i32
    return %arg0, %c0_i32 : i32, i32
  }
}

module attributes {stable_mosaic.version = 14 : i64} {
  func.func @_prep2_body(%arg0: i32, %arg1: memref<16x128x128xf32, #tpu.memory_space<vmem>>, %arg2: memref<16x128x128xf32, #tpu.memory_space<vmem>>, %arg3: memref<16x128xf32, #tpu.memory_space<vmem>>, %arg4: memref<16x128xf32, #tpu.memory_space<vmem>>, %arg5: memref<1x128xf32, #tpu.memory_space<vmem>>, %arg6: memref<128x128xf32, #tpu.memory_space<vmem>>, %arg7: memref<2048x128xf32, #tpu.memory_space<vmem>>) attributes {dimension_semantics = [#tpu.dimension_semantics<arbitrary>], iteration_bounds = array<i64: 5>, scalar_prefetch = 0 : i64, scratch_operands = 0 : i64, tpu.core_type = #tpu.core_type<tc>, window_params = [{transform_indices = @transform_0, window_bounds = array<i64: 16, 128, 128>}, {transform_indices = @transform_1, window_bounds = array<i64: 16, 128, 128>}, {transform_indices = @transform_2, window_bounds = array<i64: 16, 128>}, {transform_indices = @transform_3, window_bounds = array<i64: 16, 128>}, {pipeline_mode = #tpu.pipeline_mode<synchronous>, transform_indices = @transform_4, window_bounds = array<i64: 1, 128>}, {pipeline_mode = #tpu.pipeline_mode<synchronous>, transform_indices = @transform_5, window_bounds = array<i64: 128, 128>}, {transform_indices = @transform_6, window_bounds = array<i64: 2048, 128>}]} {
    %get3A = arith.constant 0 : index
    %get3A_0 = arith.constant 0 : index
    %get3A_1 = vector.load %arg3[%get3A, %get3A_0] : memref<16x128xf32, #tpu.memory_space<vmem>>, vector<16x128xf32>
    %broadcast_in_dim3A = vector.shape_cast %get3A_1 : vector<16x128xf32> to vector<16x128x1xf32>
    %get3A_2 = arith.constant 0 : index
    %get3A_3 = arith.constant 0 : index
    %get3A_4 = arith.constant 0 : index
    %get3A_5 = vector.load %arg1[%get3A_2, %get3A_3, %get3A_4] : memref<16x128x128xf32, #tpu.memory_space<vmem>>, vector<16x128x128xf32>
    %get3A_6 = arith.constant 0 : index
    %get3A_7 = arith.constant 0 : index
    %get3A_8 = arith.constant 0 : index
    %get3A_9 = vector.load %arg2[%get3A_6, %get3A_7, %get3A_8] : memref<16x128x128xf32, #tpu.memory_space<vmem>>, vector<16x128x128xf32>
    %add3A = arith.addf %get3A_5, %get3A_9 : vector<16x128x128xf32>
    %mul3A = vector.broadcast %broadcast_in_dim3A : vector<16x128x1xf32> to vector<16x128x128xf32>
    %mul3A_10 = arith.mulf %mul3A, %add3A : vector<16x128x128xf32>
    %get3A_11 = arith.constant 0 : index
    %get3A_12 = arith.constant 0 : index
    %get3A_13 = vector.load %arg5[%get3A_11, %get3A_12] : memref<1x128xf32, #tpu.memory_space<vmem>>, vector<1x128xf32>
    %reshape3A = vector.shape_cast %get3A_13 : vector<1x128xf32> to vector<1x1x128xf32>
    %add3A_14 = vector.broadcast %reshape3A : vector<1x1x128xf32> to vector<16x128x128xf32>
    %add3A_15 = arith.addf %mul3A_10, %add3A_14 : vector<16x128x128xf32>
    %max3A = arith.constant 0.000000e+00 : f32
    %max3A_16 = vector.broadcast %max3A : f32 to vector<16x128x128xf32>
    %max3A_17 = arith.maximumf %add3A_15, %max3A_16 : vector<16x128x128xf32>
    %get3A_18 = arith.constant 0 : index
    %get3A_19 = arith.constant 0 : index
    %get3A_20 = vector.load %arg4[%get3A_18, %get3A_19] : memref<16x128xf32, #tpu.memory_space<vmem>>, vector<16x128xf32>
    %broadcast_in_dim3A_21 = vector.shape_cast %get3A_20 : vector<16x128xf32> to vector<16x128x1xf32>
    %mul3A_22 = vector.broadcast %broadcast_in_dim3A_21 : vector<16x128x1xf32> to vector<16x128x128xf32>
    %mul3A_23 = arith.mulf %max3A_17, %mul3A_22 : vector<16x128x128xf32>
    %reshape3A_24 = vector.shape_cast %mul3A_23 : vector<16x128x128xf32> to vector<2048x128xf32>
    %get3A_25 = arith.constant 0 : index
    %get3A_26 = arith.constant 0 : index
    %get3A_27 = vector.load %arg6[%get3A_25, %get3A_26] : memref<128x128xf32, #tpu.memory_space<vmem>>, vector<128x128xf32>
    %dot_general3A = arith.constant dense<0.000000e+00> : vector<2048x128xf32>
    %dot_general3A_28 = tpu.matmul %reshape3A_24, %get3A_27, %dot_general3A {dimension_numbers = #tpu.dot_dimension_numbers<[1], [0], [0], [1], [0, 0, 1, 1], [], []>, transpose_lhs_hint = false} : vector<2048x128xf32>, vector<128x128xf32>, vector<2048x128xf32> -> vector<2048x128xf32>
    %swap3A = arith.constant 0 : index
    %swap3A_29 = arith.constant 0 : index
    %swap3A_30 = vector.load %arg7[%swap3A, %swap3A_29] : memref<2048x128xf32, #tpu.memory_space<vmem>>, vector<2048x128xf32>
    tpu.vector_store %arg7[%swap3A, %swap3A_29], %dot_general3A_28 {strides = array<i32>} : memref<2048x128xf32, #tpu.memory_space<vmem>>, vector<2048x128xf32>,
    return
  }
  func.func @transform_0(%arg0: i32) -> (i32, i32, i32) {
    %c0_i32 = arith.constant 0 : i32
    %c0_i32_0 = arith.constant 0 : i32
    %c0_i32_1 = arith.constant 0 : i32
    return %arg0, %c0_i32, %c0_i32_0 : i32, i32, i32
  }
  func.func @transform_1(%arg0: i32) -> (i32, i32, i32) {
    %c0_i32 = arith.constant 0 : i32
    %c0_i32_0 = arith.constant 0 : i32
    %c0_i32_1 = arith.constant 0 : i32
    return %arg0, %c0_i32, %c0_i32_0 : i32, i32, i32
  }
  func.func @transform_2(%arg0: i32) -> (i32, i32) {
    %c0_i32 = arith.constant 0 : i32
    %c0_i32_0 = arith.constant 0 : i32
    return %arg0, %c0_i32 : i32, i32
  }
  func.func @transform_3(%arg0: i32) -> (i32, i32) {
    %c0_i32 = arith.constant 0 : i32
    %c0_i32_0 = arith.constant 0 : i32
    return %arg0, %c0_i32 : i32, i32
  }
  func.func @transform_4(%arg0: i32) -> (i32, i32) {
    %c0_i32 = arith.constant 0 : i32
    %c0_i32_0 = arith.constant 0 : i32
    %c0_i32_1 = arith.constant 0 : i32
    return %c0_i32, %c0_i32_0 : i32, i32
  }
  func.func @transform_5(%arg0: i32) -> (i32, i32) {
    %c0_i32 = arith.constant 0 : i32
    %c0_i32_0 = arith.constant 0 : i32
    %c0_i32_1 = arith.constant 0 : i32
    return %c0_i32, %c0_i32_0 : i32, i32
  }
  func.func @transform_6(%arg0: i32) -> (i32, i32) {
    %c0_i32 = arith.constant 0 : i32
    %c0_i32_0 = arith.constant 0 : i32
    return %arg0, %c0_i32 : i32, i32
  }
}

module attributes {stable_mosaic.version = 14 : i64} {
  func.func @_finish_body(%arg0: i32, %arg1: memref<16x128x128xf32, #tpu.memory_space<vmem>>, %arg2: memref<16x128x128xf32, #tpu.memory_space<vmem>>, %arg3: memref<16x128xf32, #tpu.memory_space<vmem>>, %arg4: memref<1x128xf32, #tpu.memory_space<vmem>>, %arg5: memref<2048x128xf32, #tpu.memory_space<vmem>>) attributes {dimension_semantics = [#tpu.dimension_semantics<arbitrary>], iteration_bounds = array<i64: 5>, scalar_prefetch = 0 : i64, scratch_operands = 0 : i64, tpu.core_type = #tpu.core_type<tc>, window_params = [{transform_indices = @transform_0, window_bounds = array<i64: 16, 128, 128>}, {transform_indices = @transform_1, window_bounds = array<i64: 16, 128, 128>}, {transform_indices = @transform_2, window_bounds = array<i64: 16, 128>}, {pipeline_mode = #tpu.pipeline_mode<synchronous>, transform_indices = @transform_3, window_bounds = array<i64: 1, 128>}, {transform_indices = @transform_4, window_bounds = array<i64: 2048, 128>}]} {
    %get3A = arith.constant 0 : index
    %get3A_0 = arith.constant 0 : index
    %get3A_1 = vector.load %arg3[%get3A, %get3A_0] : memref<16x128xf32, #tpu.memory_space<vmem>>, vector<16x128xf32>
    %broadcast_in_dim3A = vector.shape_cast %get3A_1 : vector<16x128xf32> to vector<16x128x1xf32>
    %get3A_2 = arith.constant 0 : index
    %get3A_3 = arith.constant 0 : index
    %get3A_4 = arith.constant 0 : index
    %get3A_5 = vector.load %arg1[%get3A_2, %get3A_3, %get3A_4] : memref<16x128x128xf32, #tpu.memory_space<vmem>>, vector<16x128x128xf32>
    %get3A_6 = arith.constant 0 : index
    %get3A_7 = arith.constant 0 : index
    %get3A_8 = arith.constant 0 : index
    %get3A_9 = vector.load %arg2[%get3A_6, %get3A_7, %get3A_8] : memref<16x128x128xf32, #tpu.memory_space<vmem>>, vector<16x128x128xf32>
    %add3A = arith.addf %get3A_5, %get3A_9 : vector<16x128x128xf32>
    %mul3A = vector.broadcast %broadcast_in_dim3A : vector<16x128x1xf32> to vector<16x128x128xf32>
    %mul3A_10 = arith.mulf %mul3A, %add3A : vector<16x128x128xf32>
    %get3A_11 = arith.constant 0 : index
    %get3A_12 = arith.constant 0 : index
    %get3A_13 = vector.load %arg4[%get3A_11, %get3A_12] : memref<1x128xf32, #tpu.memory_space<vmem>>, vector<1x128xf32>
    %reshape3A = vector.shape_cast %get3A_13 : vector<1x128xf32> to vector<1x1x128xf32>
    %add3A_14 = vector.broadcast %reshape3A : vector<1x1x128xf32> to vector<16x128x128xf32>
    %add3A_15 = arith.addf %mul3A_10, %add3A_14 : vector<16x128x128xf32>
    %reshape3A_16 = vector.shape_cast %add3A_15 : vector<16x128x128xf32> to vector<2048x128xf32>
    %swap3A = arith.constant 0 : index
    %swap3A_17 = arith.constant 0 : index
    %swap3A_18 = vector.load %arg5[%swap3A, %swap3A_17] : memref<2048x128xf32, #tpu.memory_space<vmem>>, vector<2048x128xf32>
    tpu.vector_store %arg5[%swap3A, %swap3A_17], %reshape3A_16 {strides = array<i32>} : memref<2048x128xf32, #tpu.memory_space<vmem>>, vector<2048x128xf32>,
    return
  }
  func.func @transform_0(%arg0: i32) -> (i32, i32, i32) {
    %c0_i32 = arith.constant 0 : i32
    %c0_i32_0 = arith.constant 0 : i32
    %c0_i32_1 = arith.constant 0 : i32
    return %arg0, %c0_i32, %c0_i32_0 : i32, i32, i32
  }
  func.func @transform_1(%arg0: i32) -> (i32, i32, i32) {
    %c0_i32 = arith.constant 0 : i32
    %c0_i32_0 = arith.constant 0 : i32
    %c0_i32_1 = arith.constant 0 : i32
    return %arg0, %c0_i32, %c0_i32_0 : i32, i32, i32
  }
  func.func @transform_2(%arg0: i32) -> (i32, i32) {
    %c0_i32 = arith.constant 0 : i32
    %c0_i32_0 = arith.constant 0 : i32
    return %arg0, %c0_i32 : i32, i32
  }
  func.func @transform_3(%arg0: i32) -> (i32, i32) {
    %c0_i32 = arith.constant 0 : i32
    %c0_i32_0 = arith.constant 0 : i32
    %c0_i32_1 = arith.constant 0 : i32
    return %c0_i32, %c0_i32_0 : i32, i32
  }
  func.func @transform_4(%arg0: i32) -> (i32, i32) {
    %c0_i32 = arith.constant 0 : i32
    %c0_i32_0 = arith.constant 0 : i32
    return %arg0, %c0_i32 : i32, i32
  }
}

</mosaic_0001>

<sc_bundles>
// kernel: kernel.11.cloned.1.call-start
scs
__scs_entry_jumppad:
0x0: {  	(pc) =	sbr.rel $0x88, $3  }
0x1: {  	(tag) =	ssettag $0x0;
	lr =	simm.s32 $0x1  }
0x2: {  	[smem:$0x3F9B] =	sst lr;
	_ =	strace $0xD0000000  }
0x3: {  	_ = 	snop  }
0x4: {  	_ = 	snop  }
0x5: {  	_ = 	snop  }
0x6: {  	_ = 	snop  }
0x7: {  	_ = 	snop  }
__scs_overlays_trampoline_lowered:
0x8: {  	[smem:$0x3FAA] =	sst s0  }
0x9: {  	[smem:$0x3FAB] =	sst s1  }
0xa: {  	[smem:$0x3FAC] =	sst s2  }
0xb: {  	[smem:$0x3FAD] =	sst s3  }
0xc: {  	[smem:$0x3FAE] =	sst s4  }
0xd: {  	[smem:$0x3FAF] =	sst s5  }
0xe: {  	[smem:$0x3FB0] =	sst s6  }
0xf: {  	[smem:$0x3FB1] =	sst s7  }
0x10: {  	[smem:$0x3FB2] =	sst s8  }
0x11: {  	[smem:$0x3FB3] =	sst s9;
	s0 =	simm.s32 @!p0 $0x0  }
0x12: {  	s1 =	sld [smem:$0x3F99];
	s0 =	simm.s32 @p0 $0x1  }
0x13: {  	[smem:$0x3FB4] =	sst s0;
	s0 =	simm.s32 @!p1 $0x0  }
0x14: {  	s2 =	sld [smem:$0x3F98];
	s0 =	simm.s32 @p1 $0x1  }
0x15: {  	[smem:$0x3FB5] =	sst s0;
	s0 =	simm.s32 @!p2 $0x0  }
0x16: {  	s3 =	sld [smem:$0x3FDB];
	s0 =	simm.s32 @p2 $0x1  }
0x17: {  	s4 =	simm.s32 $0x1BF5;
	[smem:$0x3FB7] =	sst s0  }
0x18: {  	s0 =	sld [smem:$0x3F9A];
	_ =	swait.ge [sflag:s4], $0x0  }
0x19: {  	s7 =	sld [smem:$0x3F9B]  }
0x1a: {  	s8 =	sadd.s32 $0xFFFFE003, lr  }
0x1b: {  	s9 =	sadd.s32 $0xFFFFFEF7, lr;
	s5 =	simm.s32 $0xFFFFFFFF;
	p2 =	slt.u32 s8, $0xFFFFF086  }
0x1c: {  	p1 =	slt.u32 s9, $0xF7A;
	s5 =	simm.s32 @!p2 $0x0  }
0x1d: {  	s5 =	simm.s32 @p1 $0x1;
	p0 =	seq.s32 s7, s2  }
0x1e: {  	s7 =	smul.u32 @!p0 $0xF7A, s2;
	p2 =	seq.s32 @!p0 s5, $0x0  }
0x1f: {  	s9 =	smul.u32 $0xF7A, s1;
	s8 =	simm.s32 @!p0 $0x1BF5;
	p2 =	por !p2, p0  }
0x20: {  	[sflag:s8] =	ssyncset.s32 @!p0 $0xFFFFF086;
	s6 =	sadd.s32 @!p0 s3, s7;
	s7 =	simm.s32 @!p0 $0x108  }
0x21: {  	s3 =	sadd.s32 s3, s9;
	s6 =	sadd.s32 @!p0 $0x88, s6;
	s7 =	simm.s32 @p2 $0x1082  }
0x22: {  	[simem:s7], [sflag:s8] =	dma.local @!p0 [hbm:s6], $0xF7A  }
0x23: {  	s9 =	sor.u32 $0xD0000000, s2;
	s6 =	simm.s32 $0x108;
	_ =	swait.ge @!p0 [sflag:s8], $0x0  }
0x24: {  	s3 =	sadd.s32 $0x88, s3;
	s6 =	simm.s32 @!p1 $0x1082;
	[sflag:s4] =	ssyncset.s32 $0xFFFFF086  }
0x25: {  	[simem:s6], [sflag:s4] =	dma.local [hbm:s3], $0xF7A  }
0x26: {  	[smem:$0x3F9B] =	sst s1;
	(tag) =	ssettag s2;
	_ =	strace s9  }
0x27: {  	s1 =	sld [smem:$0x3FAB]  }
0x28: {  	s2 =	sld [smem:$0x3FAC]  }
0x29: {  	s4 =	sld [smem:$0x3FAE]  }
0x2a: {  	p0 =	seq.s32 s5, $0x0;
	s5 =	sld [smem:$0x3FAF]  }
0x2b: {  	s6 =	sld [smem:$0x3FB0]  }
0x2c: {  	s7 =	sld [smem:$0x3FB1]  }
0x2d: {  	s3 =	simm.s32 $0x108;
	s8 =	sld [smem:$0x3FB2]  }
0x2e: {  	s3 =	simm.s32 @!p0 $0x1082;
	s9 =	sld [smem:$0x3FB3]  }
0x2f: {  	lr =	sadd.s32 s0, s3;
	s0 =	sld [smem:$0x3FAA]  }
0x30: {  	s3 =	sld [smem:$0x3FAD]  }
0x31: {  	[smem:$0x3FB6] =	sst s10  }
0x32: {  	s10 =	sld [smem:$0x3FB4];
	_ =	sdelay $0x3  }
0x33: {  	p0 =	seq.s32 s10, $0x1;
	s10 =	sld [smem:$0x3FB6];
	_ =	sdelay $0x3  }
0x34: {  	[smem:$0x3FB6] =	sst s10  }
0x35: {  	s10 =	sld [smem:$0x3FB5];
	_ =	sdelay $0x3  }
0x36: {  	p1 =	seq.s32 s10, $0x1;
	s10 =	sld [smem:$0x3FB6];
	_ =	sdelay $0x3  }
0x37: {  	[smem:$0x3FB6] =	sst s10  }
0x38: {  	s10 =	sld [smem:$0x3FB7]  }
0x39: {  	_ = 	snop;
	(pc) =	sbr.ind lr, $3  }
0x3a: {  	_ = 	snop  }
0x3b: {  	_ = 	snop  }
0x3c: {  	p2 =	seq.s32 s10, $0x1;
	s10 =	sld [smem:$0x3FB6]  }
0x3d: {  	_ =	shalt  }
0x3e: {  	_ =	shalt  }
0x3f: {  	_ =	shalt  }
0x40: {  	_ =	shalt  }
0x41: {  	_ =	shalt  }
0x42: {  	_ =	shalt  }
0x43: {  	_ =	shalt  }
0x44: {  	_ =	shalt  }
0x45: {  	_ =	shalt  }
0x46: {  	_ =	shalt  }
0x47: {  	_ =	shalt  }
0x48: {  	_ =	shalt  }
0x49: {  	_ =	shalt  }
0x4a: {  	_ =	shalt  }
0x4b: {  	_ =	shalt  }
0x4c: {  	_ =	shalt  }
0x4d: {  	_ =	shalt  }
0x4e: {  	_ =	shalt  }
0x4f: {  	_ =	shalt  }
0x50: {  	_ =	shalt  }
0x51: {  	_ =	shalt  }
0x52: {  	_ =	shalt  }
0x53: {  	_ =	shalt  }
0x54: {  	_ =	shalt  }
0x55: {  	_ =	shalt  }
0x56: {  	_ =	shalt  }
0x57: {  	_ =	shalt  }
0x58: {  	_ =	shalt  }
0x59: {  	_ =	shalt  }
0x5a: {  	_ =	shalt  }
0x5b: {  	_ =	shalt  }
0x5c: {  	_ =	shalt  }
0x5d: {  	_ =	shalt  }
0x5e: {  	_ =	shalt  }
0x5f: {  	_ =	shalt  }
0x60: {  	_ =	shalt  }
0x61: {  	_ =	shalt  }
0x62: {  	_ =	shalt  }
0x63: {  	_ =	shalt  }
0x64: {  	_ =	shalt  }
0x65: {  	_ =	shalt  }
0x66: {  	_ =	shalt  }
0x67: {  	_ =	shalt  }
0x68: {  	_ =	shalt  }
0x69: {  	_ =	shalt  }
0x6a: {  	_ =	shalt  }
0x6b: {  	_ =	shalt  }
0x6c: {  	_ =	shalt  }
0x6d: {  	_ =	shalt  }
0x6e: {  	_ =	shalt  }
0x6f: {  	_ =	shalt  }
0x70: {  	_ =	shalt  }
0x71: {  	_ =	shalt  }
0x72: {  	_ =	shalt  }
0x73: {  	_ =	shalt  }
0x74: {  	_ =	shalt  }
0x75: {  	_ =	shalt  }
0x76: {  	_ =	shalt  }
0x77: {  	_ =	shalt  }
0x78: {  	_ =	shalt  }
0x79: {  	_ =	shalt  }
0x7a: {  	_ =	shalt  }
0x7b: {  	_ =	shalt  }
0x7c: {  	_ =	shalt  }
0x7d: {  	_ =	shalt  }
0x7e: {  	_ =	shalt  }
0x7f: {  	_ =	shalt  }
0x80: {  	_ =	shalt  }
0x81: {  	_ =	shalt  }
0x82: {  	_ =	shalt  }
0x83: {  	_ =	shalt  }
0x84: {  	_ =	shalt  }
0x85: {  	_ =	shalt  }
0x86: {  	_ =	shalt  }
0x87: {  	_ =	shalt  }
.Lfunc_end0:
.L_simem_size_0:
called_computation.1_lowered:
.L_overlay_start_0:
0x88: {  	s2 =	sld [smem:$0x3FD9]  }
0x89: {  	s3 =	sld [smem:$0x3FFE];
	_ =	sdelay $0x1  }
0x8a: {  	s1 =	srdreg.scid  }
0x8b: {  	s0 =	sand.u32 $0x1, s1  }
0x8c: {  	s17 =	sshll.u32 s0, $0xA;
	s2 =	sadd.s32 s3, s2  }
0x8d: {  	s2 =	sadd.s32 s2, s17  }
0x8e: {  	[smem:$0x3FC2] =	sst s2  }
0x8f: {  	_ = 	snop  }
0x90: {  	s2 =	sld [smem:$0x3FD0];
	(tm) =	ssettm $0x1  }
0x91: {  	s18 =	sld [smem:$0x3FFB];
	_ =	sdelay $0x3  }
0x92: {  	_ =	strace s18  }
0x93: {  	s3 =	sld [smem:$0x3FFC];
	_ =	sdelay $0x3  }
0x94: {  	_ =	strace s3  }
0x95: {  	s3 =	sld [smem:$0x3FFD];
	_ =	sdelay $0x3  }
0x96: {  	_ =	strace s3  }
0x97: {  	_ =	strace $0x8FFFFFFF  }
0x98: {  	s19 =	sld [smem:$0x3FDB];
	_ =	sdelay $0x1  }
0x99: {  	s4 =	simm.s32 $_scs_section_size  }
0x9a: {  	s5 =	simm.s32 $_size__tile_overlayer_lowered;
	s6 =	simm.s32 $_tile_overlayer_lowered  }
0x9b: {  	s22 =	simm.s32 $0x1BFF;
	s21 =	sshll.u32 s6, $0x1;
	s3 =	sadd.s32 s4, s19  }
0x9c: {  	s7 =	simm.s32 $0x0;
	s20 =	sshll.u32 s5, $0x1;
	s5 =	sadd.s32 s21, s3  }
0x9d: {  	[timem:s7], [sflag:s22] =	dma.local [hbm:s5], s20  }
0x9e: {  	_ =	swait.ge [sflag:s22], s20  }
0x9f: {  	s4 =	ssub.s32 $0x0, s20;
	[sflag:s22] =	ssyncset.done $0x0  }
0xa0: {  	[sflag:s22] =	ssyncadd.s32 s4;
	_ =	sdelay $0x1  }
0xa1: {  	s23 =	simm.s32 $0x1B8B  }
0xa2: {  	_ =	swait.ge [sflag:s23], $0x1  }
0xa3: {  	[sflag:s23] =	ssyncset.done $0x0  }
0xa4: {  	s25 =	simm.s32 $0x1B8E;
	s24 =	sld [smem:$0x3FFE];
	[sflag:s23] =	ssyncadd.s32 $0xFFFFFFFF  }
0xa5: {  	s26 =	simm.s32 $execute0_lowered;
	[smem:$0x3FD2] =	sst s25  }
0xa6: {  	s5 =	sshll.u32 s26, $0x1;
	_ =	strace $0x80000049;
	[dreg:$0x1] =	wrdreg $0xFFFFFFFF  }
0xa7: {  	s28 =	simm.s32 $_size_execute0_lowered;
	s3 =	sadd.s32 s3, s5;
	[dreg:$0x0] =	wrdreg $0x0  }
0xa8: {  	s5 =	sshll.u32 s28, $0x1;
	[dreg:$0x2] =	wrdreg s3  }
0xa9: {  	[dreg:$0x3] =	wrdreg s5  }
0xaa: {  	[dreg:$0x4] =	wrdreg $0xC0  }
0xab: {  	_ =	task [dreg:s7], $0x5FFFF  }
0xac: {  	[dreg:$0x1] =	wrdreg $0xFFFFFFFF  }
0xad: {  	[dreg:$0x0] =	wrdreg $0x60  }
0xae: {  	[dreg:$0x2] =	wrdreg s24  }
0xaf: {  	[dreg:$0x3] =	wrdreg s2  }
0xb0: {  	[dreg:$0x4] =	wrdreg $0xB0000  }
0xb1: {  	[dreg:$0x5] =	wrdreg $0x9  }
0xb2: {  	_ =	task.clear_ibuf [dreg:s7], $0x6FFFF;
	_ =	strace $0x90000049  }
0xb3: {  	s29 =	simm.s32 $0x9;
	_ =	strace $0x8000004B  }
0xb4: {  	_ =	swait.ge [sflag:s29], $0x1  }
0xb5: {  	[sflag:s29] =	ssyncadd.s32 $0xFFFFFFFF  }
0xb6: {  	_ =	strace $0x9000004B  }
0xb7: {  	_ =	sfence  }
0xb8: {  	s30 =	sld [smem:$0x0];
	_ =	sdelay $0x2  }
0xb9: {  	s31 =	sshll.u32 s1, $0xD;
	s1 =	sshrl.u32 s1, $0x2  }
0xba: {  	s3 =	sand.u32 $0x4000, s31;
	s1 =	sadd.s32 s1, s30  }
0xbb: {  	s0 =	sor.u32 s3, s0;
	s1 =	sshll.u32 s1, $0x11  }
0xbc: {  	s0 =	sor.u32 s1, s0  }
0xbd: {  	s0 =	sadd.s32 $0x8F2B, s0  }
0xbe: {  	[sflag:s0] =	ssyncadd.remote.s32 $0x1  }
0xbf: {  	_ =	sfence.sel $0xFFFF  }
0xc0: {  	[dreg:$0x0] =	wrdreg $0xFFFFFFFF;
	(pc) =	sbr.abs _section_cstart, $3  }
0xc1: {  	[dreg:$0x1] =	wrdreg $0xFFFFFFFF  }
0xc2: {  	_ =	task.clear_ibuf [dreg:s7], $0x2FFFF;
	_ =	strace $0x9FFFFFFF  }
0xc3: {  	(tm) =	ssettm $0x7FFFFFFF  }
tec
execute0_lowered:
.L_overlay_start_1:
0x0: {  	(tag) =	ssettag $0x1  }
0x1: {  	s11 =	rddreg [dreg:$0x0]  }
0x2: {  	s5 =	rddreg [dreg:$0x1]  }
0x3: {  	s0 =	srdreg.scid;
	s2 =	rddreg [dreg:$0x2]  }
0x4: {  	s1 =	stileid.u32;
	s3 =	simm.s32 $0x0;
	s12 =	simm.s32 $0x53200  }
0x5: {  	s14 =	simm.s32 $0x3;
	s15 =	simm.s32 $0x1;
	s16 =	simm.s32 $0x2  }
0x6: {  	s17 =	simm.s32 $0x80;
	s18 =	simm.s32 $0x2800;
	s19 =	simm.s32 $0x6800  }
0x7: {  	s20 =	simm.s32 $0x2700;
	s21 =	simm.s32 $0x2780;
	s22 =	simm.s32 $0x0  }
0x8: {  	s8 =	sand.u32 $0x1, s0;
	s0 =	rddreg [dreg:$0x3];
	s9 =	smul.u32 $0x50000, s1  }
0x9: {  	[smem:$0x7FF] =	sst s3;
	s13 =	smul.u32 $0x2800, s1;
	s4 =	sshll.u32 s8, $0x4  }
0xa: {  	_ =	strace $0x8000004A;
	s6 =	ssub.s32 $0x2, s8;
	s4 =	sor.u32 s1, s4  }
0xb: {  	p0 =	seq.s32 s8, $0x1;
	s10 =	sshrl.u32 s6, $0x1;
	s4 =	smul.u32 $0x2800, s4  }
0xc: {  	s31 =	sshrl.u32 s9, $0x2;
	s12 =	simm.s32 @!p0 $0x2B200;
	s10 =	ssub.s32 s6, s10  }
0xd: {  	s10 =	smax.u32 s10, $0x1;
	s7 =	sshrl.u32 s4, $0x3;
	s4 =	sadd.s32 $0x3200, s11  }
0xe: {  	s11 =	sadd.s32 s12, s11;
	s12 =	simm.s32 $0x1400;
	s5 =	sadd.s32 s5, s7  }
0xf: {  	s7 =	sadd.s32 s31, s2;
	s11 =	sadd.s32 s11, s13;
	s13 =	simm.s32 $0xA800  }
0x10: {  	v0 =	vimm.f32 $0.0e+00;
	s6 =	sadd.s32 $0xA000, s5;
	s8 =	sadd.s32 $0x280, s5;
	s9 =	sadd.s32 $0xA280, s5  }
.LBB2_1:
0x11: {  	[tilespmem:s3], [sflag:$0x1] =	stream.linear.gather [hbm4b:s5+s3], $0x1400, $0x38;
	[tilespmem:$0x1F000] =	vst v63  }
0x12: {  	s23 =	simm.s32 $0x0;
	s24 =	simm.s32 $0x200  }
0x13: {  	[tilespmem:s12], [sflag:$0x2] =	stream.linear.gather [hbm4b:s6+s3], $0x1400, $0x38;
	[tilespmem:$0x1F000] =	vst v63  }
.LBB2_2:
0x14: {  	p0 =	sne.s32 s24, $0x1E00;
	[tilespmem:s23+$0xA870] =	vst v0  }
0x15: {  	[tilespmem:s23+$0xA800] =	vst v0  }
0x16: {  	[tilespmem:s23+$0xA810] =	vst v0  }
.Ltmp0:
0x17: {  	[tilespmem:s23+$0xA820] =	vst v0;
	(pc) =	sbr.rel @p0 .LBB2_2-.Ltmp0, $4  }
0x18: {  	[tilespmem:s23+$0xA830] =	vst v0  }
0x19: {  	[tilespmem:s23+$0xA840] =	vst v0  }
0x1a: {  	[tilespmem:s23+$0xA850] =	vst v0  }
0x1b: {  	[tilespmem:s23+$0xA860] =	vst v0;
	s23 =	sshra.s32 s24, $0x2;
	s24 =	sadd.s32 $0x200, s24  }
0x1c: {  	[tilespmem:s23+$0xA870] =	vst v0  }
0x1d: {  	[tilespmem:s23+$0xA800] =	vst v0  }
0x1e: {  	[tilespmem:s23+$0xA810] =	vst v0  }
0x1f: {  	[tilespmem:s23+$0xA820] =	vst v0  }
0x20: {  	[tilespmem:s23+$0xA830] =	vst v0  }
0x21: {  	[tilespmem:s23+$0xA840] =	vst v0  }
0x22: {  	[tilespmem:s23+$0xA850] =	vst v0  }
0x23: {  	[tilespmem:s23+$0xA860] =	vst v0;
	s31 =	sadd.s32 $0x0, s7  }
0x24: {  	[spmem:s31] =	stream.linear.scatter [tilespmem:s13], [sflag:$0x3], $0x800, $0x38;
	[tilespmem:$0x1F000] =	vst v63  }
0x25: {  	s23 =	simm.s32 $0x2000;
	_ =	swait.ge [sflag:s14], $0x800  }
.LBB2_4:
0x26: {  	s24 =	sshra.s32 s23, $0x2;
	[sflag:s14] =	ssyncset.done $0x0;
	p0 =	sne.s32 s23, $0x4E000  }
.Ltmp1:
0x27: {  	s24 =	sadd.s32 s24, s7;
	[sflag:s14] =	ssyncadd.s32 $0xFFFFF800;
	(pc) =	sbr.rel @p0 .LBB2_4-.Ltmp1, $3  }
0x28: {  	[spmem:s24] =	stream.linear.scatter [tilespmem:s13], [sflag:$0x3], $0x800, $0x38;
	[tilespmem:$0x1F000] =	vst v63  }
0x29: {  	s23 =	sadd.s32 $0x2000, s23;
	_ =	sdelay $0x1  }
0x2a: {  	_ =	swait.ge [sflag:s14], $0x800  }
0x2b: {  	[sflag:s14] =	ssyncset.done $0x0  }
0x2c: {  	[sflag:s14] =	ssyncadd.s32 $0xFFFFF800  }
0x2d: {  	[bflag:$0x0] =	sbarrier.arrive $0xFFFF  }
0x2e: {  	_ =	swait.ge [sflag:s15], $0x1400  }
0x2f: {  	[sflag:s15] =	ssyncset.done $0x0  }
0x30: {  	[sflag:s15] =	ssyncadd.s32 $0xFFFFEC00  }
0x31: {  	_ =	swait.ge [sflag:s16], $0x1400  }
0x32: {  	[sflag:s16] =	ssyncset.done $0x0  }
0x33: {  	s23 =	simm.s32 $0x0;
	[sflag:s16] =	ssyncadd.s32 $0xFFFFEC00  }
0x34: {  	[tilespmem:s18], [sflag:$0x1] =	stream.indirect.gather [hbm4b:s4+s17], $0x80, s23, s17, $0xb8;
	[tilespmem:$0x1F000] =	vst v63  }
0x35: {  	_ = 	snop  }
0x36: {  	[tilespmem:s19], [sflag:$0x2] =	stream.indirect.gather [hbm4b:s4+s17], $0x80, s17, s17, $0xb8;
	[tilespmem:$0x1F000] =	vst v63  }
0x37: {  	_ =	swait.ge [sflag:s15], $0x4000  }
0x38: {  	[sflag:s15] =	ssyncset.done $0x0  }
0x39: {  	s29 =	simm.s32 $0x1400;
	[sflag:s15] =	ssyncadd.s32 $0xFFFFC000  }
0x3a: {  	[spmem:s2] =	stream.indirect.scatter.add.f32 [tilespmem:s18], [sflag:$0x3], $0x80, s29, s17, $0xb8;
	[tilespmem:$0x1F000] =	vst v63  }
0x3b: {  	_ =	swait.ge [sflag:s14], $0x4000  }
0x3c: {  	[sflag:s14] =	ssyncset.done $0x0  }
0x3d: {  	s30 =	simm.s32 $0x100;
	[sflag:s14] =	ssyncadd.s32 $0xFFFFC000  }
0x3e: {  	[tilespmem:s18], [sflag:$0x1] =	stream.indirect.gather [hbm4b:s4+s17], $0x80, s30, s17, $0xb8;
	[tilespmem:$0x1F000] =	vst v63  }
0x3f: {  	_ =	swait.ge [sflag:s16], $0x4000  }
0x40: {  	[sflag:s16] =	ssyncset.done $0x0  }
0x41: {  	s31 =	simm.s32 $0x1480;
	[sflag:s16] =	ssyncadd.s32 $0xFFFFC000  }
0x42: {  	[spmem:s2] =	stream.indirect.scatter.add.f32 [tilespmem:s19], [sflag:$0x3], $0x80, s31, s17, $0xb8;
	[tilespmem:$0x1F000] =	vst v63  }
0x43: {  	_ =	swait.ge [sflag:s14], $0x4000  }
0x44: {  	[sflag:s14] =	ssyncset.done $0x0  }
0x45: {  	s24 =	simm.s32 $0x180;
	s23 =	simm.s32 $0x400;
	[sflag:s14] =	ssyncadd.s32 $0xFFFFC000  }
.LBB2_6:
0x46: {  	[tilespmem:s19], [sflag:$0x2] =	stream.indirect.gather [hbm4b:s4+s17], $0x80, s24, s17, $0xb8;
	[tilespmem:$0x1F000] =	vst v63  }
0x47: {  	s24 =	smov.u32 s23  }
0x48: {  	p0 =	sne.s32 s23, $0x4800;
	s23 =	sadd.s32 $0x400, s23;
	_ =	swait.ge [sflag:s15], $0x4000  }
0x49: {  	s24 =	sshra.s32 s24, $0x2;
	[sflag:s15] =	ssyncset.done $0x0  }
0x4a: {  	s25 =	sadd.s32 $0x1400, s24;
	[sflag:s15] =	ssyncadd.s32 $0xFFFFC000  }
0x4b: {  	[spmem:s2] =	stream.indirect.scatter.add.f32 [tilespmem:s18], [sflag:$0x3], $0x80, s25, s17, $0xb8;
	[tilespmem:$0x1F000] =	vst v63  }
0x4c: {  	_ =	swait.ge [sflag:s14], $0x4000  }
0x4d: {  	[sflag:s14] =	ssyncset.done $0x0  }
0x4e: {  	s25 =	sadd.s32 $0x100, s24;
	[sflag:s14] =	ssyncadd.s32 $0xFFFFC000  }
0x4f: {  	[tilespmem:s18], [sflag:$0x1] =	stream.indirect.gather [hbm4b:s4+s17], $0x80, s25, s17, $0xb8;
	[tilespmem:$0x1F000] =	vst v63  }
0x50: {  	_ =	swait.ge [sflag:s16], $0x4000  }
0x51: {  	[sflag:s16] =	ssyncset.done $0x0  }
.Ltmp2:
0x52: {  	s25 =	sadd.s32 $0x1480, s24;
	[sflag:s16] =	ssyncadd.s32 $0xFFFFC000;
	(pc) =	sbr.rel @p0 .LBB2_6-.Ltmp2, $4  }
0x53: {  	[spmem:s2] =	stream.indirect.scatter.add.f32 [tilespmem:s19], [sflag:$0x3], $0x80, s25, s17, $0xb8;
	[tilespmem:$0x1F000] =	vst v63  }
0x54: {  	_ =	swait.ge [sflag:s14], $0x4000  }
0x55: {  	[sflag:s14] =	ssyncset.done $0x0  }
0x56: {  	s24 =	sadd.s32 $0x180, s24;
	[sflag:s14] =	ssyncadd.s32 $0xFFFFC000  }
0x57: {  	[tilespmem:s19], [sflag:$0x2] =	stream.indirect.gather [hbm4b:s4+s17], $0x80, s24, s17, $0xb8;
	[tilespmem:$0x1F000] =	vst v63  }
0x58: {  	_ =	swait.ge [sflag:s15], $0x4000  }
0x59: {  	[sflag:s15] =	ssyncset.done $0x0  }
0x5a: {  	[sflag:s15] =	ssyncadd.s32 $0xFFFFC000  }
0x5b: {  	[spmem:s2] =	stream.indirect.scatter.add.f32 [tilespmem:s18], [sflag:$0x3], $0x80, s20, s17, $0xb8;
	[tilespmem:$0x1F000] =	vst v63  }
0x5c: {  	_ =	swait.ge [sflag:s14], $0x4000  }
0x5d: {  	[sflag:s14] =	ssyncset.done $0x0  }
0x5e: {  	[sflag:s14] =	ssyncadd.s32 $0xFFFFC000  }
0x5f: {  	_ =	swait.ge [sflag:s16], $0x4000  }
0x60: {  	[sflag:s16] =	ssyncset.done $0x0  }
0x61: {  	[sflag:s16] =	ssyncadd.s32 $0xFFFFC000  }
0x62: {  	[spmem:s2] =	stream.indirect.scatter.add.f32 [tilespmem:s19], [sflag:$0x3], $0x80, s21, s17, $0xb8;
	[tilespmem:$0x1F000] =	vst v63  }
0x63: {  	_ =	swait.ge [sflag:s14], $0x4000  }
0x64: {  	[sflag:s14] =	ssyncset.done $0x0  }
0x65: {  	s23 =	simm.s32 $0x0;
	[sflag:s14] =	ssyncadd.s32 $0xFFFFC000  }
0x66: {  	[tilespmem:s23], [sflag:$0x3] =	stream.linear.gather [hbm4b:s8+s23], $0x1400, $0x38;
	[tilespmem:$0x1F000] =	vst v63  }
0x67: {  	_ =	swait.ge [sflag:s14], $0x1400  }
0x68: {  	[sflag:s14] =	ssyncset.done $0x0  }
0x69: {  	[sflag:s14] =	ssyncadd.s32 $0xFFFFEC00  }
0x6a: {  	[tilespmem:s12], [sflag:$0x3] =	stream.linear.gather [hbm4b:s9+s23], $0x1400, $0x38;
	[tilespmem:$0x1F000] =	vst v63  }
0x6b: {  	_ =	swait.ge [sflag:s14], $0x1400  }
0x6c: {  	[sflag:s14] =	ssyncset.done $0x0  }
0x6d: {  	[sflag:s14] =	ssyncadd.s32 $0xFFFFEC00  }
0x6e: {  	[tilespmem:s18], [sflag:$0x1] =	stream.indirect.gather [hbm4b:s4+s17], $0x80, s23, s17, $0xb8;
	[tilespmem:$0x1F000] =	vst v63  }
0x6f: {  	_ = 	snop  }
0x70: {  	[tilespmem:s19], [sflag:$0x2] =	stream.indirect.gather [hbm4b:s4+s17], $0x80, s17, s17, $0xb8;
	[tilespmem:$0x1F000] =	vst v63  }
0x71: {  	_ =	swait.ge [sflag:s15], $0x4000  }
0x72: {  	[sflag:s15] =	ssyncset.done $0x0  }
0x73: {  	s29 =	simm.s32 $0x1400;
	[sflag:s15] =	ssyncadd.s32 $0xFFFFC000  }
0x74: {  	[spmem:s2] =	stream.indirect.scatter.add.f32 [tilespmem:s18], [sflag:$0x3], $0x80, s29, s17, $0xb8;
	[tilespmem:$0x1F000] =	vst v63  }
0x75: {  	_ =	swait.ge [sflag:s14], $0x4000  }
0x76: {  	[sflag:s14] =	ssyncset.done $0x0  }
0x77: {  	s30 =	simm.s32 $0x100;
	[sflag:s14] =	ssyncadd.s32 $0xFFFFC000  }
0x78: {  	[tilespmem:s18], [sflag:$0x1] =	stream.indirect.gather [hbm4b:s4+s17], $0x80, s30, s17, $0xb8;
	[tilespmem:$0x1F000] =	vst v63  }
0x79: {  	_ =	swait.ge [sflag:s16], $0x4000  }
0x7a: {  	[sflag:s16] =	ssyncset.done $0x0  }
0x7b: {  	s31 =	simm.s32 $0x1480;
	[sflag:s16] =	ssyncadd.s32 $0xFFFFC000  }
0x7c: {  	[spmem:s2] =	stream.indirect.scatter.add.f32 [tilespmem:s19], [sflag:$0x3], $0x80, s31, s17, $0xb8;
	[tilespmem:$0x1F000] =	vst v63  }
0x7d: {  	_ =	swait.ge [sflag:s14], $0x4000  }
0x7e: {  	[sflag:s14] =	ssyncset.done $0x0  }
0x7f: {  	s24 =	simm.s32 $0x180;
	s23 =	simm.s32 $0x400;
	[sflag:s14] =	ssyncadd.s32 $0xFFFFC000  }
.LBB2_8:
0x80: {  	[tilespmem:s19], [sflag:$0x2] =	stream.indirect.gather [hbm4b:s4+s17], $0x80, s24, s17, $0xb8;
	[tilespmem:$0x1F000] =	vst v63  }
0x81: {  	s24 =	smov.u32 s23  }
0x82: {  	p0 =	sne.s32 s23, $0x4800;
	s23 =	sadd.s32 $0x400, s23;
	_ =	swait.ge [sflag:s15], $0x4000  }
0x83: {  	s24 =	sshra.s32 s24, $0x2;
	[sflag:s15] =	ssyncset.done $0x0  }
0x84: {  	s25 =	sadd.s32 $0x1400, s24;
	[sflag:s15] =	ssyncadd.s32 $0xFFFFC000  }
0x85: {  	[spmem:s2] =	stream.indirect.scatter.add.f32 [tilespmem:s18], [sflag:$0x3], $0x80, s25, s17, $0xb8;
	[tilespmem:$0x1F000] =	vst v63  }
0x86: {  	_ =	swait.ge [sflag:s14], $0x4000  }
0x87: {  	[sflag:s14] =	ssyncset.done $0x0  }
0x88: {  	s25 =	sadd.s32 $0x100, s24;
	[sflag:s14] =	ssyncadd.s32 $0xFFFFC000  }
0x89: {  	[tilespmem:s18], [sflag:$0x1] =	stream.indirect.gather [hbm4b:s4+s17], $0x80, s25, s17, $0xb8;
	[tilespmem:$0x1F000] =	vst v63  }
0x8a: {  	_ =	swait.ge [sflag:s16], $0x4000  }
0x8b: {  	[sflag:s16] =	ssyncset.done $0x0  }
.Ltmp3:
0x8c: {  	s25 =	sadd.s32 $0x1480, s24;
	[sflag:s16] =	ssyncadd.s32 $0xFFFFC000;
	(pc) =	sbr.rel @p0 .LBB2_8-.Ltmp3, $4  }
0x8d: {  	[spmem:s2] =	stream.indirect.scatter.add.f32 [tilespmem:s19], [sflag:$0x3], $0x80, s25, s17, $0xb8;
	[tilespmem:$0x1F000] =	vst v63  }
0x8e: {  	_ =	swait.ge [sflag:s14], $0x4000  }
0x8f: {  	[sflag:s14] =	ssyncset.done $0x0  }
0x90: {  	s24 =	sadd.s32 $0x180, s24;
	[sflag:s14] =	ssyncadd.s32 $0xFFFFC000  }
0x91: {  	[tilespmem:s19], [sflag:$0x2] =	stream.indirect.gather [hbm4b:s4+s17], $0x80, s24, s17, $0xb8;
	[tilespmem:$0x1F000] =	vst v63  }
0x92: {  	_ =	swait.ge [sflag:s15], $0x4000  }
0x93: {  	[sflag:s15] =	ssyncset.done $0x0  }
0x94: {  	[sflag:s15] =	ssyncadd.s32 $0xFFFFC000  }
0x95: {  	[spmem:s2] =	stream.indirect.scatter.add.f32 [tilespmem:s18], [sflag:$0x3], $0x80, s20, s17, $0xb8;
	[tilespmem:$0x1F000] =	vst v63  }
0x96: {  	_ =	swait.ge [sflag:s14], $0x4000  }
0x97: {  	[sflag:s14] =	ssyncset.done $0x0  }
0x98: {  	[sflag:s14] =	ssyncadd.s32 $0xFFFFC000  }
0x99: {  	_ =	swait.ge [sflag:s16], $0x4000  }
0x9a: {  	[sflag:s16] =	ssyncset.done $0x0  }
0x9b: {  	[sflag:s16] =	ssyncadd.s32 $0xFFFFC000  }
0x9c: {  	[spmem:s2] =	stream.indirect.scatter.add.f32 [tilespmem:s19], [sflag:$0x3], $0x80, s21, s17, $0xb8;
	[tilespmem:$0x1F000] =	vst v63  }
0x9d: {  	_ =	swait.ge [sflag:s14], $0x4000  }
0x9e: {  	s23 =	sshll.u32 s1, $0x6;
	s22 =	sadd.s32 $0x1, s22;
	[sflag:s14] =	ssyncset.done $0x0  }
0x9f: {  	s31 =	sshrl.u32 s7, $0x3;
	p0 =	sne.s32 s22, s10;
	[sflag:s14] =	ssyncadd.s32 $0xFFFFC000  }
.Ltmp4:
0xa0: {  	s23 =	sor.u32 $0x1C03, s23;
	[bflag:$0x0] =	sbarrier.arrive $0xFFFF;
	(pc) =	sbr.rel @p0 .LBB2_1-.Ltmp4, $4  }
0xa1: {  	[hbm:s11], [sflag:s23] =	dma.local [spmem:s31], $0x2800  }
0xa2: {  	_ =	swait.ge [sflag:s14], $0x2800  }
0xa3: {  	[sflag:s14] =	ssyncset.done $0x0  }
0xa4: {  	[sflag:s14] =	ssyncadd.s32 $0xFFFFD800  }
0xa5: {  	_ =	sfence.sel $0x180000  }
0xa6: {  	[bflag:$0x0] =	sbarrier.arrive $0xFFFF  }
0xa7: {  	p0 =	sne.s32 s1, $0x0;
	_ =	strace $0x9000004A  }
0xa8: {  	s0 =	sadd.s32 @!p0 $0x100000, s0;
	[bflag:$0x2] =	sbarrier.arrive $0xFFFF  }
0xa9: {  	[sflag:s0] =	ssyncadd.tile.s32 @!p0 $0x1;
	_ =	shalt  }
.Lfunc_end2:
_tile_overlayer_lowered:
.L_overlay_start_2:
0xaa: {  	(tag) =	ssettag $0x2  }
0xab: {  	s0 =	rddreg [dreg:$0x0];
	s2 =	stileid.u32  }
0xac: {  	s1 =	rddreg [dreg:$0x1];
	p0 =	sne.s32 s2, $0x0  }
0xad: {  	s3 =	rddreg [dreg:$0x2];
	[bflag:$0x3] =	sbarrier.arrive $0xFFFF;
	s2 =	simm.s32 @!p0 $0x1C03  }
0xae: {  	[timem:s3], [sflag:s2] =	dma.local @!p0 [hbm:s0], s1  }
0xaf: {  	s0 =	simm.s32 @!p0 $0x3  }
0xb0: {  	_ =	swait.ge @!p0 [sflag:s0], s1  }
0xb1: {  	s1 =	ssub.s32 @!p0 $0x0, s1;
	[sflag:s0] =	ssyncset.done @!p0 $0x0  }
0xb2: {  	[sflag:s0] =	ssyncadd.s32 @!p0 s1  }
0xb3: {  	[bflag:$0x3] =	sbarrier.arrive $0xFFFF  }
0xb4: {  	_ =	shalt  }

// kernel: kernel.14.cloned.1.call-start
scs
__scs_entry_jumppad:
0x0: {  	(pc) =	sbr.rel $0x88, $3  }
0x1: {  	(tag) =	ssettag $0x0;
	lr =	simm.s32 $0x1  }
0x2: {  	[smem:$0x3F9B] =	sst lr;
	_ =	strace $0xD0000000  }
0x3: {  	_ = 	snop  }
0x4: {  	_ = 	snop  }
0x5: {  	_ = 	snop  }
0x6: {  	_ = 	snop  }
0x7: {  	_ = 	snop  }
__scs_overlays_trampoline_lowered:
0x8: {  	[smem:$0x3FAA] =	sst s0  }
0x9: {  	[smem:$0x3FAB] =	sst s1  }
0xa: {  	[smem:$0x3FAC] =	sst s2  }
0xb: {  	[smem:$0x3FAD] =	sst s3  }
0xc: {  	[smem:$0x3FAE] =	sst s4  }
0xd: {  	[smem:$0x3FAF] =	sst s5  }
0xe: {  	[smem:$0x3FB0] =	sst s6  }
0xf: {  	[smem:$0x3FB1] =	sst s7  }
0x10: {  	[smem:$0x3FB2] =	sst s8  }
0x11: {  	[smem:$0x3FB3] =	sst s9;
	s0 =	simm.s32 @!p0 $0x0  }
0x12: {  	s1 =	sld [smem:$0x3F99];
	s0 =	simm.s32 @p0 $0x1  }
0x13: {  	[smem:$0x3FB4] =	sst s0;
	s0 =	simm.s32 @!p1 $0x0  }
0x14: {  	s2 =	sld [smem:$0x3F98];
	s0 =	simm.s32 @p1 $0x1  }
0x15: {  	[smem:$0x3FB5] =	sst s0;
	s0 =	simm.s32 @!p2 $0x0  }
0x16: {  	s3 =	sld [smem:$0x3FDB];
	s0 =	simm.s32 @p2 $0x1  }
0x17: {  	s4 =	simm.s32 $0x1BF5;
	[smem:$0x3FB7] =	sst s0  }
0x18: {  	s0 =	sld [smem:$0x3F9A];
	_ =	swait.ge [sflag:s4], $0x0  }
0x19: {  	s7 =	sld [smem:$0x3F9B]  }
0x1a: {  	s8 =	sadd.s32 $0xFFFFE003, lr  }
0x1b: {  	s9 =	sadd.s32 $0xFFFFFEF7, lr;
	s5 =	simm.s32 $0xFFFFFFFF;
	p2 =	slt.u32 s8, $0xFFFFF086  }
0x1c: {  	p1 =	slt.u32 s9, $0xF7A;
	s5 =	simm.s32 @!p2 $0x0  }
0x1d: {  	s5 =	simm.s32 @p1 $0x1;
	p0 =	seq.s32 s7, s2  }
0x1e: {  	s7 =	smul.u32 @!p0 $0xF7A, s2;
	p2 =	seq.s32 @!p0 s5, $0x0  }
0x1f: {  	s9 =	smul.u32 $0xF7A, s1;
	s8 =	simm.s32 @!p0 $0x1BF5;
	p2 =	por !p2, p0  }
0x20: {  	[sflag:s8] =	ssyncset.s32 @!p0 $0xFFFFF086;
	s6 =	sadd.s32 @!p0 s3, s7;
	s7 =	simm.s32 @!p0 $0x108  }
0x21: {  	s3 =	sadd.s32 s3, s9;
	s6 =	sadd.s32 @!p0 $0x88, s6;
	s7 =	simm.s32 @p2 $0x1082  }
0x22: {  	[simem:s7], [sflag:s8] =	dma.local @!p0 [hbm:s6], $0xF7A  }
0x23: {  	s9 =	sor.u32 $0xD0000000, s2;
	s6 =	simm.s32 $0x108;
	_ =	swait.ge @!p0 [sflag:s8], $0x0  }
0x24: {  	s3 =	sadd.s32 $0x88, s3;
	s6 =	simm.s32 @!p1 $0x1082;
	[sflag:s4] =	ssyncset.s32 $0xFFFFF086  }
0x25: {  	[simem:s6], [sflag:s4] =	dma.local [hbm:s3], $0xF7A  }
0x26: {  	[smem:$0x3F9B] =	sst s1;
	(tag) =	ssettag s2;
	_ =	strace s9  }
0x27: {  	s1 =	sld [smem:$0x3FAB]  }
0x28: {  	s2 =	sld [smem:$0x3FAC]  }
0x29: {  	s4 =	sld [smem:$0x3FAE]  }
0x2a: {  	p0 =	seq.s32 s5, $0x0;
	s5 =	sld [smem:$0x3FAF]  }
0x2b: {  	s6 =	sld [smem:$0x3FB0]  }
0x2c: {  	s7 =	sld [smem:$0x3FB1]  }
0x2d: {  	s3 =	simm.s32 $0x108;
	s8 =	sld [smem:$0x3FB2]  }
0x2e: {  	s3 =	simm.s32 @!p0 $0x1082;
	s9 =	sld [smem:$0x3FB3]  }
0x2f: {  	lr =	sadd.s32 s0, s3;
	s0 =	sld [smem:$0x3FAA]  }
0x30: {  	s3 =	sld [smem:$0x3FAD]  }
0x31: {  	[smem:$0x3FB6] =	sst s10  }
0x32: {  	s10 =	sld [smem:$0x3FB4];
	_ =	sdelay $0x3  }
0x33: {  	p0 =	seq.s32 s10, $0x1;
	s10 =	sld [smem:$0x3FB6];
	_ =	sdelay $0x3  }
0x34: {  	[smem:$0x3FB6] =	sst s10  }
0x35: {  	s10 =	sld [smem:$0x3FB5];
	_ =	sdelay $0x3  }
0x36: {  	p1 =	seq.s32 s10, $0x1;
	s10 =	sld [smem:$0x3FB6];
	_ =	sdelay $0x3  }
0x37: {  	[smem:$0x3FB6] =	sst s10  }
0x38: {  	s10 =	sld [smem:$0x3FB7]  }
0x39: {  	_ = 	snop;
	(pc) =	sbr.ind lr, $3  }
0x3a: {  	_ = 	snop  }
0x3b: {  	_ = 	snop  }
0x3c: {  	p2 =	seq.s32 s10, $0x1;
	s10 =	sld [smem:$0x3FB6]  }
0x3d: {  	_ =	shalt  }
0x3e: {  	_ =	shalt  }
0x3f: {  	_ =	shalt  }
0x40: {  	_ =	shalt  }
0x41: {  	_ =	shalt  }
0x42: {  	_ =	shalt  }
0x43: {  	_ =	shalt  }
0x44: {  	_ =	shalt  }
0x45: {  	_ =	shalt  }
0x46: {  	_ =	shalt  }
0x47: {  	_ =	shalt  }
0x48: {  	_ =	shalt  }
0x49: {  	_ =	shalt  }
0x4a: {  	_ =	shalt  }
0x4b: {  	_ =	shalt  }
0x4c: {  	_ =	shalt  }
0x4d: {  	_ =	shalt  }
0x4e: {  	_ =	shalt  }
0x4f: {  	_ =	shalt  }
0x50: {  	_ =	shalt  }
0x51: {  	_ =	shalt  }
0x52: {  	_ =	shalt  }
0x53: {  	_ =	shalt  }
0x54: {  	_ =	shalt  }
0x55: {  	_ =	shalt  }
0x56: {  	_ =	shalt  }
0x57: {  	_ =	shalt  }
0x58: {  	_ =	shalt  }
0x59: {  	_ =	shalt  }
0x5a: {  	_ =	shalt  }
0x5b: {  	_ =	shalt  }
0x5c: {  	_ =	shalt  }
0x5d: {  	_ =	shalt  }
0x5e: {  	_ =	shalt  }
0x5f: {  	_ =	shalt  }
0x60: {  	_ =	shalt  }
0x61: {  	_ =	shalt  }
0x62: {  	_ =	shalt  }
0x63: {  	_ =	shalt  }
0x64: {  	_ =	shalt  }
0x65: {  	_ =	shalt  }
0x66: {  	_ =	shalt  }
0x67: {  	_ =	shalt  }
0x68: {  	_ =	shalt  }
0x69: {  	_ =	shalt  }
0x6a: {  	_ =	shalt  }
0x6b: {  	_ =	shalt  }
0x6c: {  	_ =	shalt  }
0x6d: {  	_ =	shalt  }
0x6e: {  	_ =	shalt  }
0x6f: {  	_ =	shalt  }
0x70: {  	_ =	shalt  }
0x71: {  	_ =	shalt  }
0x72: {  	_ =	shalt  }
0x73: {  	_ =	shalt  }
0x74: {  	_ =	shalt  }
0x75: {  	_ =	shalt  }
0x76: {  	_ =	shalt  }
0x77: {  	_ =	shalt  }
0x78: {  	_ =	shalt  }
0x79: {  	_ =	shalt  }
0x7a: {  	_ =	shalt  }
0x7b: {  	_ =	shalt  }
0x7c: {  	_ =	shalt  }
0x7d: {  	_ =	shalt  }
0x7e: {  	_ =	shalt  }
0x7f: {  	_ =	shalt  }
0x80: {  	_ =	shalt  }
0x81: {  	_ =	shalt  }
0x82: {  	_ =	shalt  }
0x83: {  	_ =	shalt  }
0x84: {  	_ =	shalt  }
0x85: {  	_ =	shalt  }
0x86: {  	_ =	shalt  }
0x87: {  	_ =	shalt  }
.Lfunc_end0:
.L_simem_size_0:
called_computation.2_lowered:
.L_overlay_start_0:
0x88: {  	s2 =	sld [smem:$0x3FD9]  }
0x89: {  	s3 =	sld [smem:$0x3FFE];
	_ =	sdelay $0x1  }
0x8a: {  	s1 =	srdreg.scid  }
0x8b: {  	s0 =	sand.u32 $0x1, s1  }
0x8c: {  	s17 =	sshll.u32 s0, $0xA;
	s2 =	sadd.s32 s3, s2  }
0x8d: {  	s2 =	sadd.s32 s2, s17  }
0x8e: {  	[smem:$0x3FC2] =	sst s2  }
0x8f: {  	_ = 	snop  }
0x90: {  	s2 =	sld [smem:$0x3FD0];
	(tm) =	ssettm $0x1  }
0x91: {  	s18 =	sld [smem:$0x3FFB];
	_ =	sdelay $0x3  }
0x92: {  	_ =	strace s18  }
0x93: {  	s3 =	sld [smem:$0x3FFC];
	_ =	sdelay $0x3  }
0x94: {  	_ =	strace s3  }
0x95: {  	s3 =	sld [smem:$0x3FFD];
	_ =	sdelay $0x3  }
0x96: {  	_ =	strace s3  }
0x97: {  	_ =	strace $0x8FFFFFFF  }
0x98: {  	s19 =	sld [smem:$0x3FDB];
	_ =	sdelay $0x1  }
0x99: {  	s4 =	simm.s32 $_scs_section_size  }
0x9a: {  	s5 =	simm.s32 $_size__tile_overlayer_lowered;
	s6 =	simm.s32 $_tile_overlayer_lowered  }
0x9b: {  	s22 =	simm.s32 $0x1BFF;
	s21 =	sshll.u32 s6, $0x1;
	s3 =	sadd.s32 s4, s19  }
0x9c: {  	s7 =	simm.s32 $0x0;
	s20 =	sshll.u32 s5, $0x1;
	s5 =	sadd.s32 s21, s3  }
0x9d: {  	[timem:s7], [sflag:s22] =	dma.local [hbm:s5], s20  }
0x9e: {  	_ =	swait.ge [sflag:s22], s20  }
0x9f: {  	s4 =	ssub.s32 $0x0, s20;
	[sflag:s22] =	ssyncset.done $0x0  }
0xa0: {  	[sflag:s22] =	ssyncadd.s32 s4;
	_ =	sdelay $0x1  }
0xa1: {  	s23 =	simm.s32 $0x1B8B  }
0xa2: {  	_ =	swait.ge [sflag:s23], $0x1  }
0xa3: {  	[sflag:s23] =	ssyncset.done $0x0  }
0xa4: {  	s25 =	simm.s32 $0x1B8E;
	s24 =	sld [smem:$0x3FFE];
	[sflag:s23] =	ssyncadd.s32 $0xFFFFFFFF  }
0xa5: {  	s26 =	simm.s32 $execute0_lowered;
	[smem:$0x3FD2] =	sst s25  }
0xa6: {  	s5 =	sshll.u32 s26, $0x1;
	_ =	strace $0x8000004C;
	[dreg:$0x1] =	wrdreg $0xFFFFFFFF  }
0xa7: {  	s28 =	simm.s32 $_size_execute0_lowered;
	s3 =	sadd.s32 s3, s5;
	[dreg:$0x0] =	wrdreg $0x0  }
0xa8: {  	s5 =	sshll.u32 s28, $0x1;
	[dreg:$0x2] =	wrdreg s3  }
0xa9: {  	[dreg:$0x3] =	wrdreg s5  }
0xaa: {  	[dreg:$0x4] =	wrdreg $0xC0  }
0xab: {  	_ =	task [dreg:s7], $0x5FFFF  }
0xac: {  	[dreg:$0x1] =	wrdreg $0xFFFFFFFF  }
0xad: {  	[dreg:$0x0] =	wrdreg $0x60  }
0xae: {  	[dreg:$0x2] =	wrdreg s24  }
0xaf: {  	[dreg:$0x3] =	wrdreg s2  }
0xb0: {  	[dreg:$0x4] =	wrdreg $0xB0000  }
0xb1: {  	[dreg:$0x5] =	wrdreg $0x9  }
0xb2: {  	_ =	task.clear_ibuf [dreg:s7], $0x6FFFF;
	_ =	strace $0x9000004C  }
0xb3: {  	s29 =	simm.s32 $0x9;
	_ =	strace $0x8000004E  }
0xb4: {  	_ =	swait.ge [sflag:s29], $0x1  }
0xb5: {  	[sflag:s29] =	ssyncadd.s32 $0xFFFFFFFF  }
0xb6: {  	_ =	strace $0x9000004E  }
0xb7: {  	_ =	sfence  }
0xb8: {  	s30 =	sld [smem:$0x0];
	_ =	sdelay $0x2  }
0xb9: {  	s31 =	sshll.u32 s1, $0xD;
	s1 =	sshrl.u32 s1, $0x2  }
0xba: {  	s3 =	sand.u32 $0x4000, s31;
	s1 =	sadd.s32 s1, s30  }
0xbb: {  	s0 =	sor.u32 s3, s0;
	s1 =	sshll.u32 s1, $0x11  }
0xbc: {  	s0 =	sor.u32 s1, s0  }
0xbd: {  	s0 =	sadd.s32 $0x8F2B, s0  }
0xbe: {  	[sflag:s0] =	ssyncadd.remote.s32 $0x1  }
0xbf: {  	_ =	sfence.sel $0xFFFF  }
0xc0: {  	[dreg:$0x0] =	wrdreg $0xFFFFFFFF;
	(pc) =	sbr.abs _section_cstart, $3  }
0xc1: {  	[dreg:$0x1] =	wrdreg $0xFFFFFFFF  }
0xc2: {  	_ =	task.clear_ibuf [dreg:s7], $0x2FFFF;
	_ =	strace $0x9FFFFFFF  }
0xc3: {  	(tm) =	ssettm $0x7FFFFFFF  }
tec
execute0_lowered:
.L_overlay_start_1:
0x0: {  	(tag) =	ssettag $0x1  }
0x1: {  	s11 =	rddreg [dreg:$0x0]  }
0x2: {  	s5 =	rddreg [dreg:$0x1]  }
0x3: {  	s0 =	srdreg.scid;
	s2 =	rddreg [dreg:$0x2]  }
0x4: {  	s1 =	stileid.u32;
	s3 =	simm.s32 $0x0;
	s12 =	simm.s32 $0x53200  }
0x5: {  	s14 =	simm.s32 $0x3;
	s15 =	simm.s32 $0x1;
	s16 =	simm.s32 $0x2  }
0x6: {  	s17 =	simm.s32 $0x80;
	s18 =	simm.s32 $0x2800;
	s19 =	simm.s32 $0x6800  }
0x7: {  	s20 =	simm.s32 $0x2700;
	s21 =	simm.s32 $0x2780;
	s22 =	simm.s32 $0x0  }
0x8: {  	s8 =	sand.u32 $0x1, s0;
	s0 =	rddreg [dreg:$0x3];
	s9 =	smul.u32 $0x50000, s1  }
0x9: {  	[smem:$0x7FF] =	sst s3;
	s13 =	smul.u32 $0x2800, s1;
	s4 =	sshll.u32 s8, $0x4  }
0xa: {  	_ =	strace $0x8000004D;
	s6 =	ssub.s32 $0x2, s8;
	s4 =	sor.u32 s1, s4  }
0xb: {  	p0 =	seq.s32 s8, $0x1;
	s10 =	sshrl.u32 s6, $0x1;
	s4 =	smul.u32 $0x2800, s4  }
0xc: {  	s31 =	sshrl.u32 s9, $0x2;
	s12 =	simm.s32 @!p0 $0x2B200;
	s10 =	ssub.s32 s6, s10  }
0xd: {  	s10 =	smax.u32 s10, $0x1;
	s7 =	sshrl.u32 s4, $0x3;
	s4 =	sadd.s32 $0x3200, s11  }
0xe: {  	s11 =	sadd.s32 s12, s11;
	s12 =	simm.s32 $0x1400;
	s5 =	sadd.s32 s5, s7  }
0xf: {  	s7 =	sadd.s32 s31, s2;
	s11 =	sadd.s32 s11, s13;
	s13 =	simm.s32 $0xA800  }
0x10: {  	v0 =	vimm.f32 $0.0e+00;
	s6 =	sadd.s32 $0xA000, s5;
	s8 =	sadd.s32 $0x280, s5;
	s9 =	sadd.s32 $0xA280, s5  }
.LBB2_1:
0x11: {  	[tilespmem:s3], [sflag:$0x1] =	stream.linear.gather [hbm4b:s5+s3], $0x1400, $0x38;
	[tilespmem:$0x1F000] =	vst v63  }
0x12: {  	s23 =	simm.s32 $0x0;
	s24 =	simm.s32 $0x200  }
0x13: {  	[tilespmem:s12], [sflag:$0x2] =	stream.linear.gather [hbm4b:s6+s3], $0x1400, $0x38;
	[tilespmem:$0x1F000] =	vst v63  }
.LBB2_2:
0x14: {  	p0 =	sne.s32 s24, $0x1E00;
	[tilespmem:s23+$0xA870] =	vst v0  }
0x15: {  	[tilespmem:s23+$0xA800] =	vst v0  }
0x16: {  	[tilespmem:s23+$0xA810] =	vst v0  }
.Ltmp0:
0x17: {  	[tilespmem:s23+$0xA820] =	vst v0;
	(pc) =	sbr.rel @p0 .LBB2_2-.Ltmp0, $4  }
0x18: {  	[tilespmem:s23+$0xA830] =	vst v0  }
0x19: {  	[tilespmem:s23+$0xA840] =	vst v0  }
0x1a: {  	[tilespmem:s23+$0xA850] =	vst v0  }
0x1b: {  	[tilespmem:s23+$0xA860] =	vst v0;
	s23 =	sshra.s32 s24, $0x2;
	s24 =	sadd.s32 $0x200, s24  }
0x1c: {  	[tilespmem:s23+$0xA870] =	vst v0  }
0x1d: {  	[tilespmem:s23+$0xA800] =	vst v0  }
0x1e: {  	[tilespmem:s23+$0xA810] =	vst v0  }
0x1f: {  	[tilespmem:s23+$0xA820] =	vst v0  }
0x20: {  	[tilespmem:s23+$0xA830] =	vst v0  }
0x21: {  	[tilespmem:s23+$0xA840] =	vst v0  }
0x22: {  	[tilespmem:s23+$0xA850] =	vst v0  }
0x23: {  	[tilespmem:s23+$0xA860] =	vst v0;
	s31 =	sadd.s32 $0x0, s7  }
0x24: {  	[spmem:s31] =	stream.linear.scatter [tilespmem:s13], [sflag:$0x3], $0x800, $0x38;
	[tilespmem:$0x1F000] =	vst v63  }
0x25: {  	s23 =	simm.s32 $0x2000;
	_ =	swait.ge [sflag:s14], $0x800  }
.LBB2_4:
0x26: {  	s24 =	sshra.s32 s23, $0x2;
	[sflag:s14] =	ssyncset.done $0x0;
	p0 =	sne.s32 s23, $0x4E000  }
.Ltmp1:
0x27: {  	s24 =	sadd.s32 s24, s7;
	[sflag:s14] =	ssyncadd.s32 $0xFFFFF800;
	(pc) =	sbr.rel @p0 .LBB2_4-.Ltmp1, $3  }
0x28: {  	[spmem:s24] =	stream.linear.scatter [tilespmem:s13], [sflag:$0x3], $0x800, $0x38;
	[tilespmem:$0x1F000] =	vst v63  }
0x29: {  	s23 =	sadd.s32 $0x2000, s23;
	_ =	sdelay $0x1  }
0x2a: {  	_ =	swait.ge [sflag:s14], $0x800  }
0x2b: {  	[sflag:s14] =	ssyncset.done $0x0  }
0x2c: {  	[sflag:s14] =	ssyncadd.s32 $0xFFFFF800  }
0x2d: {  	[bflag:$0x0] =	sbarrier.arrive $0xFFFF  }
0x2e: {  	_ =	swait.ge [sflag:s15], $0x1400  }
0x2f: {  	[sflag:s15] =	ssyncset.done $0x0  }
0x30: {  	[sflag:s15] =	ssyncadd.s32 $0xFFFFEC00  }
0x31: {  	_ =	swait.ge [sflag:s16], $0x1400  }
0x32: {  	[sflag:s16] =	ssyncset.done $0x0  }
0x33: {  	s23 =	simm.s32 $0x0;
	[sflag:s16] =	ssyncadd.s32 $0xFFFFEC00  }
0x34: {  	[tilespmem:s18], [sflag:$0x1] =	stream.indirect.gather [hbm4b:s4+s17], $0x80, s23, s17, $0xb8;
	[tilespmem:$0x1F000] =	vst v63  }
0x35: {  	_ = 	snop  }
0x36: {  	[tilespmem:s19], [sflag:$0x2] =	stream.indirect.gather [hbm4b:s4+s17], $0x80, s17, s17, $0xb8;
	[tilespmem:$0x1F000] =	vst v63  }
0x37: {  	_ =	swait.ge [sflag:s15], $0x4000  }
0x38: {  	[sflag:s15] =	ssyncset.done $0x0  }
0x39: {  	s29 =	simm.s32 $0x1400;
	[sflag:s15] =	ssyncadd.s32 $0xFFFFC000  }
0x3a: {  	[spmem:s2] =	stream.indirect.scatter.add.f32 [tilespmem:s18], [sflag:$0x3], $0x80, s29, s17, $0xb8;
	[tilespmem:$0x1F000] =	vst v63  }
0x3b: {  	_ =	swait.ge [sflag:s14], $0x4000  }
0x3c: {  	[sflag:s14] =	ssyncset.done $0x0  }
0x3d: {  	s30 =	simm.s32 $0x100;
	[sflag:s14] =	ssyncadd.s32 $0xFFFFC000  }
0x3e: {  	[tilespmem:s18], [sflag:$0x1] =	stream.indirect.gather [hbm4b:s4+s17], $0x80, s30, s17, $0xb8;
	[tilespmem:$0x1F000] =	vst v63  }
0x3f: {  	_ =	swait.ge [sflag:s16], $0x4000  }
0x40: {  	[sflag:s16] =	ssyncset.done $0x0  }
0x41: {  	s31 =	simm.s32 $0x1480;
	[sflag:s16] =	ssyncadd.s32 $0xFFFFC000  }
0x42: {  	[spmem:s2] =	stream.indirect.scatter.add.f32 [tilespmem:s19], [sflag:$0x3], $0x80, s31, s17, $0xb8;
	[tilespmem:$0x1F000] =	vst v63  }
0x43: {  	_ =	swait.ge [sflag:s14], $0x4000  }
0x44: {  	[sflag:s14] =	ssyncset.done $0x0  }
0x45: {  	s24 =	simm.s32 $0x180;
	s23 =	simm.s32 $0x400;
	[sflag:s14] =	ssyncadd.s32 $0xFFFFC000  }
.LBB2_6:
0x46: {  	[tilespmem:s19], [sflag:$0x2] =	stream.indirect.gather [hbm4b:s4+s17], $0x80, s24, s17, $0xb8;
	[tilespmem:$0x1F000] =	vst v63  }
0x47: {  	s24 =	smov.u32 s23  }
0x48: {  	p0 =	sne.s32 s23, $0x4800;
	s23 =	sadd.s32 $0x400, s23;
	_ =	swait.ge [sflag:s15], $0x4000  }
0x49: {  	s24 =	sshra.s32 s24, $0x2;
	[sflag:s15] =	ssyncset.done $0x0  }
0x4a: {  	s25 =	sadd.s32 $0x1400, s24;
	[sflag:s15] =	ssyncadd.s32 $0xFFFFC000  }
0x4b: {  	[spmem:s2] =	stream.indirect.scatter.add.f32 [tilespmem:s18], [sflag:$0x3], $0x80, s25, s17, $0xb8;
	[tilespmem:$0x1F000] =	vst v63  }
0x4c: {  	_ =	swait.ge [sflag:s14], $0x4000  }
0x4d: {  	[sflag:s14] =	ssyncset.done $0x0  }
0x4e: {  	s25 =	sadd.s32 $0x100, s24;
	[sflag:s14] =	ssyncadd.s32 $0xFFFFC000  }
0x4f: {  	[tilespmem:s18], [sflag:$0x1] =	stream.indirect.gather [hbm4b:s4+s17], $0x80, s25, s17, $0xb8;
	[tilespmem:$0x1F000] =	vst v63  }
0x50: {  	_ =	swait.ge [sflag:s16], $0x4000  }
0x51: {  	[sflag:s16] =	ssyncset.done $0x0  }
.Ltmp2:
0x52: {  	s25 =	sadd.s32 $0x1480, s24;
	[sflag:s16] =	ssyncadd.s32 $0xFFFFC000;
	(pc) =	sbr.rel @p0 .LBB2_6-.Ltmp2, $4  }
0x53: {  	[spmem:s2] =	stream.indirect.scatter.add.f32 [tilespmem:s19], [sflag:$0x3], $0x80, s25, s17, $0xb8;
	[tilespmem:$0x1F000] =	vst v63  }
0x54: {  	_ =	swait.ge [sflag:s14], $0x4000  }
0x55: {  	[sflag:s14] =	ssyncset.done $0x0  }
0x56: {  	s24 =	sadd.s32 $0x180, s24;
	[sflag:s14] =	ssyncadd.s32 $0xFFFFC000  }
0x57: {  	[tilespmem:s19], [sflag:$0x2] =	stream.indirect.gather [hbm4b:s4+s17], $0x80, s24, s17, $0xb8;
	[tilespmem:$0x1F000] =	vst v63  }
0x58: {  	_ =	swait.ge [sflag:s15], $0x4000  }
0x59: {  	[sflag:s15] =	ssyncset.done $0x0  }
0x5a: {  	[sflag:s15] =	ssyncadd.s32 $0xFFFFC000  }
0x5b: {  	[spmem:s2] =	stream.indirect.scatter.add.f32 [tilespmem:s18], [sflag:$0x3], $0x80, s20, s17, $0xb8;
	[tilespmem:$0x1F000] =	vst v63  }
0x5c: {  	_ =	swait.ge [sflag:s14], $0x4000  }
0x5d: {  	[sflag:s14] =	ssyncset.done $0x0  }
0x5e: {  	[sflag:s14] =	ssyncadd.s32 $0xFFFFC000  }
0x5f: {  	_ =	swait.ge [sflag:s16], $0x4000  }
0x60: {  	[sflag:s16] =	ssyncset.done $0x0  }
0x61: {  	[sflag:s16] =	ssyncadd.s32 $0xFFFFC000  }
0x62: {  	[spmem:s2] =	stream.indirect.scatter.add.f32 [tilespmem:s19], [sflag:$0x3], $0x80, s21, s17, $0xb8;
	[tilespmem:$0x1F000] =	vst v63  }
0x63: {  	_ =	swait.ge [sflag:s14], $0x4000  }
0x64: {  	[sflag:s14] =	ssyncset.done $0x0  }
0x65: {  	s23 =	simm.s32 $0x0;
	[sflag:s14] =	ssyncadd.s32 $0xFFFFC000  }
0x66: {  	[tilespmem:s23], [sflag:$0x3] =	stream.linear.gather [hbm4b:s8+s23], $0x1400, $0x38;
	[tilespmem:$0x1F000] =	vst v63  }
0x67: {  	_ =	swait.ge [sflag:s14], $0x1400  }
0x68: {  	[sflag:s14] =	ssyncset.done $0x0  }
0x69: {  	[sflag:s14] =	ssyncadd.s32 $0xFFFFEC00  }
0x6a: {  	[tilespmem:s12], [sflag:$0x3] =	stream.linear.gather [hbm4b:s9+s23], $0x1400, $0x38;
	[tilespmem:$0x1F000] =	vst v63  }
0x6b: {  	_ =	swait.ge [sflag:s14], $0x1400  }
0x6c: {  	[sflag:s14] =	ssyncset.done $0x0  }
0x6d: {  	[sflag:s14] =	ssyncadd.s32 $0xFFFFEC00  }
0x6e: {  	[tilespmem:s18], [sflag:$0x1] =	stream.indirect.gather [hbm4b:s4+s17], $0x80, s23, s17, $0xb8;
	[tilespmem:$0x1F000] =	vst v63  }
0x6f: {  	_ = 	snop  }
0x70: {  	[tilespmem:s19], [sflag:$0x2] =	stream.indirect.gather [hbm4b:s4+s17], $0x80, s17, s17, $0xb8;
	[tilespmem:$0x1F000] =	vst v63  }
0x71: {  	_ =	swait.ge [sflag:s15], $0x4000  }
0x72: {  	[sflag:s15] =	ssyncset.done $0x0  }
0x73: {  	s29 =	simm.s32 $0x1400;
	[sflag:s15] =	ssyncadd.s32 $0xFFFFC000  }
0x74: {  	[spmem:s2] =	stream.indirect.scatter.add.f32 [tilespmem:s18], [sflag:$0x3], $0x80, s29, s17, $0xb8;
	[tilespmem:$0x1F000] =	vst v63  }
0x75: {  	_ =	swait.ge [sflag:s14], $0x4000  }
0x76: {  	[sflag:s14] =	ssyncset.done $0x0  }
0x77: {  	s30 =	simm.s32 $0x100;
	[sflag:s14] =	ssyncadd.s32 $0xFFFFC000  }
0x78: {  	[tilespmem:s18], [sflag:$0x1] =	stream.indirect.gather [hbm4b:s4+s17], $0x80, s30, s17, $0xb8;
	[tilespmem:$0x1F000] =	vst v63  }
0x79: {  	_ =	swait.ge [sflag:s16], $0x4000  }
0x7a: {  	[sflag:s16] =	ssyncset.done $0x0  }
0x7b: {  	s31 =	simm.s32 $0x1480;
	[sflag:s16] =	ssyncadd.s32 $0xFFFFC000  }
0x7c: {  	[spmem:s2] =	stream.indirect.scatter.add.f32 [tilespmem:s19], [sflag:$0x3], $0x80, s31, s17, $0xb8;
	[tilespmem:$0x1F000] =	vst v63  }
0x7d: {  	_ =	swait.ge [sflag:s14], $0x4000  }
0x7e: {  	[sflag:s14] =	ssyncset.done $0x0  }
0x7f: {  	s24 =	simm.s32 $0x180;
	s23 =	simm.s32 $0x400;
	[sflag:s14] =	ssyncadd.s32 $0xFFFFC000  }
.LBB2_8:
0x80: {  	[tilespmem:s19], [sflag:$0x2] =	stream.indirect.gather [hbm4b:s4+s17], $0x80, s24, s17, $0xb8;
	[tilespmem:$0x1F000] =	vst v63  }
0x81: {  	s24 =	smov.u32 s23  }
0x82: {  	p0 =	sne.s32 s23, $0x4800;
	s23 =	sadd.s32 $0x400, s23;
	_ =	swait.ge [sflag:s15], $0x4000  }
0x83: {  	s24 =	sshra.s32 s24, $0x2;
	[sflag:s15] =	ssyncset.done $0x0  }
0x84: {  	s25 =	sadd.s32 $0x1400, s24;
	[sflag:s15] =	ssyncadd.s32 $0xFFFFC000  }
0x85: {  	[spmem:s2] =	stream.indirect.scatter.add.f32 [tilespmem:s18], [sflag:$0x3], $0x80, s25, s17, $0xb8;
	[tilespmem:$0x1F000] =	vst v63  }
0x86: {  	_ =	swait.ge [sflag:s14], $0x4000  }
0x87: {  	[sflag:s14] =	ssyncset.done $0x0  }
0x88: {  	s25 =	sadd.s32 $0x100, s24;
	[sflag:s14] =	ssyncadd.s32 $0xFFFFC000  }
0x89: {  	[tilespmem:s18], [sflag:$0x1] =	stream.indirect.gather [hbm4b:s4+s17], $0x80, s25, s17, $0xb8;
	[tilespmem:$0x1F000] =	vst v63  }
0x8a: {  	_ =	swait.ge [sflag:s16], $0x4000  }
0x8b: {  	[sflag:s16] =	ssyncset.done $0x0  }
.Ltmp3:
0x8c: {  	s25 =	sadd.s32 $0x1480, s24;
	[sflag:s16] =	ssyncadd.s32 $0xFFFFC000;
	(pc) =	sbr.rel @p0 .LBB2_8-.Ltmp3, $4  }
0x8d: {  	[spmem:s2] =	stream.indirect.scatter.add.f32 [tilespmem:s19], [sflag:$0x3], $0x80, s25, s17, $0xb8;
	[tilespmem:$0x1F000] =	vst v63  }
0x8e: {  	_ =	swait.ge [sflag:s14], $0x4000  }
0x8f: {  	[sflag:s14] =	ssyncset.done $0x0  }
0x90: {  	s24 =	sadd.s32 $0x180, s24;
	[sflag:s14] =	ssyncadd.s32 $0xFFFFC000  }
0x91: {  	[tilespmem:s19], [sflag:$0x2] =	stream.indirect.gather [hbm4b:s4+s17], $0x80, s24, s17, $0xb8;
	[tilespmem:$0x1F000] =	vst v63  }
0x92: {  	_ =	swait.ge [sflag:s15], $0x4000  }
0x93: {  	[sflag:s15] =	ssyncset.done $0x0  }
0x94: {  	[sflag:s15] =	ssyncadd.s32 $0xFFFFC000  }
0x95: {  	[spmem:s2] =	stream.indirect.scatter.add.f32 [tilespmem:s18], [sflag:$0x3], $0x80, s20, s17, $0xb8;
	[tilespmem:$0x1F000] =	vst v63  }
0x96: {  	_ =	swait.ge [sflag:s14], $0x4000  }
0x97: {  	[sflag:s14] =	ssyncset.done $0x0  }
0x98: {  	[sflag:s14] =	ssyncadd.s32 $0xFFFFC000  }
0x99: {  	_ =	swait.ge [sflag:s16], $0x4000  }
0x9a: {  	[sflag:s16] =	ssyncset.done $0x0  }
0x9b: {  	[sflag:s16] =	ssyncadd.s32 $0xFFFFC000  }
0x9c: {  	[spmem:s2] =	stream.indirect.scatter.add.f32 [tilespmem:s19], [sflag:$0x3], $0x80, s21, s17, $0xb8;
	[tilespmem:$0x1F000] =	vst v63  }
0x9d: {  	_ =	swait.ge [sflag:s14], $0x4000  }
0x9e: {  	s23 =	sshll.u32 s1, $0x6;
	s22 =	sadd.s32 $0x1, s22;
	[sflag:s14] =	ssyncset.done $0x0  }
0x9f: {  	s31 =	sshrl.u32 s7, $0x3;
	p0 =	sne.s32 s22, s10;
	[sflag:s14] =	ssyncadd.s32 $0xFFFFC000  }
.Ltmp4:
0xa0: {  	s23 =	sor.u32 $0x1C03, s23;
	[bflag:$0x0] =	sbarrier.arrive $0xFFFF;
	(pc) =	sbr.rel @p0 .LBB2_1-.Ltmp4, $4  }
0xa1: {  	[hbm:s11], [sflag:s23] =	dma.local [spmem:s31], $0x2800  }
0xa2: {  	_ =	swait.ge [sflag:s14], $0x2800  }
0xa3: {  	[sflag:s14] =	ssyncset.done $0x0  }
0xa4: {  	[sflag:s14] =	ssyncadd.s32 $0xFFFFD800  }
0xa5: {  	_ =	sfence.sel $0x180000  }
0xa6: {  	[bflag:$0x0] =	sbarrier.arrive $0xFFFF  }
0xa7: {  	p0 =	sne.s32 s1, $0x0;
	_ =	strace $0x9000004D  }
0xa8: {  	s0 =	sadd.s32 @!p0 $0x100000, s0;
	[bflag:$0x2] =	sbarrier.arrive $0xFFFF  }
0xa9: {  	[sflag:s0] =	ssyncadd.tile.s32 @!p0 $0x1;
	_ =	shalt  }
.Lfunc_end2:
_tile_overlayer_lowered:
.L_overlay_start_2:
0xaa: {  	(tag) =	ssettag $0x2  }
0xab: {  	s0 =	rddreg [dreg:$0x0];
	s2 =	stileid.u32  }
0xac: {  	s1 =	rddreg [dreg:$0x1];
	p0 =	sne.s32 s2, $0x0  }
0xad: {  	s3 =	rddreg [dreg:$0x2];
	[bflag:$0x3] =	sbarrier.arrive $0xFFFF;
	s2 =	simm.s32 @!p0 $0x1C03  }
0xae: {  	[timem:s3], [sflag:s2] =	dma.local @!p0 [hbm:s0], s1  }
0xaf: {  	s0 =	simm.s32 @!p0 $0x3  }
0xb0: {  	_ =	swait.ge @!p0 [sflag:s0], s1  }
0xb1: {  	s1 =	ssub.s32 @!p0 $0x0, s1;
	[sflag:s0] =	ssyncset.done @!p0 $0x0  }
0xb2: {  	[sflag:s0] =	ssyncadd.s32 @!p0 s1  }
0xb3: {  	[bflag:$0x3] =	sbarrier.arrive $0xFFFF  }
0xb4: {  	_ =	shalt  }

// kernel: kernel.8.cloned.1.call-start
scs
__scs_entry_jumppad:
0x0: {  	(pc) =	sbr.rel $0x88, $3  }
0x1: {  	(tag) =	ssettag $0x0;
	lr =	simm.s32 $0x1  }
0x2: {  	[smem:$0x3F9B] =	sst lr;
	_ =	strace $0xD0000000  }
0x3: {  	_ = 	snop  }
0x4: {  	_ = 	snop  }
0x5: {  	_ = 	snop  }
0x6: {  	_ = 	snop  }
0x7: {  	_ = 	snop  }
__scs_overlays_trampoline_lowered:
0x8: {  	[smem:$0x3FAA] =	sst s0  }
0x9: {  	[smem:$0x3FAB] =	sst s1  }
0xa: {  	[smem:$0x3FAC] =	sst s2  }
0xb: {  	[smem:$0x3FAD] =	sst s3  }
0xc: {  	[smem:$0x3FAE] =	sst s4  }
0xd: {  	[smem:$0x3FAF] =	sst s5  }
0xe: {  	[smem:$0x3FB0] =	sst s6  }
0xf: {  	[smem:$0x3FB1] =	sst s7  }
0x10: {  	[smem:$0x3FB2] =	sst s8  }
0x11: {  	[smem:$0x3FB3] =	sst s9;
	s0 =	simm.s32 @!p0 $0x0  }
0x12: {  	s1 =	sld [smem:$0x3F99];
	s0 =	simm.s32 @p0 $0x1  }
0x13: {  	[smem:$0x3FB4] =	sst s0;
	s0 =	simm.s32 @!p1 $0x0  }
0x14: {  	s2 =	sld [smem:$0x3F98];
	s0 =	simm.s32 @p1 $0x1  }
0x15: {  	[smem:$0x3FB5] =	sst s0;
	s0 =	simm.s32 @!p2 $0x0  }
0x16: {  	s3 =	sld [smem:$0x3FDB];
	s0 =	simm.s32 @p2 $0x1  }
0x17: {  	s4 =	simm.s32 $0x1BF5;
	[smem:$0x3FB7] =	sst s0  }
0x18: {  	s0 =	sld [smem:$0x3F9A];
	_ =	swait.ge [sflag:s4], $0x0  }
0x19: {  	s7 =	sld [smem:$0x3F9B]  }
0x1a: {  	s8 =	sadd.s32 $0xFFFFE003, lr  }
0x1b: {  	s9 =	sadd.s32 $0xFFFFFEF7, lr;
	s5 =	simm.s32 $0xFFFFFFFF;
	p2 =	slt.u32 s8, $0xFFFFF086  }
0x1c: {  	p1 =	slt.u32 s9, $0xF7A;
	s5 =	simm.s32 @!p2 $0x0  }
0x1d: {  	s5 =	simm.s32 @p1 $0x1;
	p0 =	seq.s32 s7, s2  }
0x1e: {  	s7 =	smul.u32 @!p0 $0xF7A, s2;
	p2 =	seq.s32 @!p0 s5, $0x0  }
0x1f: {  	s9 =	smul.u32 $0xF7A, s1;
	s8 =	simm.s32 @!p0 $0x1BF5;
	p2 =	por !p2, p0  }
0x20: {  	[sflag:s8] =	ssyncset.s32 @!p0 $0xFFFFF086;
	s6 =	sadd.s32 @!p0 s3, s7;
	s7 =	simm.s32 @!p0 $0x108  }
0x21: {  	s3 =	sadd.s32 s3, s9;
	s6 =	sadd.s32 @!p0 $0x88, s6;
	s7 =	simm.s32 @p2 $0x1082  }
0x22: {  	[simem:s7], [sflag:s8] =	dma.local @!p0 [hbm:s6], $0xF7A  }
0x23: {  	s9 =	sor.u32 $0xD0000000, s2;
	s6 =	simm.s32 $0x108;
	_ =	swait.ge @!p0 [sflag:s8], $0x0  }
0x24: {  	s3 =	sadd.s32 $0x88, s3;
	s6 =	simm.s32 @!p1 $0x1082;
	[sflag:s4] =	ssyncset.s32 $0xFFFFF086  }
0x25: {  	[simem:s6], [sflag:s4] =	dma.local [hbm:s3], $0xF7A  }
0x26: {  	[smem:$0x3F9B] =	sst s1;
	(tag) =	ssettag s2;
	_ =	strace s9  }
0x27: {  	s1 =	sld [smem:$0x3FAB]  }
0x28: {  	s2 =	sld [smem:$0x3FAC]  }
0x29: {  	s4 =	sld [smem:$0x3FAE]  }
0x2a: {  	p0 =	seq.s32 s5, $0x0;
	s5 =	sld [smem:$0x3FAF]  }
0x2b: {  	s6 =	sld [smem:$0x3FB0]  }
0x2c: {  	s7 =	sld [smem:$0x3FB1]  }
0x2d: {  	s3 =	simm.s32 $0x108;
	s8 =	sld [smem:$0x3FB2]  }
0x2e: {  	s3 =	simm.s32 @!p0 $0x1082;
	s9 =	sld [smem:$0x3FB3]  }
0x2f: {  	lr =	sadd.s32 s0, s3;
	s0 =	sld [smem:$0x3FAA]  }
0x30: {  	s3 =	sld [smem:$0x3FAD]  }
0x31: {  	[smem:$0x3FB6] =	sst s10  }
0x32: {  	s10 =	sld [smem:$0x3FB4];
	_ =	sdelay $0x3  }
0x33: {  	p0 =	seq.s32 s10, $0x1;
	s10 =	sld [smem:$0x3FB6];
	_ =	sdelay $0x3  }
0x34: {  	[smem:$0x3FB6] =	sst s10  }
0x35: {  	s10 =	sld [smem:$0x3FB5];
	_ =	sdelay $0x3  }
0x36: {  	p1 =	seq.s32 s10, $0x1;
	s10 =	sld [smem:$0x3FB6];
	_ =	sdelay $0x3  }
0x37: {  	[smem:$0x3FB6] =	sst s10  }
0x38: {  	s10 =	sld [smem:$0x3FB7]  }
0x39: {  	_ = 	snop;
	(pc) =	sbr.ind lr, $3  }
0x3a: {  	_ = 	snop  }
0x3b: {  	_ = 	snop  }
0x3c: {  	p2 =	seq.s32 s10, $0x1;
	s10 =	sld [smem:$0x3FB6]  }
0x3d: {  	_ =	shalt  }
0x3e: {  	_ =	shalt  }
0x3f: {  	_ =	shalt  }
0x40: {  	_ =	shalt  }
0x41: {  	_ =	shalt  }
0x42: {  	_ =	shalt  }
0x43: {  	_ =	shalt  }
0x44: {  	_ =	shalt  }
0x45: {  	_ =	shalt  }
0x46: {  	_ =	shalt  }
0x47: {  	_ =	shalt  }
0x48: {  	_ =	shalt  }
0x49: {  	_ =	shalt  }
0x4a: {  	_ =	shalt  }
0x4b: {  	_ =	shalt  }
0x4c: {  	_ =	shalt  }
0x4d: {  	_ =	shalt  }
0x4e: {  	_ =	shalt  }
0x4f: {  	_ =	shalt  }
0x50: {  	_ =	shalt  }
0x51: {  	_ =	shalt  }
0x52: {  	_ =	shalt  }
0x53: {  	_ =	shalt  }
0x54: {  	_ =	shalt  }
0x55: {  	_ =	shalt  }
0x56: {  	_ =	shalt  }
0x57: {  	_ =	shalt  }
0x58: {  	_ =	shalt  }
0x59: {  	_ =	shalt  }
0x5a: {  	_ =	shalt  }
0x5b: {  	_ =	shalt  }
0x5c: {  	_ =	shalt  }
0x5d: {  	_ =	shalt  }
0x5e: {  	_ =	shalt  }
0x5f: {  	_ =	shalt  }
0x60: {  	_ =	shalt  }
0x61: {  	_ =	shalt  }
0x62: {  	_ =	shalt  }
0x63: {  	_ =	shalt  }
0x64: {  	_ =	shalt  }
0x65: {  	_ =	shalt  }
0x66: {  	_ =	shalt  }
0x67: {  	_ =	shalt  }
0x68: {  	_ =	shalt  }
0x69: {  	_ =	shalt  }
0x6a: {  	_ =	shalt  }
0x6b: {  	_ =	shalt  }
0x6c: {  	_ =	shalt  }
0x6d: {  	_ =	shalt  }
0x6e: {  	_ =	shalt  }
0x6f: {  	_ =	shalt  }
0x70: {  	_ =	shalt  }
0x71: {  	_ =	shalt  }
0x72: {  	_ =	shalt  }
0x73: {  	_ =	shalt  }
0x74: {  	_ =	shalt  }
0x75: {  	_ =	shalt  }
0x76: {  	_ =	shalt  }
0x77: {  	_ =	shalt  }
0x78: {  	_ =	shalt  }
0x79: {  	_ =	shalt  }
0x7a: {  	_ =	shalt  }
0x7b: {  	_ =	shalt  }
0x7c: {  	_ =	shalt  }
0x7d: {  	_ =	shalt  }
0x7e: {  	_ =	shalt  }
0x7f: {  	_ =	shalt  }
0x80: {  	_ =	shalt  }
0x81: {  	_ =	shalt  }
0x82: {  	_ =	shalt  }
0x83: {  	_ =	shalt  }
0x84: {  	_ =	shalt  }
0x85: {  	_ =	shalt  }
0x86: {  	_ =	shalt  }
0x87: {  	_ =	shalt  }
.Lfunc_end0:
.L_simem_size_0:
called_computation_lowered:
.L_overlay_start_0:
0x88: {  	s2 =	sld [smem:$0x3FD9]  }
0x89: {  	s3 =	sld [smem:$0x3FFE];
	_ =	sdelay $0x1  }
0x8a: {  	s1 =	srdreg.scid  }
0x8b: {  	s0 =	sand.u32 $0x1, s1  }
0x8c: {  	s17 =	sshll.u32 s0, $0xA;
	s2 =	sadd.s32 s3, s2  }
0x8d: {  	s2 =	sadd.s32 s2, s17  }
0x8e: {  	[smem:$0x3FC2] =	sst s2  }
0x8f: {  	_ = 	snop  }
0x90: {  	s2 =	sld [smem:$0x3FD0];
	(tm) =	ssettm $0x1  }
0x91: {  	s18 =	sld [smem:$0x3FFB];
	_ =	sdelay $0x3  }
0x92: {  	_ =	strace s18  }
0x93: {  	s3 =	sld [smem:$0x3FFC];
	_ =	sdelay $0x3  }
0x94: {  	_ =	strace s3  }
0x95: {  	s3 =	sld [smem:$0x3FFD];
	_ =	sdelay $0x3  }
0x96: {  	_ =	strace s3  }
0x97: {  	_ =	strace $0x8FFFFFFF  }
0x98: {  	s19 =	sld [smem:$0x3FDB];
	_ =	sdelay $0x1  }
0x99: {  	s4 =	simm.s32 $_scs_section_size  }
0x9a: {  	s5 =	simm.s32 $_size__tile_overlayer_lowered;
	s6 =	simm.s32 $_tile_overlayer_lowered  }
0x9b: {  	s22 =	simm.s32 $0x1BFF;
	s21 =	sshll.u32 s6, $0x1;
	s3 =	sadd.s32 s4, s19  }
0x9c: {  	s7 =	simm.s32 $0x0;
	s20 =	sshll.u32 s5, $0x1;
	s5 =	sadd.s32 s21, s3  }
0x9d: {  	[timem:s7], [sflag:s22] =	dma.local [hbm:s5], s20  }
0x9e: {  	_ =	swait.ge [sflag:s22], s20  }
0x9f: {  	s4 =	ssub.s32 $0x0, s20;
	[sflag:s22] =	ssyncset.done $0x0  }
0xa0: {  	[sflag:s22] =	ssyncadd.s32 s4;
	_ =	sdelay $0x1  }
0xa1: {  	s23 =	simm.s32 $0x1B8B  }
0xa2: {  	_ =	swait.ge [sflag:s23], $0x1  }
0xa3: {  	[sflag:s23] =	ssyncset.done $0x0  }
0xa4: {  	s25 =	simm.s32 $0x1B8E;
	s24 =	sld [smem:$0x3FFE];
	[sflag:s23] =	ssyncadd.s32 $0xFFFFFFFF  }
0xa5: {  	s26 =	simm.s32 $execute0_lowered;
	[smem:$0x3FD2] =	sst s25  }
0xa6: {  	s5 =	sshll.u32 s26, $0x1;
	_ =	strace $0x80000046;
	[dreg:$0x1] =	wrdreg $0xFFFFFFFF  }
0xa7: {  	s28 =	simm.s32 $_size_execute0_lowered;
	s3 =	sadd.s32 s3, s5;
	[dreg:$0x0] =	wrdreg $0x0  }
0xa8: {  	s5 =	sshll.u32 s28, $0x1;
	[dreg:$0x2] =	wrdreg s3  }
0xa9: {  	[dreg:$0x3] =	wrdreg s5  }
0xaa: {  	[dreg:$0x4] =	wrdreg $0xC0  }
0xab: {  	_ =	task [dreg:s7], $0x5FFFF  }
0xac: {  	[dreg:$0x1] =	wrdreg $0xFFFFFFFF  }
0xad: {  	[dreg:$0x0] =	wrdreg $0x60  }
0xae: {  	[dreg:$0x2] =	wrdreg s2  }
0xaf: {  	[dreg:$0x3] =	wrdreg s24  }
0xb0: {  	[dreg:$0x4] =	wrdreg $0x53000  }
0xb1: {  	[dreg:$0x5] =	wrdreg $0x9  }
0xb2: {  	_ =	task.clear_ibuf [dreg:s7], $0x6FFFF;
	_ =	strace $0x90000046  }
0xb3: {  	s29 =	simm.s32 $0x9;
	_ =	strace $0x80000048  }
0xb4: {  	_ =	swait.ge [sflag:s29], $0x1  }
0xb5: {  	[sflag:s29] =	ssyncadd.s32 $0xFFFFFFFF  }
0xb6: {  	_ =	strace $0x90000048  }
0xb7: {  	_ =	sfence  }
0xb8: {  	s30 =	sld [smem:$0x0];
	_ =	sdelay $0x2  }
0xb9: {  	s31 =	sshll.u32 s1, $0xD;
	s1 =	sshrl.u32 s1, $0x2  }
0xba: {  	s3 =	sand.u32 $0x4000, s31;
	s1 =	sadd.s32 s1, s30  }
0xbb: {  	s0 =	sor.u32 s3, s0;
	s1 =	sshll.u32 s1, $0x11  }
0xbc: {  	s0 =	sor.u32 s1, s0  }
0xbd: {  	s0 =	sadd.s32 $0x8F2B, s0  }
0xbe: {  	[sflag:s0] =	ssyncadd.remote.s32 $0x1  }
0xbf: {  	_ =	sfence.sel $0xFFFF  }
0xc0: {  	[dreg:$0x0] =	wrdreg $0xFFFFFFFF;
	(pc) =	sbr.abs _section_cstart, $3  }
0xc1: {  	[dreg:$0x1] =	wrdreg $0xFFFFFFFF  }
0xc2: {  	_ =	task.clear_ibuf [dreg:s7], $0x2FFFF;
	_ =	strace $0x9FFFFFFF  }
0xc3: {  	(tm) =	ssettm $0x7FFFFFFF  }
tec
execute0_lowered:
.L_overlay_start_1:
0x0: {  	(tag) =	ssettag $0x1  }
0x1: {  	s5 =	rddreg [dreg:$0x0];
	s1 =	srdreg.scid  }
0x2: {  	s0 =	stileid.u32;
	s4 =	rddreg [dreg:$0x1]  }
0x3: {  	s2 =	rddreg [dreg:$0x2];
	s3 =	simm.s32 $0x0;
	s12 =	simm.s32 $0x100  }
0x4: {  	s13 =	simm.s32 $0x180;
	s14 =	simm.s32 $0x1;
	s15 =	simm.s32 $0x2  }
0x5: {  	s16 =	simm.s32 $0x3;
	s17 =	simm.s32 $0x4;
	s7 =	smul.u32 $0x280, s0  }
0x6: {  	s6 =	sand.u32 $0x1, s1;
	s1 =	rddreg [dreg:$0x3];
	s10 =	smul.u32 $0x5000, s0  }
0x7: {  	s20 =	simm.s32 $0x0;
	[smem:$0x7FF] =	sst s3;
	s8 =	smul.u32 $0x2800, s6  }
0x8: {  	s18 =	sshll.u32 s0, $0x6;
	s9 =	smul.u32 $0x50000, s6;
	s6 =	ssub.s32 $0x2, s6  }
0x9: {  	_ =	strace $0x80000047;
	s18 =	sor.u32 $0x1C05, s18;
	s11 =	sshrl.u32 s6, $0x1  }
0xa: {  	s8 =	sadd.s32 s7, s8;
	s9 =	sadd.s32 s10, s9;
	s30 =	ssub.s32 s6, s11  }
0xb: {  	s10 =	simm.s32 $0x80;
	s11 =	simm.s32 $0x5280;
	s8 =	sshrl.u32 s8, $0x3  }
0xc: {  	s31 =	sshrl.u32 s9, $0x3;
	s9 =	simm.s32 $0x5;
	s8 =	sadd.s32 s8, s4  }
0xd: {  	s4 =	sadd.s32 s7, s2;
	s5 =	sadd.s32 s5, s31;
	s7 =	smax.u32 s30, $0x1  }
0xe: {  	v0 =	vimm.f32 $0.0e+00;
	v1 =	vimm.f32 $1.000000000e+00;
	s6 =	sadd.s32 $0x3200, s8;
	s8 =	simm.s32 $0x5000;
	s19 =	sshrl.u32 s4, $0x3  }
.LBB2_1:
0xf: {  	[tilespmem:$0x5000] =	vst v0  }
0x10: {  	[tilespmem:$0x5010] =	vst v0  }
0x11: {  	[tilespmem:$0x5020] =	vst v0  }
0x12: {  	[tilespmem:$0x5030] =	vst v0  }
0x13: {  	[tilespmem:$0x5040] =	vst v0  }
0x14: {  	[tilespmem:$0x5050] =	vst v0  }
0x15: {  	[tilespmem:$0x5060] =	vst v0  }
0x16: {  	[tilespmem:$0x5070] =	vst v0  }
0x17: {  	[tilespmem:$0x5080] =	vst v0  }
0x18: {  	[tilespmem:$0x5090] =	vst v0  }
0x19: {  	[tilespmem:$0x50A0] =	vst v0  }
0x1a: {  	[tilespmem:$0x50B0] =	vst v0  }
0x1b: {  	[tilespmem:$0x50C0] =	vst v0  }
0x1c: {  	[tilespmem:$0x50D0] =	vst v0  }
0x1d: {  	[tilespmem:$0x50E0] =	vst v0  }
0x1e: {  	[tilespmem:$0x50F0] =	vst v0  }
0x1f: {  	[tilespmem:$0x5100] =	vst v0  }
0x20: {  	[tilespmem:$0x5110] =	vst v0  }
0x21: {  	[tilespmem:$0x5120] =	vst v0  }
0x22: {  	[tilespmem:$0x5130] =	vst v0  }
0x23: {  	[tilespmem:$0x5140] =	vst v0  }
0x24: {  	[tilespmem:$0x5150] =	vst v0  }
0x25: {  	[tilespmem:$0x5160] =	vst v0  }
0x26: {  	[tilespmem:$0x5170] =	vst v0  }
0x27: {  	[tilespmem:$0x5180] =	vst v0  }
0x28: {  	[tilespmem:$0x5190] =	vst v0  }
0x29: {  	[tilespmem:$0x51A0] =	vst v0  }
0x2a: {  	[tilespmem:$0x51B0] =	vst v0  }
0x2b: {  	[tilespmem:$0x51C0] =	vst v0  }
0x2c: {  	[tilespmem:$0x51D0] =	vst v0  }
0x2d: {  	[tilespmem:$0x51E0] =	vst v0  }
0x2e: {  	[tilespmem:$0x51F0] =	vst v0  }
0x2f: {  	[tilespmem:$0x5200] =	vst v0  }
0x30: {  	[tilespmem:$0x5210] =	vst v0  }
0x31: {  	[tilespmem:$0x5220] =	vst v0  }
0x32: {  	[tilespmem:$0x5230] =	vst v0  }
0x33: {  	[tilespmem:$0x5240] =	vst v0  }
0x34: {  	[tilespmem:$0x5250] =	vst v0  }
0x35: {  	[tilespmem:$0x5260] =	vst v0  }
0x36: {  	[tilespmem:$0x5270] =	vst v0  }
0x37: {  	[tilespmem:$0x5280] =	vst v1  }
0x38: {  	[tilespmem:$0x5290] =	vst v1  }
0x39: {  	[tilespmem:$0x52A0] =	vst v1  }
0x3a: {  	[tilespmem:$0x52B0] =	vst v1  }
0x3b: {  	[tilespmem:$0x52C0] =	vst v1  }
0x3c: {  	[tilespmem:$0x52D0] =	vst v1  }
0x3d: {  	[tilespmem:$0x52E0] =	vst v1  }
0x3e: {  	[tilespmem:$0x52F0] =	vst v1  }
0x3f: {  	[spmem:s4] =	stream.linear.scatter [tilespmem:s8], [sflag:$0x5], $0x280, $0x38;
	[tilespmem:$0x5580] =	vst v63  }
0x40: {  	_ =	swait.ge [sflag:s9], $0x280  }
0x41: {  	[sflag:s9] =	ssyncset.done $0x0  }
0x42: {  	[sflag:s9] =	ssyncadd.s32 $0xFFFFFD80  }
0x43: {  	[bflag:$0x0] =	sbarrier.arrive $0xFFFF  }
0x44: {  	[tilespmem:s3], [sflag:$0x5] =	stream.linear.gather [hbm4b:s5+s3], $0x5000, $0x38;
	[tilespmem:$0x5580] =	vst v63  }
0x45: {  	_ =	swait.ge [sflag:s9], $0x5000  }
0x46: {  	[sflag:s9] =	ssyncset.done $0x0  }
0x47: {  	[sflag:s9] =	ssyncadd.s32 $0xFFFFB000  }
0x48: {  	[spmem:s2] =	stream.indirect.scatter.add.f32 [tilespmem:s11], [sflag:$0x1], $0x1, s3, s10, $0xb8;
	[tilespmem:$0x5580] =	vst v63  }
0x49: {  	_ = 	snop  }
0x4a: {  	[spmem:s2] =	stream.indirect.scatter.add.f32 [tilespmem:s11], [sflag:$0x2], $0x1, s10, s10, $0xb8;
	[tilespmem:$0x5580] =	vst v63  }
0x4b: {  	_ = 	snop  }
0x4c: {  	[spmem:s2] =	stream.indirect.scatter.add.f32 [tilespmem:s11], [sflag:$0x3], $0x1, s12, s10, $0xb8;
	[tilespmem:$0x5580] =	vst v63  }
0x4d: {  	_ = 	snop  }
0x4e: {  	[spmem:s2] =	stream.indirect.scatter.add.f32 [tilespmem:s11], [sflag:$0x4], $0x1, s13, s10, $0xb8;
	[tilespmem:$0x5580] =	vst v63  }
0x4f: {  	_ =	swait.ge [sflag:s14], $0x80  }
0x50: {  	[sflag:s14] =	ssyncset.done $0x0  }
0x51: {  	s21 =	simm.s32 $0x200;
	[sflag:s14] =	ssyncadd.s32 $0xFFFFFF80  }
0x52: {  	[spmem:s2] =	stream.indirect.scatter.add.f32 [tilespmem:s11], [sflag:$0x1], $0x1, s21, s10, $0xb8;
	[tilespmem:$0x5580] =	vst v63  }
0x53: {  	_ =	swait.ge [sflag:s15], $0x80  }
0x54: {  	[sflag:s15] =	ssyncset.done $0x0  }
0x55: {  	s30 =	simm.s32 $0x280;
	[sflag:s15] =	ssyncadd.s32 $0xFFFFFF80  }
0x56: {  	[spmem:s2] =	stream.indirect.scatter.add.f32 [tilespmem:s11], [sflag:$0x2], $0x1, s30, s10, $0xb8;
	[tilespmem:$0x5580] =	vst v63  }
0x57: {  	_ =	swait.ge [sflag:s16], $0x80  }
0x58: {  	[sflag:s16] =	ssyncset.done $0x0  }
0x59: {  	s31 =	simm.s32 $0x300;
	[sflag:s16] =	ssyncadd.s32 $0xFFFFFF80  }
0x5a: {  	[spmem:s2] =	stream.indirect.scatter.add.f32 [tilespmem:s11], [sflag:$0x3], $0x1, s31, s10, $0xb8;
	[tilespmem:$0x5580] =	vst v63  }
0x5b: {  	_ =	swait.ge [sflag:s17], $0x80  }
0x5c: {  	[sflag:s17] =	ssyncset.done $0x0  }
0x5d: {  	s22 =	simm.s32 $0x380;
	s21 =	simm.s32 $0xFFFED000;
	[sflag:s17] =	ssyncadd.s32 $0xFFFFFF80  }
.LBB2_2:
0x5e: {  	[spmem:s2] =	stream.indirect.scatter.add.f32 [tilespmem:s11], [sflag:$0x4], $0x1, s22, s10, $0xb8;
	[tilespmem:$0x5580] =	vst v63  }
0x5f: {  	s22 =	smov.u32 s21  }
0x60: {  	p0 =	sne.s32 s21, $0xFFFFF800;
	s21 =	sadd.s32 $0x800, s21;
	_ =	swait.ge [sflag:s14], $0x80  }
0x61: {  	s22 =	sshra.s32 s22, $0x2;
	[sflag:s14] =	ssyncset.done $0x0  }
0x62: {  	s23 =	sadd.s32 $0x5000, s22;
	[sflag:s14] =	ssyncadd.s32 $0xFFFFFF80  }
0x63: {  	[spmem:s2] =	stream.indirect.scatter.add.f32 [tilespmem:s11], [sflag:$0x1], $0x1, s23, s10, $0xb8;
	[tilespmem:$0x5580] =	vst v63  }
0x64: {  	_ =	swait.ge [sflag:s15], $0x80  }
0x65: {  	[sflag:s15] =	ssyncset.done $0x0  }
0x66: {  	s23 =	sadd.s32 $0x5080, s22;
	[sflag:s15] =	ssyncadd.s32 $0xFFFFFF80  }
0x67: {  	[spmem:s2] =	stream.indirect.scatter.add.f32 [tilespmem:s11], [sflag:$0x2], $0x1, s23, s10, $0xb8;
	[tilespmem:$0x5580] =	vst v63  }
0x68: {  	_ =	swait.ge [sflag:s16], $0x80  }
0x69: {  	[sflag:s16] =	ssyncset.done $0x0  }
.Ltmp0:
0x6a: {  	s23 =	sadd.s32 $0x5100, s22;
	[sflag:s16] =	ssyncadd.s32 $0xFFFFFF80;
	(pc) =	sbr.rel @p0 .LBB2_2-.Ltmp0, $4  }
0x6b: {  	[spmem:s2] =	stream.indirect.scatter.add.f32 [tilespmem:s11], [sflag:$0x3], $0x1, s23, s10, $0xb8;
	[tilespmem:$0x5580] =	vst v63  }
0x6c: {  	_ =	swait.ge [sflag:s17], $0x80  }
0x6d: {  	[sflag:s17] =	ssyncset.done $0x0  }
0x6e: {  	s22 =	sadd.s32 $0x5180, s22;
	[sflag:s17] =	ssyncadd.s32 $0xFFFFFF80  }
0x6f: {  	[spmem:s2] =	stream.indirect.scatter.add.f32 [tilespmem:s11], [sflag:$0x4], $0x1, s22, s10, $0xb8;
	[tilespmem:$0x5580] =	vst v63  }
0x70: {  	_ =	swait.ge [sflag:s14], $0x80  }
0x71: {  	[sflag:s14] =	ssyncset.done $0x0  }
0x72: {  	[sflag:s14] =	ssyncadd.s32 $0xFFFFFF80  }
0x73: {  	_ =	swait.ge [sflag:s15], $0x80  }
0x74: {  	[sflag:s15] =	ssyncset.done $0x0  }
0x75: {  	[sflag:s15] =	ssyncadd.s32 $0xFFFFFF80  }
0x76: {  	_ =	swait.ge [sflag:s16], $0x80  }
0x77: {  	[sflag:s16] =	ssyncset.done $0x0  }
0x78: {  	[sflag:s16] =	ssyncadd.s32 $0xFFFFFF80  }
0x79: {  	_ =	swait.ge [sflag:s17], $0x80  }
0x7a: {  	s20 =	sadd.s32 $0x1, s20;
	[sflag:s17] =	ssyncset.done $0x0  }
0x7b: {  	p0 =	sne.s32 s20, s7;
	[sflag:s17] =	ssyncadd.s32 $0xFFFFFF80  }
.Ltmp1:
0x7c: {  	[bflag:$0x0] =	sbarrier.arrive $0xFFFF;
	(pc) =	sbr.rel @p0 .LBB2_1-.Ltmp1, $4  }
0x7d: {  	[hbm:s6], [sflag:s18] =	dma.local [spmem:s19], $0x50  }
0x7e: {  	_ =	swait.ge [sflag:s9], $0x50  }
0x7f: {  	[sflag:s9] =	ssyncset.done $0x0  }
0x80: {  	[sflag:s9] =	ssyncadd.s32 $0xFFFFFFB0  }
0x81: {  	_ =	sfence.sel $0x180000  }
0x82: {  	[bflag:$0x0] =	sbarrier.arrive $0xFFFF  }
0x83: {  	p0 =	sne.s32 s0, $0x0;
	_ =	strace $0x90000047  }
0x84: {  	s0 =	sadd.s32 @!p0 $0x100000, s1;
	[bflag:$0x2] =	sbarrier.arrive $0xFFFF  }
0x85: {  	[sflag:s0] =	ssyncadd.tile.s32 @!p0 $0x1;
	_ =	shalt  }
.Lfunc_end2:
_tile_overlayer_lowered:
.L_overlay_start_2:
0x86: {  	(tag) =	ssettag $0x2  }
0x87: {  	s0 =	rddreg [dreg:$0x0];
	s2 =	stileid.u32  }
0x88: {  	s1 =	rddreg [dreg:$0x1];
	p0 =	sne.s32 s2, $0x0  }
0x89: {  	s3 =	rddreg [dreg:$0x2];
	[bflag:$0x3] =	sbarrier.arrive $0xFFFF;
	s2 =	simm.s32 @!p0 $0x1C05  }
0x8a: {  	[timem:s3], [sflag:s2] =	dma.local @!p0 [hbm:s0], s1  }
0x8b: {  	s0 =	simm.s32 @!p0 $0x5  }
0x8c: {  	_ =	swait.ge @!p0 [sflag:s0], s1  }
0x8d: {  	s1 =	ssub.s32 @!p0 $0x0, s1;
	[sflag:s0] =	ssyncset.done @!p0 $0x0  }
0x8e: {  	[sflag:s0] =	ssyncadd.s32 @!p0 s1  }
0x8f: {  	[bflag:$0x3] =	sbarrier.arrive $0xFFFF  }
0x90: {  	_ =	shalt  }

</sc_bundles>
